<compile_context>
chip_gen: v7x
topology: tpu7x:2x2x1
jax: 0.10.2.dev20260603
libtpu: 0.0.44.dev20260713+nightly
codegen_flags: <defaults>
</compile_context>

<pallas_src>
import functools

import jax
import jax.numpy as jnp
from jax import lax
from jax.experimental import pallas as pl
from jax.experimental.pallas import tpu as pltpu
from jax.experimental.pallas import tpu_sc as plsc

_CH = 32


def _embed_lookup(xu2, xi2, tu, ti, *, batch, dim):
    info = plsc.get_sparse_core_info()
    n_workers = info.num_cores * info.num_subcores
    b_per_w = batch // n_workers
    n_ch = b_per_w // _CH

    mesh = plsc.VectorSubcoreMesh(core_axis_name="c", subcore_axis_name="s")

    @functools.partial(
        pl.kernel,
        mesh=mesh,
        out_type=(
            jax.ShapeDtypeStruct((batch, dim), jnp.float32),
            jax.ShapeDtypeStruct((batch, dim), jnp.float32),
        ),
        scratch_types=[
            pltpu.VMEM((b_per_w,), jnp.int32),
            pltpu.VMEM((b_per_w,), jnp.int32),
            pltpu.VMEM((b_per_w + b_per_w // 2, dim), jnp.float32),
            pltpu.SemaphoreType.DMA,
        ],
    )
    def k(xu_hbm, xi_hbm, tu_hbm, ti_hbm, yu_hbm, yi_hbm,
          xu_v, xi_v, rows_v, sem):
        wid = lax.axis_index("s") * info.num_cores + lax.axis_index("c")
        base = wid * b_per_w

        pltpu.async_copy(xu_hbm.at[wid], xu_v, sem).wait()
        pltpu.async_copy(xi_hbm.at[wid], xi_v, sem).wait()

        half = b_per_w // 2

        def make_body(t_hbm, x_v, x_off, buf_off):
            def body(c, carry):
                off = c * _CH
                for g in range(_CH // 16):
                    vec = x_v[pl.ds(x_off + off + g * 16, 16)]
                    for l in range(16):
                        pltpu.async_copy(
                            t_hbm.at[pl.ds(vec[l], 1)],
                            rows_v.at[pl.ds(buf_off + off + g * 16 + l, 1)],
                            sem,
                        )
                return carry
            return body

        def drain(n_rows):
            pltpu.make_async_copy(
                yu_hbm.at[pl.ds(base, n_rows)],
                rows_v.at[pl.ds(0, n_rows)],
                sem,
            ).wait()

        lax.fori_loop(0, n_ch, make_body(tu_hbm, xu_v, 0, 0), 0)
        lax.fori_loop(0, half // _CH, make_body(ti_hbm, xi_v, 0, b_per_w), 0)
        drain(b_per_w + half)
        pltpu.async_copy(
            rows_v.at[pl.ds(0, b_per_w)],
            yu_hbm.at[pl.ds(base, b_per_w)], sem,
        )
        lax.fori_loop(0, half // _CH, make_body(ti_hbm, xi_v, half, 0), 0)
        drain(b_per_w)
        drain(half)
        pltpu.async_copy(
            rows_v.at[pl.ds(b_per_w, half)],
            yi_hbm.at[pl.ds(base, half)], sem,
        ).wait()
        pltpu.async_copy(
            rows_v.at[pl.ds(0, half)],
            yi_hbm.at[pl.ds(base + half, half)], sem,
        ).wait()

    return k(xu2, xi2, tu, ti)


def kernel(x_user, x_item, table_user, table_item):
    batch = x_user.shape[0]
    dim = table_user.shape[1]
    info = plsc.get_sparse_core_info()
    n_workers = info.num_cores * info.num_subcores
    b_per_w = batch // n_workers

    xu2 = x_user.astype(jnp.int32).reshape(n_workers, b_per_w)
    xi2 = x_item.astype(jnp.int32).reshape(n_workers, b_per_w)
    return _embed_lookup(xu2, xi2, table_user, table_item,
                         batch=batch, dim=dim)

# --- scband reference (transcript-rebuilt; emitter-appended) ---
"""Pipeline reference for scband-feat-embed-22247930593806 (READ-ONLY COPY).

The authoritative reference and input builder live on the scoring server;
editing this copy changes nothing except your own understanding.
"""

import jax, jax.numpy as jnp
import numpy as np

NUM_USER = 1000000
NUM_ITEM = 100000
EMBED_DIM = 64
BATCH = 16384

def setup_inputs(seed: int = 0) -> dict:
    key = jax.random.key(seed)
    k1, k2, k3, k4 = jax.random.split(key, 4)
    x_user = jax.random.randint(k1, (BATCH,), 0, NUM_USER, dtype=jnp.int64 if jax.config.jax_enable_x64 else jnp.int32)
    x_item = jax.random.randint(k2, (BATCH,), 0, NUM_ITEM, dtype=jnp.int64 if jax.config.jax_enable_x64 else jnp.int32)
    # Learned parameters: one embedding table per node type (nn.Embedding default init ~ N(0,1))
    table_user = jax.random.normal(k3, (NUM_USER, EMBED_DIM), dtype=jnp.float32)
    table_item = jax.random.normal(k4, (NUM_ITEM, EMBED_DIM), dtype=jnp.float32)
    return {"x_user": x_user, "x_item": x_item, "table_user": table_user, "table_item": table_item}

def reference(x_user, x_item, table_user, table_item):
    # FeatEmbed.forward: per-type embedding lookup (x_dict types all present in embeds)
    y_user = jnp.take(table_user, x_user, axis=0)
    y_item = jnp.take(table_item, x_item, axis=0)
    return (y_user, y_item)

if __name__ == "__main__":
    import jax
    _d = setup_inputs()
    print(jax.jit(kernel)(*tuple(_d.values())))

</pallas_src>

<mosaic_0001>
#map = affine_map<(d0, d1) -> (0, 0)>
module attributes {stable_mosaic.version = 14 : i64} {
  func.func @k(%arg0: i32, %arg1: i32, %arg2: memref<32x512xi32, #tpu.memory_space<hbm>>, %arg3: memref<32x512xi32, #tpu.memory_space<hbm>>, %arg4: memref<1000000x64xf32, #tpu.memory_space<hbm>>, %arg5: memref<100000x64xf32, #tpu.memory_space<hbm>>, %arg6: memref<16384x64xf32, #tpu.memory_space<hbm>>, %arg7: memref<16384x64xf32, #tpu.memory_space<hbm>>, %arg8: memref<512xi32, #tpu.memory_space<vmem>>, %arg9: memref<512xi32, #tpu.memory_space<vmem>>, %arg10: memref<768x64xf32, #tpu.memory_space<vmem>>, %arg11: memref<!tpu.dma_semaphore, #tpu.memory_space<semaphore_mem>>) attributes {dimension_semantics = [#tpu.dimension_semantics<core_parallel>, #tpu.dimension_semantics<subcore_parallel>], iteration_bounds = array<i64: 2, 16>, scalar_prefetch = 0 : i64, scratch_operands = 4 : i64, tpu.core_type = #tpu.core_type<sc_vector_subcore>, window_params = [{transform_indices = #map}, {transform_indices = #map}, {transform_indices = #map}, {transform_indices = #map}, {transform_indices = #map}, {transform_indices = #map}]} {
    %mul3A = arith.constant 2 : i32
    %mul3A_0 = arith.muli %arg1, %mul3A : i32
    %add3A = arith.addi %mul3A_0, %arg0 : i32
    %mul3A_1 = arith.constant 512 : i32
    %mul3A_2 = arith.muli %add3A, %mul3A_1 : i32
    %dma_start3A = arith.constant 0 : i32
    %dma_start3A_3 = tpu.memref_slice %arg2[%add3A, %dma_start3A] : memref<32x512xi32, #tpu.memory_space<hbm>> -> memref<1x512xi32, #tpu.memory_space<hbm>>
    %dma_start3A_4 = tpu.memref_squeeze %dma_start3A_3 : memref<1x512xi32, #tpu.memory_space<hbm>> -> memref<512xi32, #tpu.memory_space<hbm>>
    %dma_start3A_5 = arith.constant 0 : i32
    %dma_start3A_6 = tpu.memref_slice %arg2[%add3A, %dma_start3A_5] : memref<32x512xi32, #tpu.memory_space<hbm>> -> memref<1x512xi32, #tpu.memory_space<hbm>>
    %dma_start3A_7 = tpu.memref_squeeze %dma_start3A_6 : memref<1x512xi32, #tpu.memory_space<hbm>> -> memref<512xi32, #tpu.memory_space<hbm>>
    tpu.enqueue_dma source(%dma_start3A_7 : memref<512xi32, #tpu.memory_space<hbm>>) target(%arg8 : memref<512xi32, #tpu.memory_space<vmem>>) target_semaphore(%arg11 : memref<!tpu.dma_semaphore, #tpu.memory_space<semaphore_mem>>)
    %dma_wait3A = arith.constant 0 : i32
    %dma_wait3A_8 = tpu.memref_slice %arg2[%add3A, %dma_wait3A] : memref<32x512xi32, #tpu.memory_space<hbm>> -> memref<1x512xi32, #tpu.memory_space<hbm>>
    %dma_wait3A_9 = tpu.memref_squeeze %dma_wait3A_8 : memref<1x512xi32, #tpu.memory_space<hbm>> -> memref<512xi32, #tpu.memory_space<hbm>>
    %dma_wait3A_10 = arith.constant 0 : i32
    %dma_wait3A_11 = tpu.memref_slice %arg2[%add3A, %dma_wait3A_10] : memref<32x512xi32, #tpu.memory_space<hbm>> -> memref<1x512xi32, #tpu.memory_space<hbm>>
    %dma_wait3A_12 = tpu.memref_squeeze %dma_wait3A_11 : memref<1x512xi32, #tpu.memory_space<hbm>> -> memref<512xi32, #tpu.memory_space<hbm>>
    tpu.wait_dma2 semaphore(%arg11 : memref<!tpu.dma_semaphore, #tpu.memory_space<semaphore_mem>>) src(%dma_wait3A_12 : memref<512xi32, #tpu.memory_space<hbm>>) dst(%arg8 : memref<512xi32, #tpu.memory_space<vmem>>)
    %dma_start3A_13 = arith.constant 0 : i32
    %dma_start3A_14 = tpu.memref_slice %arg3[%add3A, %dma_start3A_13] : memref<32x512xi32, #tpu.memory_space<hbm>> -> memref<1x512xi32, #tpu.memory_space<hbm>>
    %dma_start3A_15 = tpu.memref_squeeze %dma_start3A_14 : memref<1x512xi32, #tpu.memory_space<hbm>> -> memref<512xi32, #tpu.memory_space<hbm>>
    %dma_start3A_16 = arith.constant 0 : i32
    %dma_start3A_17 = tpu.memref_slice %arg3[%add3A, %dma_start3A_16] : memref<32x512xi32, #tpu.memory_space<hbm>> -> memref<1x512xi32, #tpu.memory_space<hbm>>
    %dma_start3A_18 = tpu.memref_squeeze %dma_start3A_17 : memref<1x512xi32, #tpu.memory_space<hbm>> -> memref<512xi32, #tpu.memory_space<hbm>>
    tpu.enqueue_dma source(%dma_start3A_18 : memref<512xi32, #tpu.memory_space<hbm>>) target(%arg9 : memref<512xi32, #tpu.memory_space<vmem>>) target_semaphore(%arg11 : memref<!tpu.dma_semaphore, #tpu.memory_space<semaphore_mem>>)
    %dma_wait3A_19 = arith.constant 0 : i32
    %dma_wait3A_20 = tpu.memref_slice %arg3[%add3A, %dma_wait3A_19] : memref<32x512xi32, #tpu.memory_space<hbm>> -> memref<1x512xi32, #tpu.memory_space<hbm>>
    %dma_wait3A_21 = tpu.memref_squeeze %dma_wait3A_20 : memref<1x512xi32, #tpu.memory_space<hbm>> -> memref<512xi32, #tpu.memory_space<hbm>>
    %dma_wait3A_22 = arith.constant 0 : i32
    %dma_wait3A_23 = tpu.memref_slice %arg3[%add3A, %dma_wait3A_22] : memref<32x512xi32, #tpu.memory_space<hbm>> -> memref<1x512xi32, #tpu.memory_space<hbm>>
    %dma_wait3A_24 = tpu.memref_squeeze %dma_wait3A_23 : memref<1x512xi32, #tpu.memory_space<hbm>> -> memref<512xi32, #tpu.memory_space<hbm>>
    tpu.wait_dma2 semaphore(%arg11 : memref<!tpu.dma_semaphore, #tpu.memory_space<semaphore_mem>>) src(%dma_wait3A_24 : memref<512xi32, #tpu.memory_space<hbm>>) dst(%arg9 : memref<512xi32, #tpu.memory_space<vmem>>)
    %scan3A = arith.constant 0 : i32
    %scan3A_25 = arith.constant 0 : i32
    %scan3A_26 = arith.constant 16 : i32
    %scan3A_27 = arith.addi %scan3A_25, %scan3A_26 : i32
    %scan3A_28 = arith.constant 1 : i32
    scf.for %scan3A_124 = %scan3A_25 to %scan3A_27 step %scan3A_28  : i32 {
      %mul3A_125 = arith.constant 32 : i32
      %mul3A_126 = arith.muli %scan3A_124, %mul3A_125 : i32
      %add3A_127 = arith.constant 0 : i32
      %add3A_128 = arith.addi %add3A_127, %mul3A_126 : i32
      %add3A_129 = arith.constant 0 : i32
      %add3A_130 = arith.addi %add3A_128, %add3A_129 : i32
      %get3A = arith.index_cast %add3A_130 : i32 to index
      %get3A_131 = tpu.vector_load %arg8[%get3A] {strides = array<i32>} : memref<512xi32, #tpu.memory_space<vmem>>, vector<16xi32>,
      %get3A_132 = vector.shape_cast %get3A_131 : vector<16xi32> to vector<16xi32>
      %slice3A = vector.extract_strided_slice %get3A_132 {offsets = [0], sizes = [1], strides = [1]} : vector<16xi32> to vector<1xi32>
      %squeeze3A = vector.extract %slice3A[0] : i32 from vector<1xi32>
      %add3A_133 = arith.constant 0 : i32
      %add3A_134 = arith.addi %add3A_133, %mul3A_126 : i32
      %add3A_135 = arith.constant 0 : i32
      %add3A_136 = arith.addi %add3A_134, %add3A_135 : i32
      %add3A_137 = arith.constant 0 : i32
      %add3A_138 = arith.addi %add3A_136, %add3A_137 : i32
      %dma_start3A_139 = arith.constant 0 : i32
      %dma_start3A_140 = tpu.memref_slice %arg10[%add3A_138, %dma_start3A_139] : memref<768x64xf32, #tpu.memory_space<vmem>> -> memref<1x64xf32, #tpu.memory_space<vmem>>
      %dma_start3A_141 = arith.constant 0 : i32
      %dma_start3A_142 = tpu.memref_slice %arg4[%squeeze3A, %dma_start3A_141] : memref<1000000x64xf32, #tpu.memory_space<hbm>> -> memref<1x64xf32, #tpu.memory_space<hbm>>
      %dma_start3A_143 = arith.constant 0 : i32
      %dma_start3A_144 = tpu.memref_slice %arg10[%add3A_138, %dma_start3A_143] : memref<768x64xf32, #tpu.memory_space<vmem>> -> memref<1x64xf32, #tpu.memory_space<vmem>>
      %dma_start3A_145 = arith.constant 0 : i32
      %dma_start3A_146 = tpu.memref_slice %arg4[%squeeze3A, %dma_start3A_145] : memref<1000000x64xf32, #tpu.memory_space<hbm>> -> memref<1x64xf32, #tpu.memory_space<hbm>>
      tpu.enqueue_dma source(%dma_start3A_146 : memref<1x64xf32, #tpu.memory_space<hbm>>) target(%dma_start3A_144 : memref<1x64xf32, #tpu.memory_space<vmem>>) target_semaphore(%arg11 : memref<!tpu.dma_semaphore, #tpu.memory_space<semaphore_mem>>)
      %slice3A_147 = vector.extract_strided_slice %get3A_132 {offsets = [1], sizes = [1], strides = [1]} : vector<16xi32> to vector<1xi32>
      %squeeze3A_148 = vector.extract %slice3A_147[0] : i32 from vector<1xi32>
      %add3A_149 = arith.constant 0 : i32
      %add3A_150 = arith.addi %add3A_149, %mul3A_126 : i32
      %add3A_151 = arith.constant 0 : i32
      %add3A_152 = arith.addi %add3A_150, %add3A_151 : i32
      %add3A_153 = arith.constant 1 : i32
      %add3A_154 = arith.addi %add3A_152, %add3A_153 : i32
      %dma_start3A_155 = arith.constant 0 : i32
      %dma_start3A_156 = tpu.memref_slice %arg10[%add3A_154, %dma_start3A_155] : memref<768x64xf32, #tpu.memory_space<vmem>> -> memref<1x64xf32, #tpu.memory_space<vmem>>
      %dma_start3A_157 = arith.constant 0 : i32
      %dma_start3A_158 = tpu.memref_slice %arg4[%squeeze3A_148, %dma_start3A_157] : memref<1000000x64xf32, #tpu.memory_space<hbm>> -> memref<1x64xf32, #tpu.memory_space<hbm>>
      %dma_start3A_159 = arith.constant 0 : i32
      %dma_start3A_160 = tpu.memref_slice %arg10[%add3A_154, %dma_start3A_159] : memref<768x64xf32, #tpu.memory_space<vmem>> -> memref<1x64xf32, #tpu.memory_space<vmem>>
      %dma_start3A_161 = arith.constant 0 : i32
      %dma_start3A_162 = tpu.memref_slice %arg4[%squeeze3A_148, %dma_start3A_161] : memref<1000000x64xf32, #tpu.memory_space<hbm>> -> memref<1x64xf32, #tpu.memory_space<hbm>>
      tpu.enqueue_dma source(%dma_start3A_162 : memref<1x64xf32, #tpu.memory_space<hbm>>) target(%dma_start3A_160 : memref<1x64xf32, #tpu.memory_space<vmem>>) target_semaphore(%arg11 : memref<!tpu.dma_semaphore, #tpu.memory_space<semaphore_mem>>)
      %slice3A_163 = vector.extract_strided_slice %get3A_132 {offsets = [2], sizes = [1], strides = [1]} : vector<16xi32> to vector<1xi32>
      %squeeze3A_164 = vector.extract %slice3A_163[0] : i32 from vector<1xi32>
      %add3A_165 = arith.constant 0 : i32
      %add3A_166 = arith.addi %add3A_165, %mul3A_126 : i32
      %add3A_167 = arith.constant 0 : i32
      %add3A_168 = arith.addi %add3A_166, %add3A_167 : i32
      %add3A_169 = arith.constant 2 : i32
      %add3A_170 = arith.addi %add3A_168, %add3A_169 : i32
      %dma_start3A_171 = arith.constant 0 : i32
      %dma_start3A_172 = tpu.memref_slice %arg10[%add3A_170, %dma_start3A_171] : memref<768x64xf32, #tpu.memory_space<vmem>> -> memref<1x64xf32, #tpu.memory_space<vmem>>
      %dma_start3A_173 = arith.constant 0 : i32
      %dma_start3A_174 = tpu.memref_slice %arg4[%squeeze3A_164, %dma_start3A_173] : memref<1000000x64xf32, #tpu.memory_space<hbm>> -> memref<1x64xf32, #tpu.memory_space<hbm>>
      %dma_start3A_175 = arith.constant 0 : i32
      %dma_start3A_176 = tpu.memref_slice %arg10[%add3A_170, %dma_start3A_175] : memref<768x64xf32, #tpu.memory_space<vmem>> -> memref<1x64xf32, #tpu.memory_space<vmem>>
      %dma_start3A_177 = arith.constant 0 : i32
      %dma_start3A_178 = tpu.memref_slice %arg4[%squeeze3A_164, %dma_start3A_177] : memref<1000000x64xf32, #tpu.memory_space<hbm>> -> memref<1x64xf32, #tpu.memory_space<hbm>>
      tpu.enqueue_dma source(%dma_start3A_178 : memref<1x64xf32, #tpu.memory_space<hbm>>) target(%dma_start3A_176 : memref<1x64xf32, #tpu.memory_space<vmem>>) target_semaphore(%arg11 : memref<!tpu.dma_semaphore, #tpu.memory_space<semaphore_mem>>)
      %slice3A_179 = vector.extract_strided_slice %get3A_132 {offsets = [3], sizes = [1], strides = [1]} : vector<16xi32> to vector<1xi32>
      %squeeze3A_180 = vector.extract %slice3A_179[0] : i32 from vector<1xi32>
      %add3A_181 = arith.constant 0 : i32
      %add3A_182 = arith.addi %add3A_181, %mul3A_126 : i32
      %add3A_183 = arith.constant 0 : i32
      %add3A_184 = arith.addi %add3A_182, %add3A_183 : i32
      %add3A_185 = arith.constant 3 : i32
      %add3A_186 = arith.addi %add3A_184, %add3A_185 : i32
      %dma_start3A_187 = arith.constant 0 : i32
      %dma_start3A_188 = tpu.memref_slice %arg10[%add3A_186, %dma_start3A_187] : memref<768x64xf32, #tpu.memory_space<vmem>> -> memref<1x64xf32, #tpu.memory_space<vmem>>
      %dma_start3A_189 = arith.constant 0 : i32
      %dma_start3A_190 = tpu.memref_slice %arg4[%squeeze3A_180, %dma_start3A_189] : memref<1000000x64xf32, #tpu.memory_space<hbm>> -> memref<1x64xf32, #tpu.memory_space<hbm>>
      %dma_start3A_191 = arith.constant 0 : i32
      %dma_start3A_192 = tpu.memref_slice %arg10[%add3A_186, %dma_start3A_191] : memref<768x64xf32, #tpu.memory_space<vmem>> -> memref<1x64xf32, #tpu.memory_space<vmem>>
      %dma_start3A_193 = arith.constant 0 : i32
      %dma_start3A_194 = tpu.memref_slice %arg4[%squeeze3A_180, %dma_start3A_193] : memref<1000000x64xf32, #tpu.memory_space<hbm>> -> memref<1x64xf32, #tpu.memory_space<hbm>>
      tpu.enqueue_dma source(%dma_start3A_194 : memref<1x64xf32, #tpu.memory_space<hbm>>) target(%dma_start3A_192 : memref<1x64xf32, #tpu.memory_space<vmem>>) target_semaphore(%arg11 : memref<!tpu.dma_semaphore, #tpu.memory_space<semaphore_mem>>)
      %slice3A_195 = vector.extract_strided_slice %get3A_132 {offsets = [4], sizes = [1], strides = [1]} : vector<16xi32> to vector<1xi32>
      %squeeze3A_196 = vector.extract %slice3A_195[0] : i32 from vector<1xi32>
      %add3A_197 = arith.constant 0 : i32
      %add3A_198 = arith.addi %add3A_197, %mul3A_126 : i32
      %add3A_199 = arith.constant 0 : i32
      %add3A_200 = arith.addi %add3A_198, %add3A_199 : i32
      %add3A_201 = arith.constant 4 : i32
      %add3A_202 = arith.addi %add3A_200, %add3A_201 : i32
      %dma_start3A_203 = arith.constant 0 : i32
      %dma_start3A_204 = tpu.memref_slice %arg10[%add3A_202, %dma_start3A_203] : memref<768x64xf32, #tpu.memory_space<vmem>> -> memref<1x64xf32, #tpu.memory_space<vmem>>
      %dma_start3A_205 = arith.constant 0 : i32
      %dma_start3A_206 = tpu.memref_slice %arg4[%squeeze3A_196, %dma_start3A_205] : memref<1000000x64xf32, #tpu.memory_space<hbm>> -> memref<1x64xf32, #tpu.memory_space<hbm>>
      %dma_start3A_207 = arith.constant 0 : i32
      %dma_start3A_208 = tpu.memref_slice %arg10[%add3A_202, %dma_start3A_207] : memref<768x64xf32, #tpu.memory_space<vmem>> -> memref<1x64xf32, #tpu.memory_space<vmem>>
      %dma_start3A_209 = arith.constant 0 : i32
      %dma_start3A_210 = tpu.memref_slice %arg4[%squeeze3A_196, %dma_start3A_209] : memref<1000000x64xf32, #tpu.memory_space<hbm>> -> memref<1x64xf32, #tpu.memory_space<hbm>>
      tpu.enqueue_dma source(%dma_start3A_210 : memref<1x64xf32, #tpu.memory_space<hbm>>) target(%dma_start3A_208 : memref<1x64xf32, #tpu.memory_space<vmem>>) target_semaphore(%arg11 : memref<!tpu.dma_semaphore, #tpu.memory_space<semaphore_mem>>)
      %slice3A_211 = vector.extract_strided_slice %get3A_132 {offsets = [5], sizes = [1], strides = [1]} : vector<16xi32> to vector<1xi32>
      %squeeze3A_212 = vector.extract %slice3A_211[0] : i32 from vector<1xi32>
      %add3A_213 = arith.constant 0 : i32
      %add3A_214 = arith.addi %add3A_213, %mul3A_126 : i32
      %add3A_215 = arith.constant 0 : i32
      %add3A_216 = arith.addi %add3A_214, %add3A_215 : i32
      %add3A_217 = arith.constant 5 : i32
      %add3A_218 = arith.addi %add3A_216, %add3A_217 : i32
      %dma_start3A_219 = arith.constant 0 : i32
      %dma_start3A_220 = tpu.memref_slice %arg10[%add3A_218, %dma_start3A_219] : memref<768x64xf32, #tpu.memory_space<vmem>> -> memref<1x64xf32, #tpu.memory_space<vmem>>
      %dma_start3A_221 = arith.constant 0 : i32
      %dma_start3A_222 = tpu.memref_slice %arg4[%squeeze3A_212, %dma_start3A_221] : memref<1000000x64xf32, #tpu.memory_space<hbm>> -> memref<1x64xf32, #tpu.memory_space<hbm>>
      %dma_start3A_223 = arith.constant 0 : i32
      %dma_start3A_224 = tpu.memref_slice %arg10[%add3A_218, %dma_start3A_223] : memref<768x64xf32, #tpu.memory_space<vmem>> -> memref<1x64xf32, #tpu.memory_space<vmem>>
      %dma_start3A_225 = arith.constant 0 : i32
      %dma_start3A_226 = tpu.memref_slice %arg4[%squeeze3A_212, %dma_start3A_225] : memref<1000000x64xf32, #tpu.memory_space<hbm>> -> memref<1x64xf32, #tpu.memory_space<hbm>>
      tpu.enqueue_dma source(%dma_start3A_226 : memref<1x64xf32, #tpu.memory_space<hbm>>) target(%dma_start3A_224 : memref<1x64xf32, #tpu.memory_space<vmem>>) target_semaphore(%arg11 : memref<!tpu.dma_semaphore, #tpu.memory_space<semaphore_mem>>)
      %slice3A_227 = vector.extract_strided_slice %get3A_132 {offsets = [6], sizes = [1], strides = [1]} : vector<16xi32> to vector<1xi32>
      %squeeze3A_228 = vector.extract %slice3A_227[0] : i32 from vector<1xi32>
      %add3A_229 = arith.constant 0 : i32
      %add3A_230 = arith.addi %add3A_229, %mul3A_126 : i32
      %add3A_231 = arith.constant 0 : i32
      %add3A_232 = arith.addi %add3A_230, %add3A_231 : i32
      %add3A_233 = arith.constant 6 : i32
      %add3A_234 = arith.addi %add3A_232, %add3A_233 : i32
      %dma_start3A_235 = arith.constant 0 : i32
      %dma_start3A_236 = tpu.memref_slice %arg10[%add3A_234, %dma_start3A_235] : memref<768x64xf32, #tpu.memory_space<vmem>> -> memref<1x64xf32, #tpu.memory_space<vmem>>
      %dma_start3A_237 = arith.constant 0 : i32
      %dma_start3A_238 = tpu.memref_slice %arg4[%squeeze3A_228, %dma_start3A_237] : memref<1000000x64xf32, #tpu.memory_space<hbm>> -> memref<1x64xf32, #tpu.memory_space<hbm>>
      %dma_start3A_239 = arith.constant 0 : i32
      %dma_start3A_240 = tpu.memref_slice %arg10[%add3A_234, %dma_start3A_239] : memref<768x64xf32, #tpu.memory_space<vmem>> -> memref<1x64xf32, #tpu.memory_space<vmem>>
      %dma_start3A_241 = arith.constant 0 : i32
      %dma_start3A_242 = tpu.memref_slice %arg4[%squeeze3A_228, %dma_start3A_241] : memref<1000000x64xf32, #tpu.memory_space<hbm>> -> memref<1x64xf32, #tpu.memory_space<hbm>>
      tpu.enqueue_dma source(%dma_start3A_242 : memref<1x64xf32, #tpu.memory_space<hbm>>) target(%dma_start3A_240 : memref<1x64xf32, #tpu.memory_space<vmem>>) target_semaphore(%arg11 : memref<!tpu.dma_semaphore, #tpu.memory_space<semaphore_mem>>)
      %slice3A_243 = vector.extract_strided_slice %get3A_132 {offsets = [7], sizes = [1], strides = [1]} : vector<16xi32> to vector<1xi32>
      %squeeze3A_244 = vector.extract %slice3A_243[0] : i32 from vector<1xi32>
      %add3A_245 = arith.constant 0 : i32
      %add3A_246 = arith.addi %add3A_245, %mul3A_126 : i32
      %add3A_247 = arith.constant 0 : i32
      %add3A_248 = arith.addi %add3A_246, %add3A_247 : i32
      %add3A_249 = arith.constant 7 : i32
      %add3A_250 = arith.addi %add3A_248, %add3A_249 : i32
      %dma_start3A_251 = arith.constant 0 : i32
      %dma_start3A_252 = tpu.memref_slice %arg10[%add3A_250, %dma_start3A_251] : memref<768x64xf32, #tpu.memory_space<vmem>> -> memref<1x64xf32, #tpu.memory_space<vmem>>
      %dma_start3A_253 = arith.constant 0 : i32
      %dma_start3A_254 = tpu.memref_slice %arg4[%squeeze3A_244, %dma_start3A_253] : memref<1000000x64xf32, #tpu.memory_space<hbm>> -> memref<1x64xf32, #tpu.memory_space<hbm>>
      %dma_start3A_255 = arith.constant 0 : i32
      %dma_start3A_256 = tpu.memref_slice %arg10[%add3A_250, %dma_start3A_255] : memref<768x64xf32, #tpu.memory_space<vmem>> -> memref<1x64xf32, #tpu.memory_space<vmem>>
      %dma_start3A_257 = arith.constant 0 : i32
      %dma_start3A_258 = tpu.memref_slice %arg4[%squeeze3A_244, %dma_start3A_257] : memref<1000000x64xf32, #tpu.memory_space<hbm>> -> memref<1x64xf32, #tpu.memory_space<hbm>>
      tpu.enqueue_dma source(%dma_start3A_258 : memref<1x64xf32, #tpu.memory_space<hbm>>) target(%dma_start3A_256 : memref<1x64xf32, #tpu.memory_space<vmem>>) target_semaphore(%arg11 : memref<!tpu.dma_semaphore, #tpu.memory_space<semaphore_mem>>)
      %slice3A_259 = vector.extract_strided_slice %get3A_132 {offsets = [8], sizes = [1], strides = [1]} : vector<16xi32> to vector<1xi32>
      %squeeze3A_260 = vector.extract %slice3A_259[0] : i32 from vector<1xi32>
      %add3A_261 = arith.constant 0 : i32
      %add3A_262 = arith.addi %add3A_261, %mul3A_126 : i32
      %add3A_263 = arith.constant 0 : i32
      %add3A_264 = arith.addi %add3A_262, %add3A_263 : i32
      %add3A_265 = arith.constant 8 : i32
      %add3A_266 = arith.addi %add3A_264, %add3A_265 : i32
      %dma_start3A_267 = arith.constant 0 : i32
      %dma_start3A_268 = tpu.memref_slice %arg10[%add3A_266, %dma_start3A_267] : memref<768x64xf32, #tpu.memory_space<vmem>> -> memref<1x64xf32, #tpu.memory_space<vmem>>
      %dma_start3A_269 = arith.constant 0 : i32
      %dma_start3A_270 = tpu.memref_slice %arg4[%squeeze3A_260, %dma_start3A_269] : memref<1000000x64xf32, #tpu.memory_space<hbm>> -> memref<1x64xf32, #tpu.memory_space<hbm>>
      %dma_start3A_271 = arith.constant 0 : i32
      %dma_start3A_272 = tpu.memref_slice %arg10[%add3A_266, %dma_start3A_271] : memref<768x64xf32, #tpu.memory_space<vmem>> -> memref<1x64xf32, #tpu.memory_space<vmem>>
      %dma_start3A_273 = arith.constant 0 : i32
      %dma_start3A_274 = tpu.memref_slice %arg4[%squeeze3A_260, %dma_start3A_273] : memref<1000000x64xf32, #tpu.memory_space<hbm>> -> memref<1x64xf32, #tpu.memory_space<hbm>>
      tpu.enqueue_dma source(%dma_start3A_274 : memref<1x64xf32, #tpu.memory_space<hbm>>) target(%dma_start3A_272 : memref<1x64xf32, #tpu.memory_space<vmem>>) target_semaphore(%arg11 : memref<!tpu.dma_semaphore, #tpu.memory_space<semaphore_mem>>)
      %slice3A_275 = vector.extract_strided_slice %get3A_132 {offsets = [9], sizes = [1], strides = [1]} : vector<16xi32> to vector<1xi32>
      %squeeze3A_276 = vector.extract %slice3A_275[0] : i32 from vector<1xi32>
      %add3A_277 = arith.constant 0 : i32
      %add3A_278 = arith.addi %add3A_277, %mul3A_126 : i32
      %add3A_279 = arith.constant 0 : i32
      %add3A_280 = arith.addi %add3A_278, %add3A_279 : i32
      %add3A_281 = arith.constant 9 : i32
      %add3A_282 = arith.addi %add3A_280, %add3A_281 : i32
      %dma_start3A_283 = arith.constant 0 : i32
      %dma_start3A_284 = tpu.memref_slice %arg10[%add3A_282, %dma_start3A_283] : memref<768x64xf32, #tpu.memory_space<vmem>> -> memref<1x64xf32, #tpu.memory_space<vmem>>
      %dma_start3A_285 = arith.constant 0 : i32
      %dma_start3A_286 = tpu.memref_slice %arg4[%squeeze3A_276, %dma_start3A_285] : memref<1000000x64xf32, #tpu.memory_space<hbm>> -> memref<1x64xf32, #tpu.memory_space<hbm>>
      %dma_start3A_287 = arith.constant 0 : i32
      %dma_start3A_288 = tpu.memref_slice %arg10[%add3A_282, %dma_start3A_287] : memref<768x64xf32, #tpu.memory_space<vmem>> -> memref<1x64xf32, #tpu.memory_space<vmem>>
      %dma_start3A_289 = arith.constant 0 : i32
      %dma_start3A_290 = tpu.memref_slice %arg4[%squeeze3A_276, %dma_start3A_289] : memref<1000000x64xf32, #tpu.memory_space<hbm>> -> memref<1x64xf32, #tpu.memory_space<hbm>>
      tpu.enqueue_dma source(%dma_start3A_290 : memref<1x64xf32, #tpu.memory_space<hbm>>) target(%dma_start3A_288 : memref<1x64xf32, #tpu.memory_space<vmem>>) target_semaphore(%arg11 : memref<!tpu.dma_semaphore, #tpu.memory_space<semaphore_mem>>)
      %slice3A_291 = vector.extract_strided_slice %get3A_132 {offsets = [10], sizes = [1], strides = [1]} : vector<16xi32> to vector<1xi32>
      %squeeze3A_292 = vector.extract %slice3A_291[0] : i32 from vector<1xi32>
      %add3A_293 = arith.constant 0 : i32
      %add3A_294 = arith.addi %add3A_293, %mul3A_126 : i32
      %add3A_295 = arith.constant 0 : i32
      %add3A_296 = arith.addi %add3A_294, %add3A_295 : i32
      %add3A_297 = arith.constant 10 : i32
      %add3A_298 = arith.addi %add3A_296, %add3A_297 : i32
      %dma_start3A_299 = arith.constant 0 : i32
      %dma_start3A_300 = tpu.memref_slice %arg10[%add3A_298, %dma_start3A_299] : memref<768x64xf32, #tpu.memory_space<vmem>> -> memref<1x64xf32, #tpu.memory_space<vmem>>
      %dma_start3A_301 = arith.constant 0 : i32
      %dma_start3A_302 = tpu.memref_slice %arg4[%squeeze3A_292, %dma_start3A_301] : memref<1000000x64xf32, #tpu.memory_space<hbm>> -> memref<1x64xf32, #tpu.memory_space<hbm>>
      %dma_start3A_303 = arith.constant 0 : i32
      %dma_start3A_304 = tpu.memref_slice %arg10[%add3A_298, %dma_start3A_303] : memref<768x64xf32, #tpu.memory_space<vmem>> -> memref<1x64xf32, #tpu.memory_space<vmem>>
      %dma_start3A_305 = arith.constant 0 : i32
      %dma_start3A_306 = tpu.memref_slice %arg4[%squeeze3A_292, %dma_start3A_305] : memref<1000000x64xf32, #tpu.memory_space<hbm>> -> memref<1x64xf32, #tpu.memory_space<hbm>>
      tpu.enqueue_dma source(%dma_start3A_306 : memref<1x64xf32, #tpu.memory_space<hbm>>) target(%dma_start3A_304 : memref<1x64xf32, #tpu.memory_space<vmem>>) target_semaphore(%arg11 : memref<!tpu.dma_semaphore, #tpu.memory_space<semaphore_mem>>)
      %slice3A_307 = vector.extract_strided_slice %get3A_132 {offsets = [11], sizes = [1], strides = [1]} : vector<16xi32> to vector<1xi32>
      %squeeze3A_308 = vector.extract %slice3A_307[0] : i32 from vector<1xi32>
      %add3A_309 = arith.constant 0 : i32
      %add3A_310 = arith.addi %add3A_309, %mul3A_126 : i32
      %add3A_311 = arith.constant 0 : i32
      %add3A_312 = arith.addi %add3A_310, %add3A_311 : i32
      %add3A_313 = arith.constant 11 : i32
      %add3A_314 = arith.addi %add3A_312, %add3A_313 : i32
      %dma_start3A_315 = arith.constant 0 : i32
      %dma_start3A_316 = tpu.memref_slice %arg10[%add3A_314, %dma_start3A_315] : memref<768x64xf32, #tpu.memory_space<vmem>> -> memref<1x64xf32, #tpu.memory_space<vmem>>
      %dma_start3A_317 = arith.constant 0 : i32
      %dma_start3A_318 = tpu.memref_slice %arg4[%squeeze3A_308, %dma_start3A_317] : memref<1000000x64xf32, #tpu.memory_space<hbm>> -> memref<1x64xf32, #tpu.memory_space<hbm>>
      %dma_start3A_319 = arith.constant 0 : i32
      %dma_start3A_320 = tpu.memref_slice %arg10[%add3A_314, %dma_start3A_319] : memref<768x64xf32, #tpu.memory_space<vmem>> -> memref<1x64xf32, #tpu.memory_space<vmem>>
      %dma_start3A_321 = arith.constant 0 : i32
      %dma_start3A_322 = tpu.memref_slice %arg4[%squeeze3A_308, %dma_start3A_321] : memref<1000000x64xf32, #tpu.memory_space<hbm>> -> memref<1x64xf32, #tpu.memory_space<hbm>>
      tpu.enqueue_dma source(%dma_start3A_322 : memref<1x64xf32, #tpu.memory_space<hbm>>) target(%dma_start3A_320 : memref<1x64xf32, #tpu.memory_space<vmem>>) target_semaphore(%arg11 : memref<!tpu.dma_semaphore, #tpu.memory_space<semaphore_mem>>)
      %slice3A_323 = vector.extract_strided_slice %get3A_132 {offsets = [12], sizes = [1], strides = [1]} : vector<16xi32> to vector<1xi32>
      %squeeze3A_324 = vector.extract %slice3A_323[0] : i32 from vector<1xi32>
      %add3A_325 = arith.constant 0 : i32
      %add3A_326 = arith.addi %add3A_325, %mul3A_126 : i32
      %add3A_327 = arith.constant 0 : i32
      %add3A_328 = arith.addi %add3A_326, %add3A_327 : i32
      %add3A_329 = arith.constant 12 : i32
      %add3A_330 = arith.addi %add3A_328, %add3A_329 : i32
      %dma_start3A_331 = arith.constant 0 : i32
      %dma_start3A_332 = tpu.memref_slice %arg10[%add3A_330, %dma_start3A_331] : memref<768x64xf32, #tpu.memory_space<vmem>> -> memref<1x64xf32, #tpu.memory_space<vmem>>
      %dma_start3A_333 = arith.constant 0 : i32
      %dma_start3A_334 = tpu.memref_slice %arg4[%squeeze3A_324, %dma_start3A_333] : memref<1000000x64xf32, #tpu.memory_space<hbm>> -> memref<1x64xf32, #tpu.memory_space<hbm>>
      %dma_start3A_335 = arith.constant 0 : i32
      %dma_start3A_336 = tpu.memref_slice %arg10[%add3A_330, %dma_start3A_335] : memref<768x64xf32, #tpu.memory_space<vmem>> -> memref<1x64xf32, #tpu.memory_space<vmem>>
      %dma_start3A_337 = arith.constant 0 : i32
      %dma_start3A_338 = tpu.memref_slice %arg4[%squeeze3A_324, %dma_start3A_337] : memref<1000000x64xf32, #tpu.memory_space<hbm>> -> memref<1x64xf32, #tpu.memory_space<hbm>>
      tpu.enqueue_dma source(%dma_start3A_338 : memref<1x64xf32, #tpu.memory_space<hbm>>) target(%dma_start3A_336 : memref<1x64xf32, #tpu.memory_space<vmem>>) target_semaphore(%arg11 : memref<!tpu.dma_semaphore, #tpu.memory_space<semaphore_mem>>)
      %slice3A_339 = vector.extract_strided_slice %get3A_132 {offsets = [13], sizes = [1], strides = [1]} : vector<16xi32> to vector<1xi32>
      %squeeze3A_340 = vector.extract %slice3A_339[0] : i32 from vector<1xi32>
      %add3A_341 = arith.constant 0 : i32
      %add3A_342 = arith.addi %add3A_341, %mul3A_126 : i32
      %add3A_343 = arith.constant 0 : i32
      %add3A_344 = arith.addi %add3A_342, %add3A_343 : i32
      %add3A_345 = arith.constant 13 : i32
      %add3A_346 = arith.addi %add3A_344, %add3A_345 : i32
      %dma_start3A_347 = arith.constant 0 : i32
      %dma_start3A_348 = tpu.memref_slice %arg10[%add3A_346, %dma_start3A_347] : memref<768x64xf32, #tpu.memory_space<vmem>> -> memref<1x64xf32, #tpu.memory_space<vmem>>
      %dma_start3A_349 = arith.constant 0 : i32
      %dma_start3A_350 = tpu.memref_slice %arg4[%squeeze3A_340, %dma_start3A_349] : memref<1000000x64xf32, #tpu.memory_space<hbm>> -> memref<1x64xf32, #tpu.memory_space<hbm>>
      %dma_start3A_351 = arith.constant 0 : i32
      %dma_start3A_352 = tpu.memref_slice %arg10[%add3A_346, %dma_start3A_351] : memref<768x64xf32, #tpu.memory_space<vmem>> -> memref<1x64xf32, #tpu.memory_space<vmem>>
      %dma_start3A_353 = arith.constant 0 : i32
      %dma_start3A_354 = tpu.memref_slice %arg4[%squeeze3A_340, %dma_start3A_353] : memref<1000000x64xf32, #tpu.memory_space<hbm>> -> memref<1x64xf32, #tpu.memory_space<hbm>>
      tpu.enqueue_dma source(%dma_start3A_354 : memref<1x64xf32, #tpu.memory_space<hbm>>) target(%dma_start3A_352 : memref<1x64xf32, #tpu.memory_space<vmem>>) target_semaphore(%arg11 : memref<!tpu.dma_semaphore, #tpu.memory_space<semaphore_mem>>)
      %slice3A_355 = vector.extract_strided_slice %get3A_132 {offsets = [14], sizes = [1], strides = [1]} : vector<16xi32> to vector<1xi32>
      %squeeze3A_356 = vector.extract %slice3A_355[0] : i32 from vector<1xi32>
      %add3A_357 = arith.constant 0 : i32
      %add3A_358 = arith.addi %add3A_357, %mul3A_126 : i32
      %add3A_359 = arith.constant 0 : i32
      %add3A_360 = arith.addi %add3A_358, %add3A_359 : i32
      %add3A_361 = arith.constant 14 : i32
      %add3A_362 = arith.addi %add3A_360, %add3A_361 : i32
      %dma_start3A_363 = arith.constant 0 : i32
      %dma_start3A_364 = tpu.memref_slice %arg10[%add3A_362, %dma_start3A_363] : memref<768x64xf32, #tpu.memory_space<vmem>> -> memref<1x64xf32, #tpu.memory_space<vmem>>
      %dma_start3A_365 = arith.constant 0 : i32
      %dma_start3A_366 = tpu.memref_slice %arg4[%squeeze3A_356, %dma_start3A_365] : memref<1000000x64xf32, #tpu.memory_space<hbm>> -> memref<1x64xf32, #tpu.memory_space<hbm>>
      %dma_start3A_367 = arith.constant 0 : i32
      %dma_start3A_368 = tpu.memref_slice %arg10[%add3A_362, %dma_start3A_367] : memref<768x64xf32, #tpu.memory_space<vmem>> -> memref<1x64xf32, #tpu.memory_space<vmem>>
      %dma_start3A_369 = arith.constant 0 : i32
      %dma_start3A_370 = tpu.memref_slice %arg4[%squeeze3A_356, %dma_start3A_369] : memref<1000000x64xf32, #tpu.memory_space<hbm>> -> memref<1x64xf32, #tpu.memory_space<hbm>>
      tpu.enqueue_dma source(%dma_start3A_370 : memref<1x64xf32, #tpu.memory_space<hbm>>) target(%dma_start3A_368 : memref<1x64xf32, #tpu.memory_space<vmem>>) target_semaphore(%arg11 : memref<!tpu.dma_semaphore, #tpu.memory_space<semaphore_mem>>)
      %slice3A_371 = vector.extract_strided_slice %get3A_132 {offsets = [15], sizes = [1], strides = [1]} : vector<16xi32> to vector<1xi32>
      %squeeze3A_372 = vector.extract %slice3A_371[0] : i32 from vector<1xi32>
      %add3A_373 = arith.constant 0 : i32
      %add3A_374 = arith.addi %add3A_373, %mul3A_126 : i32
      %add3A_375 = arith.constant 0 : i32
      %add3A_376 = arith.addi %add3A_374, %add3A_375 : i32
      %add3A_377 = arith.constant 15 : i32
      %add3A_378 = arith.addi %add3A_376, %add3A_377 : i32
      %dma_start3A_379 = arith.constant 0 : i32
      %dma_start3A_380 = tpu.memref_slice %arg10[%add3A_378, %dma_start3A_379] : memref<768x64xf32, #tpu.memory_space<vmem>> -> memref<1x64xf32, #tpu.memory_space<vmem>>
      %dma_start3A_381 = arith.constant 0 : i32
      %dma_start3A_382 = tpu.memref_slice %arg4[%squeeze3A_372, %dma_start3A_381] : memref<1000000x64xf32, #tpu.memory_space<hbm>> -> memref<1x64xf32, #tpu.memory_space<hbm>>
      %dma_start3A_383 = arith.constant 0 : i32
      %dma_start3A_384 = tpu.memref_slice %arg10[%add3A_378, %dma_start3A_383] : memref<768x64xf32, #tpu.memory_space<vmem>> -> memref<1x64xf32, #tpu.memory_space<vmem>>
      %dma_start3A_385 = arith.constant 0 : i32
      %dma_start3A_386 = tpu.memref_slice %arg4[%squeeze3A_372, %dma_start3A_385] : memref<1000000x64xf32, #tpu.memory_space<hbm>> -> memref<1x64xf32, #tpu.memory_space<hbm>>
      tpu.enqueue_dma source(%dma_start3A_386 : memref<1x64xf32, #tpu.memory_space<hbm>>) target(%dma_start3A_384 : memref<1x64xf32, #tpu.memory_space<vmem>>) target_semaphore(%arg11 : memref<!tpu.dma_semaphore, #tpu.memory_space<semaphore_mem>>)
      %add3A_387 = arith.constant 0 : i32
      %add3A_388 = arith.addi %add3A_387, %mul3A_126 : i32
      %add3A_389 = arith.constant 16 : i32
      %add3A_390 = arith.addi %add3A_388, %add3A_389 : i32
      %get3A_391 = arith.index_cast %add3A_390 : i32 to index
      %get3A_392 = tpu.vector_load %arg8[%get3A_391] {strides = array<i32>} : memref<512xi32, #tpu.memory_space<vmem>>, vector<16xi32>,
      %get3A_393 = vector.shape_cast %get3A_392 : vector<16xi32> to vector<16xi32>
      %slice3A_394 = vector.extract_strided_slice %get3A_393 {offsets = [0], sizes = [1], strides = [1]} : vector<16xi32> to vector<1xi32>
      %squeeze3A_395 = vector.extract %slice3A_394[0] : i32 from vector<1xi32>
      %add3A_396 = arith.constant 0 : i32
      %add3A_397 = arith.addi %add3A_396, %mul3A_126 : i32
      %add3A_398 = arith.constant 16 : i32
      %add3A_399 = arith.addi %add3A_397, %add3A_398 : i32
      %add3A_400 = arith.constant 0 : i32
      %add3A_401 = arith.addi %add3A_399, %add3A_400 : i32
      %dma_start3A_402 = arith.constant 0 : i32
      %dma_start3A_403 = tpu.memref_slice %arg10[%add3A_401, %dma_start3A_402] : memref<768x64xf32, #tpu.memory_space<vmem>> -> memref<1x64xf32, #tpu.memory_space<vmem>>
      %dma_start3A_404 = arith.constant 0 : i32
      %dma_start3A_405 = tpu.memref_slice %arg4[%squeeze3A_395, %dma_start3A_404] : memref<1000000x64xf32, #tpu.memory_space<hbm>> -> memref<1x64xf32, #tpu.memory_space<hbm>>
      %dma_start3A_406 = arith.constant 0 : i32
      %dma_start3A_407 = tpu.memref_slice %arg10[%add3A_401, %dma_start3A_406] : memref<768x64xf32, #tpu.memory_space<vmem>> -> memref<1x64xf32, #tpu.memory_space<vmem>>
      %dma_start3A_408 = arith.constant 0 : i32
      %dma_start3A_409 = tpu.memref_slice %arg4[%squeeze3A_395, %dma_start3A_408] : memref<1000000x64xf32, #tpu.memory_space<hbm>> -> memref<1x64xf32, #tpu.memory_space<hbm>>
      tpu.enqueue_dma source(%dma_start3A_409 : memref<1x64xf32, #tpu.memory_space<hbm>>) target(%dma_start3A_407 : memref<1x64xf32, #tpu.memory_space<vmem>>) target_semaphore(%arg11 : memref<!tpu.dma_semaphore, #tpu.memory_space<semaphore_mem>>)
      %slice3A_410 = vector.extract_strided_slice %get3A_393 {offsets = [1], sizes = [1], strides = [1]} : vector<16xi32> to vector<1xi32>
      %squeeze3A_411 = vector.extract %slice3A_410[0] : i32 from vector<1xi32>
      %add3A_412 = arith.constant 0 : i32
      %add3A_413 = arith.addi %add3A_412, %mul3A_126 : i32
      %add3A_414 = arith.constant 16 : i32
      %add3A_415 = arith.addi %add3A_413, %add3A_414 : i32
      %add3A_416 = arith.constant 1 : i32
      %add3A_417 = arith.addi %add3A_415, %add3A_416 : i32
      %dma_start3A_418 = arith.constant 0 : i32
      %dma_start3A_419 = tpu.memref_slice %arg10[%add3A_417, %dma_start3A_418] : memref<768x64xf32, #tpu.memory_space<vmem>> -> memref<1x64xf32, #tpu.memory_space<vmem>>
      %dma_start3A_420 = arith.constant 0 : i32
      %dma_start3A_421 = tpu.memref_slice %arg4[%squeeze3A_411, %dma_start3A_420] : memref<1000000x64xf32, #tpu.memory_space<hbm>> -> memref<1x64xf32, #tpu.memory_space<hbm>>
      %dma_start3A_422 = arith.constant 0 : i32
      %dma_start3A_423 = tpu.memref_slice %arg10[%add3A_417, %dma_start3A_422] : memref<768x64xf32, #tpu.memory_space<vmem>> -> memref<1x64xf32, #tpu.memory_space<vmem>>
      %dma_start3A_424 = arith.constant 0 : i32
      %dma_start3A_425 = tpu.memref_slice %arg4[%squeeze3A_411, %dma_start3A_424] : memref<1000000x64xf32, #tpu.memory_space<hbm>> -> memref<1x64xf32, #tpu.memory_space<hbm>>
      tpu.enqueue_dma source(%dma_start3A_425 : memref<1x64xf32, #tpu.memory_space<hbm>>) target(%dma_start3A_423 : memref<1x64xf32, #tpu.memory_space<vmem>>) target_semaphore(%arg11 : memref<!tpu.dma_semaphore, #tpu.memory_space<semaphore_mem>>)
      %slice3A_426 = vector.extract_strided_slice %get3A_393 {offsets = [2], sizes = [1], strides = [1]} : vector<16xi32> to vector<1xi32>
      %squeeze3A_427 = vector.extract %slice3A_426[0] : i32 from vector<1xi32>
      %add3A_428 = arith.constant 0 : i32
      %add3A_429 = arith.addi %add3A_428, %mul3A_126 : i32
      %add3A_430 = arith.constant 16 : i32
      %add3A_431 = arith.addi %add3A_429, %add3A_430 : i32
      %add3A_432 = arith.constant 2 : i32
      %add3A_433 = arith.addi %add3A_431, %add3A_432 : i32
      %dma_start3A_434 = arith.constant 0 : i32
      %dma_start3A_435 = tpu.memref_slice %arg10[%add3A_433, %dma_start3A_434] : memref<768x64xf32, #tpu.memory_space<vmem>> -> memref<1x64xf32, #tpu.memory_space<vmem>>
      %dma_start3A_436 = arith.constant 0 : i32
      %dma_start3A_437 = tpu.memref_slice %arg4[%squeeze3A_427, %dma_start3A_436] : memref<1000000x64xf32, #tpu.memory_space<hbm>> -> memref<1x64xf32, #tpu.memory_space<hbm>>
      %dma_start3A_438 = arith.constant 0 : i32
      %dma_start3A_439 = tpu.memref_slice %arg10[%add3A_433, %dma_start3A_438] : memref<768x64xf32, #tpu.memory_space<vmem>> -> memref<1x64xf32, #tpu.memory_space<vmem>>
      %dma_start3A_440 = arith.constant 0 : i32
      %dma_start3A_441 = tpu.memref_slice %arg4[%squeeze3A_427, %dma_start3A_440] : memref<1000000x64xf32, #tpu.memory_space<hbm>> -> memref<1x64xf32, #tpu.memory_space<hbm>>
      tpu.enqueue_dma source(%dma_start3A_441 : memref<1x64xf32, #tpu.memory_space<hbm>>) target(%dma_start3A_439 : memref<1x64xf32, #tpu.memory_space<vmem>>) target_semaphore(%arg11 : memref<!tpu.dma_semaphore, #tpu.memory_space<semaphore_mem>>)
      %slice3A_442 = vector.extract_strided_slice %get3A_393 {offsets = [3], sizes = [1], strides = [1]} : vector<16xi32> to vector<1xi32>
      %squeeze3A_443 = vector.extract %slice3A_442[0] : i32 from vector<1xi32>
      %add3A_444 = arith.constant 0 : i32
      %add3A_445 = arith.addi %add3A_444, %mul3A_126 : i32
      %add3A_446 = arith.constant 16 : i32
      %add3A_447 = arith.addi %add3A_445, %add3A_446 : i32
      %add3A_448 = arith.constant 3 : i32
      %add3A_449 = arith.addi %add3A_447, %add3A_448 : i32
      %dma_start3A_450 = arith.constant 0 : i32
      %dma_start3A_451 = tpu.memref_slice %arg10[%add3A_449, %dma_start3A_450] : memref<768x64xf32, #tpu.memory_space<vmem>> -> memref<1x64xf32, #tpu.memory_space<vmem>>
      %dma_start3A_452 = arith.constant 0 : i32
      %dma_start3A_453 = tpu.memref_slice %arg4[%squeeze3A_443, %dma_start3A_452] : memref<1000000x64xf32, #tpu.memory_space<hbm>> -> memref<1x64xf32, #tpu.memory_space<hbm>>
      %dma_start3A_454 = arith.constant 0 : i32
      %dma_start3A_455 = tpu.memref_slice %arg10[%add3A_449, %dma_start3A_454] : memref<768x64xf32, #tpu.memory_space<vmem>> -> memref<1x64xf32, #tpu.memory_space<vmem>>
      %dma_start3A_456 = arith.constant 0 : i32
      %dma_start3A_457 = tpu.memref_slice %arg4[%squeeze3A_443, %dma_start3A_456] : memref<1000000x64xf32, #tpu.memory_space<hbm>> -> memref<1x64xf32, #tpu.memory_space<hbm>>
      tpu.enqueue_dma source(%dma_start3A_457 : memref<1x64xf32, #tpu.memory_space<hbm>>) target(%dma_start3A_455 : memref<1x64xf32, #tpu.memory_space<vmem>>) target_semaphore(%arg11 : memref<!tpu.dma_semaphore, #tpu.memory_space<semaphore_mem>>)
      %slice3A_458 = vector.extract_strided_slice %get3A_393 {offsets = [4], sizes = [1], strides = [1]} : vector<16xi32> to vector<1xi32>
      %squeeze3A_459 = vector.extract %slice3A_458[0] : i32 from vector<1xi32>
      %add3A_460 = arith.constant 0 : i32
      %add3A_461 = arith.addi %add3A_460, %mul3A_126 : i32
      %add3A_462 = arith.constant 16 : i32
      %add3A_463 = arith.addi %add3A_461, %add3A_462 : i32
      %add3A_464 = arith.constant 4 : i32
      %add3A_465 = arith.addi %add3A_463, %add3A_464 : i32
      %dma_start3A_466 = arith.constant 0 : i32
      %dma_start3A_467 = tpu.memref_slice %arg10[%add3A_465, %dma_start3A_466] : memref<768x64xf32, #tpu.memory_space<vmem>> -> memref<1x64xf32, #tpu.memory_space<vmem>>
      %dma_start3A_468 = arith.constant 0 : i32
      %dma_start3A_469 = tpu.memref_slice %arg4[%squeeze3A_459, %dma_start3A_468] : memref<1000000x64xf32, #tpu.memory_space<hbm>> -> memref<1x64xf32, #tpu.memory_space<hbm>>
      %dma_start3A_470 = arith.constant 0 : i32
      %dma_start3A_471 = tpu.memref_slice %arg10[%add3A_465, %dma_start3A_470] : memref<768x64xf32, #tpu.memory_space<vmem>> -> memref<1x64xf32, #tpu.memory_space<vmem>>
      %dma_start3A_472 = arith.constant 0 : i32
      %dma_start3A_473 = tpu.memref_slice %arg4[%squeeze3A_459, %dma_start3A_472] : memref<1000000x64xf32, #tpu.memory_space<hbm>> -> memref<1x64xf32, #tpu.memory_space<hbm>>
      tpu.enqueue_dma source(%dma_start3A_473 : memref<1x64xf32, #tpu.memory_space<hbm>>) target(%dma_start3A_471 : memref<1x64xf32, #tpu.memory_space<vmem>>) target_semaphore(%arg11 : memref<!tpu.dma_semaphore, #tpu.memory_space<semaphore_mem>>)
      %slice3A_474 = vector.extract_strided_slice %get3A_393 {offsets = [5], sizes = [1], strides = [1]} : vector<16xi32> to vector<1xi32>
      %squeeze3A_475 = vector.extract %slice3A_474[0] : i32 from vector<1xi32>
      %add3A_476 = arith.constant 0 : i32
      %add3A_477 = arith.addi %add3A_476, %mul3A_126 : i32
      %add3A_478 = arith.constant 16 : i32
      %add3A_479 = arith.addi %add3A_477, %add3A_478 : i32
      %add3A_480 = arith.constant 5 : i32
      %add3A_481 = arith.addi %add3A_479, %add3A_480 : i32
      %dma_start3A_482 = arith.constant 0 : i32
      %dma_start3A_483 = tpu.memref_slice %arg10[%add3A_481, %dma_start3A_482] : memref<768x64xf32, #tpu.memory_space<vmem>> -> memref<1x64xf32, #tpu.memory_space<vmem>>
      %dma_start3A_484 = arith.constant 0 : i32
      %dma_start3A_485 = tpu.memref_slice %arg4[%squeeze3A_475, %dma_start3A_484] : memref<1000000x64xf32, #tpu.memory_space<hbm>> -> memref<1x64xf32, #tpu.memory_space<hbm>>
      %dma_start3A_486 = arith.constant 0 : i32
      %dma_start3A_487 = tpu.memref_slice %arg10[%add3A_481, %dma_start3A_486] : memref<768x64xf32, #tpu.memory_space<vmem>> -> memref<1x64xf32, #tpu.memory_space<vmem>>
      %dma_start3A_488 = arith.constant 0 : i32
      %dma_start3A_489 = tpu.memref_slice %arg4[%squeeze3A_475, %dma_start3A_488] : memref<1000000x64xf32, #tpu.memory_space<hbm>> -> memref<1x64xf32, #tpu.memory_space<hbm>>
      tpu.enqueue_dma source(%dma_start3A_489 : memref<1x64xf32, #tpu.memory_space<hbm>>) target(%dma_start3A_487 : memref<1x64xf32, #tpu.memory_space<vmem>>) target_semaphore(%arg11 : memref<!tpu.dma_semaphore, #tpu.memory_space<semaphore_mem>>)
      %slice3A_490 = vector.extract_strided_slice %get3A_393 {offsets = [6], sizes = [1], strides = [1]} : vector<16xi32> to vector<1xi32>
      %squeeze3A_491 = vector.extract %slice3A_490[0] : i32 from vector<1xi32>
      %add3A_492 = arith.constant 0 : i32
      %add3A_493 = arith.addi %add3A_492, %mul3A_126 : i32
      %add3A_494 = arith.constant 16 : i32
      %add3A_495 = arith.addi %add3A_493, %add3A_494 : i32
      %add3A_496 = arith.constant 6 : i32
      %add3A_497 = arith.addi %add3A_495, %add3A_496 : i32
      %dma_start3A_498 = arith.constant 0 : i32
      %dma_start3A_499 = tpu.memref_slice %arg10[%add3A_497, %dma_start3A_498] : memref<768x64xf32, #tpu.memory_space<vmem>> -> memref<1x64xf32, #tpu.memory_space<vmem>>
      %dma_start3A_500 = arith.constant 0 : i32
      %dma_start3A_501 = tpu.memref_slice %arg4[%squeeze3A_491, %dma_start3A_500] : memref<1000000x64xf32, #tpu.memory_space<hbm>> -> memref<1x64xf32, #tpu.memory_space<hbm>>
      %dma_start3A_502 = arith.constant 0 : i32
      %dma_start3A_503 = tpu.memref_slice %arg10[%add3A_497, %dma_start3A_502] : memref<768x64xf32, #tpu.memory_space<vmem>> -> memref<1x64xf32, #tpu.memory_space<vmem>>
      %dma_start3A_504 = arith.constant 0 : i32
      %dma_start3A_505 = tpu.memref_slice %arg4[%squeeze3A_491, %dma_start3A_504] : memref<1000000x64xf32, #tpu.memory_space<hbm>> -> memref<1x64xf32, #tpu.memory_space<hbm>>
      tpu.enqueue_dma source(%dma_start3A_505 : memref<1x64xf32, #tpu.memory_space<hbm>>) target(%dma_start3A_503 : memref<1x64xf32, #tpu.memory_space<vmem>>) target_semaphore(%arg11 : memref<!tpu.dma_semaphore, #tpu.memory_space<semaphore_mem>>)
      %slice3A_506 = vector.extract_strided_slice %get3A_393 {offsets = [7], sizes = [1], strides = [1]} : vector<16xi32> to vector<1xi32>
      %squeeze3A_507 = vector.extract %slice3A_506[0] : i32 from vector<1xi32>
      %add3A_508 = arith.constant 0 : i32
      %add3A_509 = arith.addi %add3A_508, %mul3A_126 : i32
      %add3A_510 = arith.constant 16 : i32
      %add3A_511 = arith.addi %add3A_509, %add3A_510 : i32
      %add3A_512 = arith.constant 7 : i32
      %add3A_513 = arith.addi %add3A_511, %add3A_512 : i32
      %dma_start3A_514 = arith.constant 0 : i32
      %dma_start3A_515 = tpu.memref_slice %arg10[%add3A_513, %dma_start3A_514] : memref<768x64xf32, #tpu.memory_space<vmem>> -> memref<1x64xf32, #tpu.memory_space<vmem>>
      %dma_start3A_516 = arith.constant 0 : i32
      %dma_start3A_517 = tpu.memref_slice %arg4[%squeeze3A_507, %dma_start3A_516] : memref<1000000x64xf32, #tpu.memory_space<hbm>> -> memref<1x64xf32, #tpu.memory_space<hbm>>
      %dma_start3A_518 = arith.constant 0 : i32
      %dma_start3A_519 = tpu.memref_slice %arg10[%add3A_513, %dma_start3A_518] : memref<768x64xf32, #tpu.memory_space<vmem>> -> memref<1x64xf32, #tpu.memory_space<vmem>>
      %dma_start3A_520 = arith.constant 0 : i32
      %dma_start3A_521 = tpu.memref_slice %arg4[%squeeze3A_507, %dma_start3A_520] : memref<1000000x64xf32, #tpu.memory_space<hbm>> -> memref<1x64xf32, #tpu.memory_space<hbm>>
      tpu.enqueue_dma source(%dma_start3A_521 : memref<1x64xf32, #tpu.memory_space<hbm>>) target(%dma_start3A_519 : memref<1x64xf32, #tpu.memory_space<vmem>>) target_semaphore(%arg11 : memref<!tpu.dma_semaphore, #tpu.memory_space<semaphore_mem>>)
      %slice3A_522 = vector.extract_strided_slice %get3A_393 {offsets = [8], sizes = [1], strides = [1]} : vector<16xi32> to vector<1xi32>
      %squeeze3A_523 = vector.extract %slice3A_522[0] : i32 from vector<1xi32>
      %add3A_524 = arith.constant 0 : i32
      %add3A_525 = arith.addi %add3A_524, %mul3A_126 : i32
      %add3A_526 = arith.constant 16 : i32
      %add3A_527 = arith.addi %add3A_525, %add3A_526 : i32
      %add3A_528 = arith.constant 8 : i32
      %add3A_529 = arith.addi %add3A_527, %add3A_528 : i32
      %dma_start3A_530 = arith.constant 0 : i32
      %dma_start3A_531 = tpu.memref_slice %arg10[%add3A_529, %dma_start3A_530] : memref<768x64xf32, #tpu.memory_space<vmem>> -> memref<1x64xf32, #tpu.memory_space<vmem>>
      %dma_start3A_532 = arith.constant 0 : i32
      %dma_start3A_533 = tpu.memref_slice %arg4[%squeeze3A_523, %dma_start3A_532] : memref<1000000x64xf32, #tpu.memory_space<hbm>> -> memref<1x64xf32, #tpu.memory_space<hbm>>
      %dma_start3A_534 = arith.constant 0 : i32
      %dma_start3A_535 = tpu.memref_slice %arg10[%add3A_529, %dma_start3A_534] : memref<768x64xf32, #tpu.memory_space<vmem>> -> memref<1x64xf32, #tpu.memory_space<vmem>>
      %dma_start3A_536 = arith.constant 0 : i32
      %dma_start3A_537 = tpu.memref_slice %arg4[%squeeze3A_523, %dma_start3A_536] : memref<1000000x64xf32, #tpu.memory_space<hbm>> -> memref<1x64xf32, #tpu.memory_space<hbm>>
      tpu.enqueue_dma source(%dma_start3A_537 : memref<1x64xf32, #tpu.memory_space<hbm>>) target(%dma_start3A_535 : memref<1x64xf32, #tpu.memory_space<vmem>>) target_semaphore(%arg11 : memref<!tpu.dma_semaphore, #tpu.memory_space<semaphore_mem>>)
      %slice3A_538 = vector.extract_strided_slice %get3A_393 {offsets = [9], sizes = [1], strides = [1]} : vector<16xi32> to vector<1xi32>
      %squeeze3A_539 = vector.extract %slice3A_538[0] : i32 from vector<1xi32>
      %add3A_540 = arith.constant 0 : i32
      %add3A_541 = arith.addi %add3A_540, %mul3A_126 : i32
      %add3A_542 = arith.constant 16 : i32
      %add3A_543 = arith.addi %add3A_541, %add3A_542 : i32
      %add3A_544 = arith.constant 9 : i32
      %add3A_545 = arith.addi %add3A_543, %add3A_544 : i32
      %dma_start3A_546 = arith.constant 0 : i32
      %dma_start3A_547 = tpu.memref_slice %arg10[%add3A_545, %dma_start3A_546] : memref<768x64xf32, #tpu.memory_space<vmem>> -> memref<1x64xf32, #tpu.memory_space<vmem>>
      %dma_start3A_548 = arith.constant 0 : i32
      %dma_start3A_549 = tpu.memref_slice %arg4[%squeeze3A_539, %dma_start3A_548] : memref<1000000x64xf32, #tpu.memory_space<hbm>> -> memref<1x64xf32, #tpu.memory_space<hbm>>
      %dma_start3A_550 = arith.constant 0 : i32
      %dma_start3A_551 = tpu.memref_slice %arg10[%add3A_545, %dma_start3A_550] : memref<768x64xf32, #tpu.memory_space<vmem>> -> memref<1x64xf32, #tpu.memory_space<vmem>>
      %dma_start3A_552 = arith.constant 0 : i32
      %dma_start3A_553 = tpu.memref_slice %arg4[%squeeze3A_539, %dma_start3A_552] : memref<1000000x64xf32, #tpu.memory_space<hbm>> -> memref<1x64xf32, #tpu.memory_space<hbm>>
      tpu.enqueue_dma source(%dma_start3A_553 : memref<1x64xf32, #tpu.memory_space<hbm>>) target(%dma_start3A_551 : memref<1x64xf32, #tpu.memory_space<vmem>>) target_semaphore(%arg11 : memref<!tpu.dma_semaphore, #tpu.memory_space<semaphore_mem>>)
      %slice3A_554 = vector.extract_strided_slice %get3A_393 {offsets = [10], sizes = [1], strides = [1]} : vector<16xi32> to vector<1xi32>
      %squeeze3A_555 = vector.extract %slice3A_554[0] : i32 from vector<1xi32>
      %add3A_556 = arith.constant 0 : i32
      %add3A_557 = arith.addi %add3A_556, %mul3A_126 : i32
      %add3A_558 = arith.constant 16 : i32
      %add3A_559 = arith.addi %add3A_557, %add3A_558 : i32
      %add3A_560 = arith.constant 10 : i32
      %add3A_561 = arith.addi %add3A_559, %add3A_560 : i32
      %dma_start3A_562 = arith.constant 0 : i32
      %dma_start3A_563 = tpu.memref_slice %arg10[%add3A_561, %dma_start3A_562] : memref<768x64xf32, #tpu.memory_space<vmem>> -> memref<1x64xf32, #tpu.memory_space<vmem>>
      %dma_start3A_564 = arith.constant 0 : i32
      %dma_start3A_565 = tpu.memref_slice %arg4[%squeeze3A_555, %dma_start3A_564] : memref<1000000x64xf32, #tpu.memory_space<hbm>> -> memref<1x64xf32, #tpu.memory_space<hbm>>
      %dma_start3A_566 = arith.constant 0 : i32
      %dma_start3A_567 = tpu.memref_slice %arg10[%add3A_561, %dma_start3A_566] : memref<768x64xf32, #tpu.memory_space<vmem>> -> memref<1x64xf32, #tpu.memory_space<vmem>>
      %dma_start3A_568 = arith.constant 0 : i32
      %dma_start3A_569 = tpu.memref_slice %arg4[%squeeze3A_555, %dma_start3A_568] : memref<1000000x64xf32, #tpu.memory_space<hbm>> -> memref<1x64xf32, #tpu.memory_space<hbm>>
      tpu.enqueue_dma source(%dma_start3A_569 : memref<1x64xf32, #tpu.memory_space<hbm>>) target(%dma_start3A_567 : memref<1x64xf32, #tpu.memory_space<vmem>>) target_semaphore(%arg11 : memref<!tpu.dma_semaphore, #tpu.memory_space<semaphore_mem>>)
      %slice3A_570 = vector.extract_strided_slice %get3A_393 {offsets = [11], sizes = [1], strides = [1]} : vector<16xi32> to vector<1xi32>
      %squeeze3A_571 = vector.extract %slice3A_570[0] : i32 from vector<1xi32>
      %add3A_572 = arith.constant 0 : i32
      %add3A_573 = arith.addi %add3A_572, %mul3A_126 : i32
      %add3A_574 = arith.constant 16 : i32
      %add3A_575 = arith.addi %add3A_573, %add3A_574 : i32
      %add3A_576 = arith.constant 11 : i32
      %add3A_577 = arith.addi %add3A_575, %add3A_576 : i32
      %dma_start3A_578 = arith.constant 0 : i32
      %dma_start3A_579 = tpu.memref_slice %arg10[%add3A_577, %dma_start3A_578] : memref<768x64xf32, #tpu.memory_space<vmem>> -> memref<1x64xf32, #tpu.memory_space<vmem>>
      %dma_start3A_580 = arith.constant 0 : i32
      %dma_start3A_581 = tpu.memref_slice %arg4[%squeeze3A_571, %dma_start3A_580] : memref<1000000x64xf32, #tpu.memory_space<hbm>> -> memref<1x64xf32, #tpu.memory_space<hbm>>
      %dma_start3A_582 = arith.constant 0 : i32
      %dma_start3A_583 = tpu.memref_slice %arg10[%add3A_577, %dma_start3A_582] : memref<768x64xf32, #tpu.memory_space<vmem>> -> memref<1x64xf32, #tpu.memory_space<vmem>>
      %dma_start3A_584 = arith.constant 0 : i32
      %dma_start3A_585 = tpu.memref_slice %arg4[%squeeze3A_571, %dma_start3A_584] : memref<1000000x64xf32, #tpu.memory_space<hbm>> -> memref<1x64xf32, #tpu.memory_space<hbm>>
      tpu.enqueue_dma source(%dma_start3A_585 : memref<1x64xf32, #tpu.memory_space<hbm>>) target(%dma_start3A_583 : memref<1x64xf32, #tpu.memory_space<vmem>>) target_semaphore(%arg11 : memref<!tpu.dma_semaphore, #tpu.memory_space<semaphore_mem>>)
      %slice3A_586 = vector.extract_strided_slice %get3A_393 {offsets = [12], sizes = [1], strides = [1]} : vector<16xi32> to vector<1xi32>
      %squeeze3A_587 = vector.extract %slice3A_586[0] : i32 from vector<1xi32>
      %add3A_588 = arith.constant 0 : i32
      %add3A_589 = arith.addi %add3A_588, %mul3A_126 : i32
      %add3A_590 = arith.constant 16 : i32
      %add3A_591 = arith.addi %add3A_589, %add3A_590 : i32
      %add3A_592 = arith.constant 12 : i32
      %add3A_593 = arith.addi %add3A_591, %add3A_592 : i32
      %dma_start3A_594 = arith.constant 0 : i32
      %dma_start3A_595 = tpu.memref_slice %arg10[%add3A_593, %dma_start3A_594] : memref<768x64xf32, #tpu.memory_space<vmem>> -> memref<1x64xf32, #tpu.memory_space<vmem>>
      %dma_start3A_596 = arith.constant 0 : i32
      %dma_start3A_597 = tpu.memref_slice %arg4[%squeeze3A_587, %dma_start3A_596] : memref<1000000x64xf32, #tpu.memory_space<hbm>> -> memref<1x64xf32, #tpu.memory_space<hbm>>
      %dma_start3A_598 = arith.constant 0 : i32
      %dma_start3A_599 = tpu.memref_slice %arg10[%add3A_593, %dma_start3A_598] : memref<768x64xf32, #tpu.memory_space<vmem>> -> memref<1x64xf32, #tpu.memory_space<vmem>>
      %dma_start3A_600 = arith.constant 0 : i32
      %dma_start3A_601 = tpu.memref_slice %arg4[%squeeze3A_587, %dma_start3A_600] : memref<1000000x64xf32, #tpu.memory_space<hbm>> -> memref<1x64xf32, #tpu.memory_space<hbm>>
      tpu.enqueue_dma source(%dma_start3A_601 : memref<1x64xf32, #tpu.memory_space<hbm>>) target(%dma_start3A_599 : memref<1x64xf32, #tpu.memory_space<vmem>>) target_semaphore(%arg11 : memref<!tpu.dma_semaphore, #tpu.memory_space<semaphore_mem>>)
      %slice3A_602 = vector.extract_strided_slice %get3A_393 {offsets = [13], sizes = [1], strides = [1]} : vector<16xi32> to vector<1xi32>
      %squeeze3A_603 = vector.extract %slice3A_602[0] : i32 from vector<1xi32>
      %add3A_604 = arith.constant 0 : i32
      %add3A_605 = arith.addi %add3A_604, %mul3A_126 : i32
      %add3A_606 = arith.constant 16 : i32
      %add3A_607 = arith.addi %add3A_605, %add3A_606 : i32
      %add3A_608 = arith.constant 13 : i32
      %add3A_609 = arith.addi %add3A_607, %add3A_608 : i32
      %dma_start3A_610 = arith.constant 0 : i32
      %dma_start3A_611 = tpu.memref_slice %arg10[%add3A_609, %dma_start3A_610] : memref<768x64xf32, #tpu.memory_space<vmem>> -> memref<1x64xf32, #tpu.memory_space<vmem>>
      %dma_start3A_612 = arith.constant 0 : i32
      %dma_start3A_613 = tpu.memref_slice %arg4[%squeeze3A_603, %dma_start3A_612] : memref<1000000x64xf32, #tpu.memory_space<hbm>> -> memref<1x64xf32, #tpu.memory_space<hbm>>
      %dma_start3A_614 = arith.constant 0 : i32
      %dma_start3A_615 = tpu.memref_slice %arg10[%add3A_609, %dma_start3A_614] : memref<768x64xf32, #tpu.memory_space<vmem>> -> memref<1x64xf32, #tpu.memory_space<vmem>>
      %dma_start3A_616 = arith.constant 0 : i32
      %dma_start3A_617 = tpu.memref_slice %arg4[%squeeze3A_603, %dma_start3A_616] : memref<1000000x64xf32, #tpu.memory_space<hbm>> -> memref<1x64xf32, #tpu.memory_space<hbm>>
      tpu.enqueue_dma source(%dma_start3A_617 : memref<1x64xf32, #tpu.memory_space<hbm>>) target(%dma_start3A_615 : memref<1x64xf32, #tpu.memory_space<vmem>>) target_semaphore(%arg11 : memref<!tpu.dma_semaphore, #tpu.memory_space<semaphore_mem>>)
      %slice3A_618 = vector.extract_strided_slice %get3A_393 {offsets = [14], sizes = [1], strides = [1]} : vector<16xi32> to vector<1xi32>
      %squeeze3A_619 = vector.extract %slice3A_618[0] : i32 from vector<1xi32>
      %add3A_620 = arith.constant 0 : i32
      %add3A_621 = arith.addi %add3A_620, %mul3A_126 : i32
      %add3A_622 = arith.constant 16 : i32
      %add3A_623 = arith.addi %add3A_621, %add3A_622 : i32
      %add3A_624 = arith.constant 14 : i32
      %add3A_625 = arith.addi %add3A_623, %add3A_624 : i32
      %dma_start3A_626 = arith.constant 0 : i32
      %dma_start3A_627 = tpu.memref_slice %arg10[%add3A_625, %dma_start3A_626] : memref<768x64xf32, #tpu.memory_space<vmem>> -> memref<1x64xf32, #tpu.memory_space<vmem>>
      %dma_start3A_628 = arith.constant 0 : i32
      %dma_start3A_629 = tpu.memref_slice %arg4[%squeeze3A_619, %dma_start3A_628] : memref<1000000x64xf32, #tpu.memory_space<hbm>> -> memref<1x64xf32, #tpu.memory_space<hbm>>
      %dma_start3A_630 = arith.constant 0 : i32
      %dma_start3A_631 = tpu.memref_slice %arg10[%add3A_625, %dma_start3A_630] : memref<768x64xf32, #tpu.memory_space<vmem>> -> memref<1x64xf32, #tpu.memory_space<vmem>>
      %dma_start3A_632 = arith.constant 0 : i32
      %dma_start3A_633 = tpu.memref_slice %arg4[%squeeze3A_619, %dma_start3A_632] : memref<1000000x64xf32, #tpu.memory_space<hbm>> -> memref<1x64xf32, #tpu.memory_space<hbm>>
      tpu.enqueue_dma source(%dma_start3A_633 : memref<1x64xf32, #tpu.memory_space<hbm>>) target(%dma_start3A_631 : memref<1x64xf32, #tpu.memory_space<vmem>>) target_semaphore(%arg11 : memref<!tpu.dma_semaphore, #tpu.memory_space<semaphore_mem>>)
      %slice3A_634 = vector.extract_strided_slice %get3A_393 {offsets = [15], sizes = [1], strides = [1]} : vector<16xi32> to vector<1xi32>
      %squeeze3A_635 = vector.extract %slice3A_634[0] : i32 from vector<1xi32>
      %add3A_636 = arith.constant 0 : i32
      %add3A_637 = arith.addi %add3A_636, %mul3A_126 : i32
      %add3A_638 = arith.constant 16 : i32
      %add3A_639 = arith.addi %add3A_637, %add3A_638 : i32
      %add3A_640 = arith.constant 15 : i32
      %add3A_641 = arith.addi %add3A_639, %add3A_640 : i32
      %dma_start3A_642 = arith.constant 0 : i32
      %dma_start3A_643 = tpu.memref_slice %arg10[%add3A_641, %dma_start3A_642] : memref<768x64xf32, #tpu.memory_space<vmem>> -> memref<1x64xf32, #tpu.memory_space<vmem>>
      %dma_start3A_644 = arith.constant 0 : i32
      %dma_start3A_645 = tpu.memref_slice %arg4[%squeeze3A_635, %dma_start3A_644] : memref<1000000x64xf32, #tpu.memory_space<hbm>> -> memref<1x64xf32, #tpu.memory_space<hbm>>
      %dma_start3A_646 = arith.constant 0 : i32
      %dma_start3A_647 = tpu.memref_slice %arg10[%add3A_641, %dma_start3A_646] : memref<768x64xf32, #tpu.memory_space<vmem>> -> memref<1x64xf32, #tpu.memory_space<vmem>>
      %dma_start3A_648 = arith.constant 0 : i32
      %dma_start3A_649 = tpu.memref_slice %arg4[%squeeze3A_635, %dma_start3A_648] : memref<1000000x64xf32, #tpu.memory_space<hbm>> -> memref<1x64xf32, #tpu.memory_space<hbm>>
      tpu.enqueue_dma source(%dma_start3A_649 : memref<1x64xf32, #tpu.memory_space<hbm>>) target(%dma_start3A_647 : memref<1x64xf32, #tpu.memory_space<vmem>>) target_semaphore(%arg11 : memref<!tpu.dma_semaphore, #tpu.memory_space<semaphore_mem>>)
    }
    %scan3A_29 = arith.constant 16 : i32
    %scan3A_30 = arith.constant 0 : i32
    %scan3A_31 = arith.constant 0 : i32
    %scan3A_32 = arith.constant 8 : i32
    %scan3A_33 = arith.addi %scan3A_31, %scan3A_32 : i32
    %scan3A_34 = arith.constant 1 : i32
    scf.for %scan3A_124 = %scan3A_31 to %scan3A_33 step %scan3A_34  : i32 {
      %mul3A_125 = arith.constant 32 : i32
      %mul3A_126 = arith.muli %scan3A_124, %mul3A_125 : i32
      %add3A_127 = arith.constant 0 : i32
      %add3A_128 = arith.addi %add3A_127, %mul3A_126 : i32
      %add3A_129 = arith.constant 0 : i32
      %add3A_130 = arith.addi %add3A_128, %add3A_129 : i32
      %get3A = arith.index_cast %add3A_130 : i32 to index
      %get3A_131 = tpu.vector_load %arg9[%get3A] {strides = array<i32>} : memref<512xi32, #tpu.memory_space<vmem>>, vector<16xi32>,
      %get3A_132 = vector.shape_cast %get3A_131 : vector<16xi32> to vector<16xi32>
      %slice3A = vector.extract_strided_slice %get3A_132 {offsets = [0], sizes = [1], strides = [1]} : vector<16xi32> to vector<1xi32>
      %squeeze3A = vector.extract %slice3A[0] : i32 from vector<1xi32>
      %add3A_133 = arith.constant 512 : i32
      %add3A_134 = arith.addi %add3A_133, %mul3A_126 : i32
      %add3A_135 = arith.constant 0 : i32
      %add3A_136 = arith.addi %add3A_134, %add3A_135 : i32
      %add3A_137 = arith.constant 0 : i32
      %add3A_138 = arith.addi %add3A_136, %add3A_137 : i32
      %dma_start3A_139 = arith.constant 0 : i32
      %dma_start3A_140 = tpu.memref_slice %arg10[%add3A_138, %dma_start3A_139] : memref<768x64xf32, #tpu.memory_space<vmem>> -> memref<1x64xf32, #tpu.memory_space<vmem>>
      %dma_start3A_141 = arith.constant 0 : i32
      %dma_start3A_142 = tpu.memref_slice %arg5[%squeeze3A, %dma_start3A_141] : memref<100000x64xf32, #tpu.memory_space<hbm>> -> memref<1x64xf32, #tpu.memory_space<hbm>>
      %dma_start3A_143 = arith.constant 0 : i32
      %dma_start3A_144 = tpu.memref_slice %arg10[%add3A_138, %dma_start3A_143] : memref<768x64xf32, #tpu.memory_space<vmem>> -> memref<1x64xf32, #tpu.memory_space<vmem>>
      %dma_start3A_145 = arith.constant 0 : i32
      %dma_start3A_146 = tpu.memref_slice %arg5[%squeeze3A, %dma_start3A_145] : memref<100000x64xf32, #tpu.memory_space<hbm>> -> memref<1x64xf32, #tpu.memory_space<hbm>>
      tpu.enqueue_dma source(%dma_start3A_146 : memref<1x64xf32, #tpu.memory_space<hbm>>) target(%dma_start3A_144 : memref<1x64xf32, #tpu.memory_space<vmem>>) target_semaphore(%arg11 : memref<!tpu.dma_semaphore, #tpu.memory_space<semaphore_mem>>)
      %slice3A_147 = vector.extract_strided_slice %get3A_132 {offsets = [1], sizes = [1], strides = [1]} : vector<16xi32> to vector<1xi32>
      %squeeze3A_148 = vector.extract %slice3A_147[0] : i32 from vector<1xi32>
      %add3A_149 = arith.constant 512 : i32
      %add3A_150 = arith.addi %add3A_149, %mul3A_126 : i32
      %add3A_151 = arith.constant 0 : i32
      %add3A_152 = arith.addi %add3A_150, %add3A_151 : i32
      %add3A_153 = arith.constant 1 : i32
      %add3A_154 = arith.addi %add3A_152, %add3A_153 : i32
      %dma_start3A_155 = arith.constant 0 : i32
      %dma_start3A_156 = tpu.memref_slice %arg10[%add3A_154, %dma_start3A_155] : memref<768x64xf32, #tpu.memory_space<vmem>> -> memref<1x64xf32, #tpu.memory_space<vmem>>
      %dma_start3A_157 = arith.constant 0 : i32
      %dma_start3A_158 = tpu.memref_slice %arg5[%squeeze3A_148, %dma_start3A_157] : memref<100000x64xf32, #tpu.memory_space<hbm>> -> memref<1x64xf32, #tpu.memory_space<hbm>>
      %dma_start3A_159 = arith.constant 0 : i32
      %dma_start3A_160 = tpu.memref_slice %arg10[%add3A_154, %dma_start3A_159] : memref<768x64xf32, #tpu.memory_space<vmem>> -> memref<1x64xf32, #tpu.memory_space<vmem>>
      %dma_start3A_161 = arith.constant 0 : i32
      %dma_start3A_162 = tpu.memref_slice %arg5[%squeeze3A_148, %dma_start3A_161] : memref<100000x64xf32, #tpu.memory_space<hbm>> -> memref<1x64xf32, #tpu.memory_space<hbm>>
      tpu.enqueue_dma source(%dma_start3A_162 : memref<1x64xf32, #tpu.memory_space<hbm>>) target(%dma_start3A_160 : memref<1x64xf32, #tpu.memory_space<vmem>>) target_semaphore(%arg11 : memref<!tpu.dma_semaphore, #tpu.memory_space<semaphore_mem>>)
      %slice3A_163 = vector.extract_strided_slice %get3A_132 {offsets = [2], sizes = [1], strides = [1]} : vector<16xi32> to vector<1xi32>
      %squeeze3A_164 = vector.extract %slice3A_163[0] : i32 from vector<1xi32>
      %add3A_165 = arith.constant 512 : i32
      %add3A_166 = arith.addi %add3A_165, %mul3A_126 : i32
      %add3A_167 = arith.constant 0 : i32
      %add3A_168 = arith.addi %add3A_166, %add3A_167 : i32
      %add3A_169 = arith.constant 2 : i32
      %add3A_170 = arith.addi %add3A_168, %add3A_169 : i32
      %dma_start3A_171 = arith.constant 0 : i32
      %dma_start3A_172 = tpu.memref_slice %arg10[%add3A_170, %dma_start3A_171] : memref<768x64xf32, #tpu.memory_space<vmem>> -> memref<1x64xf32, #tpu.memory_space<vmem>>
      %dma_start3A_173 = arith.constant 0 : i32
      %dma_start3A_174 = tpu.memref_slice %arg5[%squeeze3A_164, %dma_start3A_173] : memref<100000x64xf32, #tpu.memory_space<hbm>> -> memref<1x64xf32, #tpu.memory_space<hbm>>
      %dma_start3A_175 = arith.constant 0 : i32
      %dma_start3A_176 = tpu.memref_slice %arg10[%add3A_170, %dma_start3A_175] : memref<768x64xf32, #tpu.memory_space<vmem>> -> memref<1x64xf32, #tpu.memory_space<vmem>>
      %dma_start3A_177 = arith.constant 0 : i32
      %dma_start3A_178 = tpu.memref_slice %arg5[%squeeze3A_164, %dma_start3A_177] : memref<100000x64xf32, #tpu.memory_space<hbm>> -> memref<1x64xf32, #tpu.memory_space<hbm>>
      tpu.enqueue_dma source(%dma_start3A_178 : memref<1x64xf32, #tpu.memory_space<hbm>>) target(%dma_start3A_176 : memref<1x64xf32, #tpu.memory_space<vmem>>) target_semaphore(%arg11 : memref<!tpu.dma_semaphore, #tpu.memory_space<semaphore_mem>>)
      %slice3A_179 = vector.extract_strided_slice %get3A_132 {offsets = [3], sizes = [1], strides = [1]} : vector<16xi32> to vector<1xi32>
      %squeeze3A_180 = vector.extract %slice3A_179[0] : i32 from vector<1xi32>
      %add3A_181 = arith.constant 512 : i32
      %add3A_182 = arith.addi %add3A_181, %mul3A_126 : i32
      %add3A_183 = arith.constant 0 : i32
      %add3A_184 = arith.addi %add3A_182, %add3A_183 : i32
      %add3A_185 = arith.constant 3 : i32
      %add3A_186 = arith.addi %add3A_184, %add3A_185 : i32
      %dma_start3A_187 = arith.constant 0 : i32
      %dma_start3A_188 = tpu.memref_slice %arg10[%add3A_186, %dma_start3A_187] : memref<768x64xf32, #tpu.memory_space<vmem>> -> memref<1x64xf32, #tpu.memory_space<vmem>>
      %dma_start3A_189 = arith.constant 0 : i32
      %dma_start3A_190 = tpu.memref_slice %arg5[%squeeze3A_180, %dma_start3A_189] : memref<100000x64xf32, #tpu.memory_space<hbm>> -> memref<1x64xf32, #tpu.memory_space<hbm>>
      %dma_start3A_191 = arith.constant 0 : i32
      %dma_start3A_192 = tpu.memref_slice %arg10[%add3A_186, %dma_start3A_191] : memref<768x64xf32, #tpu.memory_space<vmem>> -> memref<1x64xf32, #tpu.memory_space<vmem>>
      %dma_start3A_193 = arith.constant 0 : i32
      %dma_start3A_194 = tpu.memref_slice %arg5[%squeeze3A_180, %dma_start3A_193] : memref<100000x64xf32, #tpu.memory_space<hbm>> -> memref<1x64xf32, #tpu.memory_space<hbm>>
      tpu.enqueue_dma source(%dma_start3A_194 : memref<1x64xf32, #tpu.memory_space<hbm>>) target(%dma_start3A_192 : memref<1x64xf32, #tpu.memory_space<vmem>>) target_semaphore(%arg11 : memref<!tpu.dma_semaphore, #tpu.memory_space<semaphore_mem>>)
      %slice3A_195 = vector.extract_strided_slice %get3A_132 {offsets = [4], sizes = [1], strides = [1]} : vector<16xi32> to vector<1xi32>
      %squeeze3A_196 = vector.extract %slice3A_195[0] : i32 from vector<1xi32>
      %add3A_197 = arith.constant 512 : i32
      %add3A_198 = arith.addi %add3A_197, %mul3A_126 : i32
      %add3A_199 = arith.constant 0 : i32
      %add3A_200 = arith.addi %add3A_198, %add3A_199 : i32
      %add3A_201 = arith.constant 4 : i32
      %add3A_202 = arith.addi %add3A_200, %add3A_201 : i32
      %dma_start3A_203 = arith.constant 0 : i32
      %dma_start3A_204 = tpu.memref_slice %arg10[%add3A_202, %dma_start3A_203] : memref<768x64xf32, #tpu.memory_space<vmem>> -> memref<1x64xf32, #tpu.memory_space<vmem>>
      %dma_start3A_205 = arith.constant 0 : i32
      %dma_start3A_206 = tpu.memref_slice %arg5[%squeeze3A_196, %dma_start3A_205] : memref<100000x64xf32, #tpu.memory_space<hbm>> -> memref<1x64xf32, #tpu.memory_space<hbm>>
      %dma_start3A_207 = arith.constant 0 : i32
      %dma_start3A_208 = tpu.memref_slice %arg10[%add3A_202, %dma_start3A_207] : memref<768x64xf32, #tpu.memory_space<vmem>> -> memref<1x64xf32, #tpu.memory_space<vmem>>
      %dma_start3A_209 = arith.constant 0 : i32
      %dma_start3A_210 = tpu.memref_slice %arg5[%squeeze3A_196, %dma_start3A_209] : memref<100000x64xf32, #tpu.memory_space<hbm>> -> memref<1x64xf32, #tpu.memory_space<hbm>>
      tpu.enqueue_dma source(%dma_start3A_210 : memref<1x64xf32, #tpu.memory_space<hbm>>) target(%dma_start3A_208 : memref<1x64xf32, #tpu.memory_space<vmem>>) target_semaphore(%arg11 : memref<!tpu.dma_semaphore, #tpu.memory_space<semaphore_mem>>)
      %slice3A_211 = vector.extract_strided_slice %get3A_132 {offsets = [5], sizes = [1], strides = [1]} : vector<16xi32> to vector<1xi32>
      %squeeze3A_212 = vector.extract %slice3A_211[0] : i32 from vector<1xi32>
      %add3A_213 = arith.constant 512 : i32
      %add3A_214 = arith.addi %add3A_213, %mul3A_126 : i32
      %add3A_215 = arith.constant 0 : i32
      %add3A_216 = arith.addi %add3A_214, %add3A_215 : i32
      %add3A_217 = arith.constant 5 : i32
      %add3A_218 = arith.addi %add3A_216, %add3A_217 : i32
      %dma_start3A_219 = arith.constant 0 : i32
      %dma_start3A_220 = tpu.memref_slice %arg10[%add3A_218, %dma_start3A_219] : memref<768x64xf32, #tpu.memory_space<vmem>> -> memref<1x64xf32, #tpu.memory_space<vmem>>
      %dma_start3A_221 = arith.constant 0 : i32
      %dma_start3A_222 = tpu.memref_slice %arg5[%squeeze3A_212, %dma_start3A_221] : memref<100000x64xf32, #tpu.memory_space<hbm>> -> memref<1x64xf32, #tpu.memory_space<hbm>>
      %dma_start3A_223 = arith.constant 0 : i32
      %dma_start3A_224 = tpu.memref_slice %arg10[%add3A_218, %dma_start3A_223] : memref<768x64xf32, #tpu.memory_space<vmem>> -> memref<1x64xf32, #tpu.memory_space<vmem>>
      %dma_start3A_225 = arith.constant 0 : i32
      %dma_start3A_226 = tpu.memref_slice %arg5[%squeeze3A_212, %dma_start3A_225] : memref<100000x64xf32, #tpu.memory_space<hbm>> -> memref<1x64xf32, #tpu.memory_space<hbm>>
      tpu.enqueue_dma source(%dma_start3A_226 : memref<1x64xf32, #tpu.memory_space<hbm>>) target(%dma_start3A_224 : memref<1x64xf32, #tpu.memory_space<vmem>>) target_semaphore(%arg11 : memref<!tpu.dma_semaphore, #tpu.memory_space<semaphore_mem>>)
      %slice3A_227 = vector.extract_strided_slice %get3A_132 {offsets = [6], sizes = [1], strides = [1]} : vector<16xi32> to vector<1xi32>
      %squeeze3A_228 = vector.extract %slice3A_227[0] : i32 from vector<1xi32>
      %add3A_229 = arith.constant 512 : i32
      %add3A_230 = arith.addi %add3A_229, %mul3A_126 : i32
      %add3A_231 = arith.constant 0 : i32
      %add3A_232 = arith.addi %add3A_230, %add3A_231 : i32
      %add3A_233 = arith.constant 6 : i32
      %add3A_234 = arith.addi %add3A_232, %add3A_233 : i32
      %dma_start3A_235 = arith.constant 0 : i32
      %dma_start3A_236 = tpu.memref_slice %arg10[%add3A_234, %dma_start3A_235] : memref<768x64xf32, #tpu.memory_space<vmem>> -> memref<1x64xf32, #tpu.memory_space<vmem>>
      %dma_start3A_237 = arith.constant 0 : i32
      %dma_start3A_238 = tpu.memref_slice %arg5[%squeeze3A_228, %dma_start3A_237] : memref<100000x64xf32, #tpu.memory_space<hbm>> -> memref<1x64xf32, #tpu.memory_space<hbm>>
      %dma_start3A_239 = arith.constant 0 : i32
      %dma_start3A_240 = tpu.memref_slice %arg10[%add3A_234, %dma_start3A_239] : memref<768x64xf32, #tpu.memory_space<vmem>> -> memref<1x64xf32, #tpu.memory_space<vmem>>
      %dma_start3A_241 = arith.constant 0 : i32
      %dma_start3A_242 = tpu.memref_slice %arg5[%squeeze3A_228, %dma_start3A_241] : memref<100000x64xf32, #tpu.memory_space<hbm>> -> memref<1x64xf32, #tpu.memory_space<hbm>>
      tpu.enqueue_dma source(%dma_start3A_242 : memref<1x64xf32, #tpu.memory_space<hbm>>) target(%dma_start3A_240 : memref<1x64xf32, #tpu.memory_space<vmem>>) target_semaphore(%arg11 : memref<!tpu.dma_semaphore, #tpu.memory_space<semaphore_mem>>)
      %slice3A_243 = vector.extract_strided_slice %get3A_132 {offsets = [7], sizes = [1], strides = [1]} : vector<16xi32> to vector<1xi32>
      %squeeze3A_244 = vector.extract %slice3A_243[0] : i32 from vector<1xi32>
      %add3A_245 = arith.constant 512 : i32
      %add3A_246 = arith.addi %add3A_245, %mul3A_126 : i32
      %add3A_247 = arith.constant 0 : i32
      %add3A_248 = arith.addi %add3A_246, %add3A_247 : i32
      %add3A_249 = arith.constant 7 : i32
      %add3A_250 = arith.addi %add3A_248, %add3A_249 : i32
      %dma_start3A_251 = arith.constant 0 : i32
      %dma_start3A_252 = tpu.memref_slice %arg10[%add3A_250, %dma_start3A_251] : memref<768x64xf32, #tpu.memory_space<vmem>> -> memref<1x64xf32, #tpu.memory_space<vmem>>
      %dma_start3A_253 = arith.constant 0 : i32
      %dma_start3A_254 = tpu.memref_slice %arg5[%squeeze3A_244, %dma_start3A_253] : memref<100000x64xf32, #tpu.memory_space<hbm>> -> memref<1x64xf32, #tpu.memory_space<hbm>>
      %dma_start3A_255 = arith.constant 0 : i32
      %dma_start3A_256 = tpu.memref_slice %arg10[%add3A_250, %dma_start3A_255] : memref<768x64xf32, #tpu.memory_space<vmem>> -> memref<1x64xf32, #tpu.memory_space<vmem>>
      %dma_start3A_257 = arith.constant 0 : i32
      %dma_start3A_258 = tpu.memref_slice %arg5[%squeeze3A_244, %dma_start3A_257] : memref<100000x64xf32, #tpu.memory_space<hbm>> -> memref<1x64xf32, #tpu.memory_space<hbm>>
      tpu.enqueue_dma source(%dma_start3A_258 : memref<1x64xf32, #tpu.memory_space<hbm>>) target(%dma_start3A_256 : memref<1x64xf32, #tpu.memory_space<vmem>>) target_semaphore(%arg11 : memref<!tpu.dma_semaphore, #tpu.memory_space<semaphore_mem>>)
      %slice3A_259 = vector.extract_strided_slice %get3A_132 {offsets = [8], sizes = [1], strides = [1]} : vector<16xi32> to vector<1xi32>
      %squeeze3A_260 = vector.extract %slice3A_259[0] : i32 from vector<1xi32>
      %add3A_261 = arith.constant 512 : i32
      %add3A_262 = arith.addi %add3A_261, %mul3A_126 : i32
      %add3A_263 = arith.constant 0 : i32
      %add3A_264 = arith.addi %add3A_262, %add3A_263 : i32
      %add3A_265 = arith.constant 8 : i32
      %add3A_266 = arith.addi %add3A_264, %add3A_265 : i32
      %dma_start3A_267 = arith.constant 0 : i32
      %dma_start3A_268 = tpu.memref_slice %arg10[%add3A_266, %dma_start3A_267] : memref<768x64xf32, #tpu.memory_space<vmem>> -> memref<1x64xf32, #tpu.memory_space<vmem>>
      %dma_start3A_269 = arith.constant 0 : i32
      %dma_start3A_270 = tpu.memref_slice %arg5[%squeeze3A_260, %dma_start3A_269] : memref<100000x64xf32, #tpu.memory_space<hbm>> -> memref<1x64xf32, #tpu.memory_space<hbm>>
      %dma_start3A_271 = arith.constant 0 : i32
      %dma_start3A_272 = tpu.memref_slice %arg10[%add3A_266, %dma_start3A_271] : memref<768x64xf32, #tpu.memory_space<vmem>> -> memref<1x64xf32, #tpu.memory_space<vmem>>
      %dma_start3A_273 = arith.constant 0 : i32
      %dma_start3A_274 = tpu.memref_slice %arg5[%squeeze3A_260, %dma_start3A_273] : memref<100000x64xf32, #tpu.memory_space<hbm>> -> memref<1x64xf32, #tpu.memory_space<hbm>>
      tpu.enqueue_dma source(%dma_start3A_274 : memref<1x64xf32, #tpu.memory_space<hbm>>) target(%dma_start3A_272 : memref<1x64xf32, #tpu.memory_space<vmem>>) target_semaphore(%arg11 : memref<!tpu.dma_semaphore, #tpu.memory_space<semaphore_mem>>)
      %slice3A_275 = vector.extract_strided_slice %get3A_132 {offsets = [9], sizes = [1], strides = [1]} : vector<16xi32> to vector<1xi32>
      %squeeze3A_276 = vector.extract %slice3A_275[0] : i32 from vector<1xi32>
      %add3A_277 = arith.constant 512 : i32
      %add3A_278 = arith.addi %add3A_277, %mul3A_126 : i32
      %add3A_279 = arith.constant 0 : i32
      %add3A_280 = arith.addi %add3A_278, %add3A_279 : i32
      %add3A_281 = arith.constant 9 : i32
      %add3A_282 = arith.addi %add3A_280, %add3A_281 : i32
      %dma_start3A_283 = arith.constant 0 : i32
      %dma_start3A_284 = tpu.memref_slice %arg10[%add3A_282, %dma_start3A_283] : memref<768x64xf32, #tpu.memory_space<vmem>> -> memref<1x64xf32, #tpu.memory_space<vmem>>
      %dma_start3A_285 = arith.constant 0 : i32
      %dma_start3A_286 = tpu.memref_slice %arg5[%squeeze3A_276, %dma_start3A_285] : memref<100000x64xf32, #tpu.memory_space<hbm>> -> memref<1x64xf32, #tpu.memory_space<hbm>>
      %dma_start3A_287 = arith.constant 0 : i32
      %dma_start3A_288 = tpu.memref_slice %arg10[%add3A_282, %dma_start3A_287] : memref<768x64xf32, #tpu.memory_space<vmem>> -> memref<1x64xf32, #tpu.memory_space<vmem>>
      %dma_start3A_289 = arith.constant 0 : i32
      %dma_start3A_290 = tpu.memref_slice %arg5[%squeeze3A_276, %dma_start3A_289] : memref<100000x64xf32, #tpu.memory_space<hbm>> -> memref<1x64xf32, #tpu.memory_space<hbm>>
      tpu.enqueue_dma source(%dma_start3A_290 : memref<1x64xf32, #tpu.memory_space<hbm>>) target(%dma_start3A_288 : memref<1x64xf32, #tpu.memory_space<vmem>>) target_semaphore(%arg11 : memref<!tpu.dma_semaphore, #tpu.memory_space<semaphore_mem>>)
      %slice3A_291 = vector.extract_strided_slice %get3A_132 {offsets = [10], sizes = [1], strides = [1]} : vector<16xi32> to vector<1xi32>
      %squeeze3A_292 = vector.extract %slice3A_291[0] : i32 from vector<1xi32>
      %add3A_293 = arith.constant 512 : i32
      %add3A_294 = arith.addi %add3A_293, %mul3A_126 : i32
      %add3A_295 = arith.constant 0 : i32
      %add3A_296 = arith.addi %add3A_294, %add3A_295 : i32
      %add3A_297 = arith.constant 10 : i32
      %add3A_298 = arith.addi %add3A_296, %add3A_297 : i32
      %dma_start3A_299 = arith.constant 0 : i32
      %dma_start3A_300 = tpu.memref_slice %arg10[%add3A_298, %dma_start3A_299] : memref<768x64xf32, #tpu.memory_space<vmem>> -> memref<1x64xf32, #tpu.memory_space<vmem>>
      %dma_start3A_301 = arith.constant 0 : i32
      %dma_start3A_302 = tpu.memref_slice %arg5[%squeeze3A_292, %dma_start3A_301] : memref<100000x64xf32, #tpu.memory_space<hbm>> -> memref<1x64xf32, #tpu.memory_space<hbm>>
      %dma_start3A_303 = arith.constant 0 : i32
      %dma_start3A_304 = tpu.memref_slice %arg10[%add3A_298, %dma_start3A_303] : memref<768x64xf32, #tpu.memory_space<vmem>> -> memref<1x64xf32, #tpu.memory_space<vmem>>
      %dma_start3A_305 = arith.constant 0 : i32
      %dma_start3A_306 = tpu.memref_slice %arg5[%squeeze3A_292, %dma_start3A_305] : memref<100000x64xf32, #tpu.memory_space<hbm>> -> memref<1x64xf32, #tpu.memory_space<hbm>>
      tpu.enqueue_dma source(%dma_start3A_306 : memref<1x64xf32, #tpu.memory_space<hbm>>) target(%dma_start3A_304 : memref<1x64xf32, #tpu.memory_space<vmem>>) target_semaphore(%arg11 : memref<!tpu.dma_semaphore, #tpu.memory_space<semaphore_mem>>)
      %slice3A_307 = vector.extract_strided_slice %get3A_132 {offsets = [11], sizes = [1], strides = [1]} : vector<16xi32> to vector<1xi32>
      %squeeze3A_308 = vector.extract %slice3A_307[0] : i32 from vector<1xi32>
      %add3A_309 = arith.constant 512 : i32
      %add3A_310 = arith.addi %add3A_309, %mul3A_126 : i32
      %add3A_311 = arith.constant 0 : i32
      %add3A_312 = arith.addi %add3A_310, %add3A_311 : i32
      %add3A_313 = arith.constant 11 : i32
      %add3A_314 = arith.addi %add3A_312, %add3A_313 : i32
      %dma_start3A_315 = arith.constant 0 : i32
      %dma_start3A_316 = tpu.memref_slice %arg10[%add3A_314, %dma_start3A_315] : memref<768x64xf32, #tpu.memory_space<vmem>> -> memref<1x64xf32, #tpu.memory_space<vmem>>
      %dma_start3A_317 = arith.constant 0 : i32
      %dma_start3A_318 = tpu.memref_slice %arg5[%squeeze3A_308, %dma_start3A_317] : memref<100000x64xf32, #tpu.memory_space<hbm>> -> memref<1x64xf32, #tpu.memory_space<hbm>>
      %dma_start3A_319 = arith.constant 0 : i32
      %dma_start3A_320 = tpu.memref_slice %arg10[%add3A_314, %dma_start3A_319] : memref<768x64xf32, #tpu.memory_space<vmem>> -> memref<1x64xf32, #tpu.memory_space<vmem>>
      %dma_start3A_321 = arith.constant 0 : i32
      %dma_start3A_322 = tpu.memref_slice %arg5[%squeeze3A_308, %dma_start3A_321] : memref<100000x64xf32, #tpu.memory_space<hbm>> -> memref<1x64xf32, #tpu.memory_space<hbm>>
      tpu.enqueue_dma source(%dma_start3A_322 : memref<1x64xf32, #tpu.memory_space<hbm>>) target(%dma_start3A_320 : memref<1x64xf32, #tpu.memory_space<vmem>>) target_semaphore(%arg11 : memref<!tpu.dma_semaphore, #tpu.memory_space<semaphore_mem>>)
      %slice3A_323 = vector.extract_strided_slice %get3A_132 {offsets = [12], sizes = [1], strides = [1]} : vector<16xi32> to vector<1xi32>
      %squeeze3A_324 = vector.extract %slice3A_323[0] : i32 from vector<1xi32>
      %add3A_325 = arith.constant 512 : i32
      %add3A_326 = arith.addi %add3A_325, %mul3A_126 : i32
      %add3A_327 = arith.constant 0 : i32
      %add3A_328 = arith.addi %add3A_326, %add3A_327 : i32
      %add3A_329 = arith.constant 12 : i32
      %add3A_330 = arith.addi %add3A_328, %add3A_329 : i32
      %dma_start3A_331 = arith.constant 0 : i32
      %dma_start3A_332 = tpu.memref_slice %arg10[%add3A_330, %dma_start3A_331] : memref<768x64xf32, #tpu.memory_space<vmem>> -> memref<1x64xf32, #tpu.memory_space<vmem>>
      %dma_start3A_333 = arith.constant 0 : i32
      %dma_start3A_334 = tpu.memref_slice %arg5[%squeeze3A_324, %dma_start3A_333] : memref<100000x64xf32, #tpu.memory_space<hbm>> -> memref<1x64xf32, #tpu.memory_space<hbm>>
      %dma_start3A_335 = arith.constant 0 : i32
      %dma_start3A_336 = tpu.memref_slice %arg10[%add3A_330, %dma_start3A_335] : memref<768x64xf32, #tpu.memory_space<vmem>> -> memref<1x64xf32, #tpu.memory_space<vmem>>
      %dma_start3A_337 = arith.constant 0 : i32
      %dma_start3A_338 = tpu.memref_slice %arg5[%squeeze3A_324, %dma_start3A_337] : memref<100000x64xf32, #tpu.memory_space<hbm>> -> memref<1x64xf32, #tpu.memory_space<hbm>>
      tpu.enqueue_dma source(%dma_start3A_338 : memref<1x64xf32, #tpu.memory_space<hbm>>) target(%dma_start3A_336 : memref<1x64xf32, #tpu.memory_space<vmem>>) target_semaphore(%arg11 : memref<!tpu.dma_semaphore, #tpu.memory_space<semaphore_mem>>)
      %slice3A_339 = vector.extract_strided_slice %get3A_132 {offsets = [13], sizes = [1], strides = [1]} : vector<16xi32> to vector<1xi32>
      %squeeze3A_340 = vector.extract %slice3A_339[0] : i32 from vector<1xi32>
      %add3A_341 = arith.constant 512 : i32
      %add3A_342 = arith.addi %add3A_341, %mul3A_126 : i32
      %add3A_343 = arith.constant 0 : i32
      %add3A_344 = arith.addi %add3A_342, %add3A_343 : i32
      %add3A_345 = arith.constant 13 : i32
      %add3A_346 = arith.addi %add3A_344, %add3A_345 : i32
      %dma_start3A_347 = arith.constant 0 : i32
      %dma_start3A_348 = tpu.memref_slice %arg10[%add3A_346, %dma_start3A_347] : memref<768x64xf32, #tpu.memory_space<vmem>> -> memref<1x64xf32, #tpu.memory_space<vmem>>
      %dma_start3A_349 = arith.constant 0 : i32
      %dma_start3A_350 = tpu.memref_slice %arg5[%squeeze3A_340, %dma_start3A_349] : memref<100000x64xf32, #tpu.memory_space<hbm>> -> memref<1x64xf32, #tpu.memory_space<hbm>>
      %dma_start3A_351 = arith.constant 0 : i32
      %dma_start3A_352 = tpu.memref_slice %arg10[%add3A_346, %dma_start3A_351] : memref<768x64xf32, #tpu.memory_space<vmem>> -> memref<1x64xf32, #tpu.memory_space<vmem>>
      %dma_start3A_353 = arith.constant 0 : i32
      %dma_start3A_354 = tpu.memref_slice %arg5[%squeeze3A_340, %dma_start3A_353] : memref<100000x64xf32, #tpu.memory_space<hbm>> -> memref<1x64xf32, #tpu.memory_space<hbm>>
      tpu.enqueue_dma source(%dma_start3A_354 : memref<1x64xf32, #tpu.memory_space<hbm>>) target(%dma_start3A_352 : memref<1x64xf32, #tpu.memory_space<vmem>>) target_semaphore(%arg11 : memref<!tpu.dma_semaphore, #tpu.memory_space<semaphore_mem>>)
      %slice3A_355 = vector.extract_strided_slice %get3A_132 {offsets = [14], sizes = [1], strides = [1]} : vector<16xi32> to vector<1xi32>
      %squeeze3A_356 = vector.extract %slice3A_355[0] : i32 from vector<1xi32>
      %add3A_357 = arith.constant 512 : i32
      %add3A_358 = arith.addi %add3A_357, %mul3A_126 : i32
      %add3A_359 = arith.constant 0 : i32
      %add3A_360 = arith.addi %add3A_358, %add3A_359 : i32
      %add3A_361 = arith.constant 14 : i32
      %add3A_362 = arith.addi %add3A_360, %add3A_361 : i32
      %dma_start3A_363 = arith.constant 0 : i32
      %dma_start3A_364 = tpu.memref_slice %arg10[%add3A_362, %dma_start3A_363] : memref<768x64xf32, #tpu.memory_space<vmem>> -> memref<1x64xf32, #tpu.memory_space<vmem>>
      %dma_start3A_365 = arith.constant 0 : i32
      %dma_start3A_366 = tpu.memref_slice %arg5[%squeeze3A_356, %dma_start3A_365] : memref<100000x64xf32, #tpu.memory_space<hbm>> -> memref<1x64xf32, #tpu.memory_space<hbm>>
      %dma_start3A_367 = arith.constant 0 : i32
      %dma_start3A_368 = tpu.memref_slice %arg10[%add3A_362, %dma_start3A_367] : memref<768x64xf32, #tpu.memory_space<vmem>> -> memref<1x64xf32, #tpu.memory_space<vmem>>
      %dma_start3A_369 = arith.constant 0 : i32
      %dma_start3A_370 = tpu.memref_slice %arg5[%squeeze3A_356, %dma_start3A_369] : memref<100000x64xf32, #tpu.memory_space<hbm>> -> memref<1x64xf32, #tpu.memory_space<hbm>>
      tpu.enqueue_dma source(%dma_start3A_370 : memref<1x64xf32, #tpu.memory_space<hbm>>) target(%dma_start3A_368 : memref<1x64xf32, #tpu.memory_space<vmem>>) target_semaphore(%arg11 : memref<!tpu.dma_semaphore, #tpu.memory_space<semaphore_mem>>)
      %slice3A_371 = vector.extract_strided_slice %get3A_132 {offsets = [15], sizes = [1], strides = [1]} : vector<16xi32> to vector<1xi32>
      %squeeze3A_372 = vector.extract %slice3A_371[0] : i32 from vector<1xi32>
      %add3A_373 = arith.constant 512 : i32
      %add3A_374 = arith.addi %add3A_373, %mul3A_126 : i32
      %add3A_375 = arith.constant 0 : i32
      %add3A_376 = arith.addi %add3A_374, %add3A_375 : i32
      %add3A_377 = arith.constant 15 : i32
      %add3A_378 = arith.addi %add3A_376, %add3A_377 : i32
      %dma_start3A_379 = arith.constant 0 : i32
      %dma_start3A_380 = tpu.memref_slice %arg10[%add3A_378, %dma_start3A_379] : memref<768x64xf32, #tpu.memory_space<vmem>> -> memref<1x64xf32, #tpu.memory_space<vmem>>
      %dma_start3A_381 = arith.constant 0 : i32
      %dma_start3A_382 = tpu.memref_slice %arg5[%squeeze3A_372, %dma_start3A_381] : memref<100000x64xf32, #tpu.memory_space<hbm>> -> memref<1x64xf32, #tpu.memory_space<hbm>>
      %dma_start3A_383 = arith.constant 0 : i32
      %dma_start3A_384 = tpu.memref_slice %arg10[%add3A_378, %dma_start3A_383] : memref<768x64xf32, #tpu.memory_space<vmem>> -> memref<1x64xf32, #tpu.memory_space<vmem>>
      %dma_start3A_385 = arith.constant 0 : i32
      %dma_start3A_386 = tpu.memref_slice %arg5[%squeeze3A_372, %dma_start3A_385] : memref<100000x64xf32, #tpu.memory_space<hbm>> -> memref<1x64xf32, #tpu.memory_space<hbm>>
      tpu.enqueue_dma source(%dma_start3A_386 : memref<1x64xf32, #tpu.memory_space<hbm>>) target(%dma_start3A_384 : memref<1x64xf32, #tpu.memory_space<vmem>>) target_semaphore(%arg11 : memref<!tpu.dma_semaphore, #tpu.memory_space<semaphore_mem>>)
      %add3A_387 = arith.constant 0 : i32
      %add3A_388 = arith.addi %add3A_387, %mul3A_126 : i32
      %add3A_389 = arith.constant 16 : i32
      %add3A_390 = arith.addi %add3A_388, %add3A_389 : i32
      %get3A_391 = arith.index_cast %add3A_390 : i32 to index
      %get3A_392 = tpu.vector_load %arg9[%get3A_391] {strides = array<i32>} : memref<512xi32, #tpu.memory_space<vmem>>, vector<16xi32>,
      %get3A_393 = vector.shape_cast %get3A_392 : vector<16xi32> to vector<16xi32>
      %slice3A_394 = vector.extract_strided_slice %get3A_393 {offsets = [0], sizes = [1], strides = [1]} : vector<16xi32> to vector<1xi32>
      %squeeze3A_395 = vector.extract %slice3A_394[0] : i32 from vector<1xi32>
      %add3A_396 = arith.constant 512 : i32
      %add3A_397 = arith.addi %add3A_396, %mul3A_126 : i32
      %add3A_398 = arith.constant 16 : i32
      %add3A_399 = arith.addi %add3A_397, %add3A_398 : i32
      %add3A_400 = arith.constant 0 : i32
      %add3A_401 = arith.addi %add3A_399, %add3A_400 : i32
      %dma_start3A_402 = arith.constant 0 : i32
      %dma_start3A_403 = tpu.memref_slice %arg10[%add3A_401, %dma_start3A_402] : memref<768x64xf32, #tpu.memory_space<vmem>> -> memref<1x64xf32, #tpu.memory_space<vmem>>
      %dma_start3A_404 = arith.constant 0 : i32
      %dma_start3A_405 = tpu.memref_slice %arg5[%squeeze3A_395, %dma_start3A_404] : memref<100000x64xf32, #tpu.memory_space<hbm>> -> memref<1x64xf32, #tpu.memory_space<hbm>>
      %dma_start3A_406 = arith.constant 0 : i32
      %dma_start3A_407 = tpu.memref_slice %arg10[%add3A_401, %dma_start3A_406] : memref<768x64xf32, #tpu.memory_space<vmem>> -> memref<1x64xf32, #tpu.memory_space<vmem>>
      %dma_start3A_408 = arith.constant 0 : i32
      %dma_start3A_409 = tpu.memref_slice %arg5[%squeeze3A_395, %dma_start3A_408] : memref<100000x64xf32, #tpu.memory_space<hbm>> -> memref<1x64xf32, #tpu.memory_space<hbm>>
      tpu.enqueue_dma source(%dma_start3A_409 : memref<1x64xf32, #tpu.memory_space<hbm>>) target(%dma_start3A_407 : memref<1x64xf32, #tpu.memory_space<vmem>>) target_semaphore(%arg11 : memref<!tpu.dma_semaphore, #tpu.memory_space<semaphore_mem>>)
      %slice3A_410 = vector.extract_strided_slice %get3A_393 {offsets = [1], sizes = [1], strides = [1]} : vector<16xi32> to vector<1xi32>
      %squeeze3A_411 = vector.extract %slice3A_410[0] : i32 from vector<1xi32>
      %add3A_412 = arith.constant 512 : i32
      %add3A_413 = arith.addi %add3A_412, %mul3A_126 : i32
      %add3A_414 = arith.constant 16 : i32
      %add3A_415 = arith.addi %add3A_413, %add3A_414 : i32
      %add3A_416 = arith.constant 1 : i32
      %add3A_417 = arith.addi %add3A_415, %add3A_416 : i32
      %dma_start3A_418 = arith.constant 0 : i32
      %dma_start3A_419 = tpu.memref_slice %arg10[%add3A_417, %dma_start3A_418] : memref<768x64xf32, #tpu.memory_space<vmem>> -> memref<1x64xf32, #tpu.memory_space<vmem>>
      %dma_start3A_420 = arith.constant 0 : i32
      %dma_start3A_421 = tpu.memref_slice %arg5[%squeeze3A_411, %dma_start3A_420] : memref<100000x64xf32, #tpu.memory_space<hbm>> -> memref<1x64xf32, #tpu.memory_space<hbm>>
      %dma_start3A_422 = arith.constant 0 : i32
      %dma_start3A_423 = tpu.memref_slice %arg10[%add3A_417, %dma_start3A_422] : memref<768x64xf32, #tpu.memory_space<vmem>> -> memref<1x64xf32, #tpu.memory_space<vmem>>
      %dma_start3A_424 = arith.constant 0 : i32
      %dma_start3A_425 = tpu.memref_slice %arg5[%squeeze3A_411, %dma_start3A_424] : memref<100000x64xf32, #tpu.memory_space<hbm>> -> memref<1x64xf32, #tpu.memory_space<hbm>>
      tpu.enqueue_dma source(%dma_start3A_425 : memref<1x64xf32, #tpu.memory_space<hbm>>) target(%dma_start3A_423 : memref<1x64xf32, #tpu.memory_space<vmem>>) target_semaphore(%arg11 : memref<!tpu.dma_semaphore, #tpu.memory_space<semaphore_mem>>)
      %slice3A_426 = vector.extract_strided_slice %get3A_393 {offsets = [2], sizes = [1], strides = [1]} : vector<16xi32> to vector<1xi32>
      %squeeze3A_427 = vector.extract %slice3A_426[0] : i32 from vector<1xi32>
      %add3A_428 = arith.constant 512 : i32
      %add3A_429 = arith.addi %add3A_428, %mul3A_126 : i32
      %add3A_430 = arith.constant 16 : i32
      %add3A_431 = arith.addi %add3A_429, %add3A_430 : i32
      %add3A_432 = arith.constant 2 : i32
      %add3A_433 = arith.addi %add3A_431, %add3A_432 : i32
      %dma_start3A_434 = arith.constant 0 : i32
      %dma_start3A_435 = tpu.memref_slice %arg10[%add3A_433, %dma_start3A_434] : memref<768x64xf32, #tpu.memory_space<vmem>> -> memref<1x64xf32, #tpu.memory_space<vmem>>
      %dma_start3A_436 = arith.constant 0 : i32
      %dma_start3A_437 = tpu.memref_slice %arg5[%squeeze3A_427, %dma_start3A_436] : memref<100000x64xf32, #tpu.memory_space<hbm>> -> memref<1x64xf32, #tpu.memory_space<hbm>>
      %dma_start3A_438 = arith.constant 0 : i32
      %dma_start3A_439 = tpu.memref_slice %arg10[%add3A_433, %dma_start3A_438] : memref<768x64xf32, #tpu.memory_space<vmem>> -> memref<1x64xf32, #tpu.memory_space<vmem>>
      %dma_start3A_440 = arith.constant 0 : i32
      %dma_start3A_441 = tpu.memref_slice %arg5[%squeeze3A_427, %dma_start3A_440] : memref<100000x64xf32, #tpu.memory_space<hbm>> -> memref<1x64xf32, #tpu.memory_space<hbm>>
      tpu.enqueue_dma source(%dma_start3A_441 : memref<1x64xf32, #tpu.memory_space<hbm>>) target(%dma_start3A_439 : memref<1x64xf32, #tpu.memory_space<vmem>>) target_semaphore(%arg11 : memref<!tpu.dma_semaphore, #tpu.memory_space<semaphore_mem>>)
      %slice3A_442 = vector.extract_strided_slice %get3A_393 {offsets = [3], sizes = [1], strides = [1]} : vector<16xi32> to vector<1xi32>
      %squeeze3A_443 = vector.extract %slice3A_442[0] : i32 from vector<1xi32>
      %add3A_444 = arith.constant 512 : i32
      %add3A_445 = arith.addi %add3A_444, %mul3A_126 : i32
      %add3A_446 = arith.constant 16 : i32
      %add3A_447 = arith.addi %add3A_445, %add3A_446 : i32
      %add3A_448 = arith.constant 3 : i32
      %add3A_449 = arith.addi %add3A_447, %add3A_448 : i32
      %dma_start3A_450 = arith.constant 0 : i32
      %dma_start3A_451 = tpu.memref_slice %arg10[%add3A_449, %dma_start3A_450] : memref<768x64xf32, #tpu.memory_space<vmem>> -> memref<1x64xf32, #tpu.memory_space<vmem>>
      %dma_start3A_452 = arith.constant 0 : i32
      %dma_start3A_453 = tpu.memref_slice %arg5[%squeeze3A_443, %dma_start3A_452] : memref<100000x64xf32, #tpu.memory_space<hbm>> -> memref<1x64xf32, #tpu.memory_space<hbm>>
      %dma_start3A_454 = arith.constant 0 : i32
      %dma_start3A_455 = tpu.memref_slice %arg10[%add3A_449, %dma_start3A_454] : memref<768x64xf32, #tpu.memory_space<vmem>> -> memref<1x64xf32, #tpu.memory_space<vmem>>
      %dma_start3A_456 = arith.constant 0 : i32
      %dma_start3A_457 = tpu.memref_slice %arg5[%squeeze3A_443, %dma_start3A_456] : memref<100000x64xf32, #tpu.memory_space<hbm>> -> memref<1x64xf32, #tpu.memory_space<hbm>>
      tpu.enqueue_dma source(%dma_start3A_457 : memref<1x64xf32, #tpu.memory_space<hbm>>) target(%dma_start3A_455 : memref<1x64xf32, #tpu.memory_space<vmem>>) target_semaphore(%arg11 : memref<!tpu.dma_semaphore, #tpu.memory_space<semaphore_mem>>)
      %slice3A_458 = vector.extract_strided_slice %get3A_393 {offsets = [4], sizes = [1], strides = [1]} : vector<16xi32> to vector<1xi32>
      %squeeze3A_459 = vector.extract %slice3A_458[0] : i32 from vector<1xi32>
      %add3A_460 = arith.constant 512 : i32
      %add3A_461 = arith.addi %add3A_460, %mul3A_126 : i32
      %add3A_462 = arith.constant 16 : i32
      %add3A_463 = arith.addi %add3A_461, %add3A_462 : i32
      %add3A_464 = arith.constant 4 : i32
      %add3A_465 = arith.addi %add3A_463, %add3A_464 : i32
      %dma_start3A_466 = arith.constant 0 : i32
      %dma_start3A_467 = tpu.memref_slice %arg10[%add3A_465, %dma_start3A_466] : memref<768x64xf32, #tpu.memory_space<vmem>> -> memref<1x64xf32, #tpu.memory_space<vmem>>
      %dma_start3A_468 = arith.constant 0 : i32
      %dma_start3A_469 = tpu.memref_slice %arg5[%squeeze3A_459, %dma_start3A_468] : memref<100000x64xf32, #tpu.memory_space<hbm>> -> memref<1x64xf32, #tpu.memory_space<hbm>>
      %dma_start3A_470 = arith.constant 0 : i32
      %dma_start3A_471 = tpu.memref_slice %arg10[%add3A_465, %dma_start3A_470] : memref<768x64xf32, #tpu.memory_space<vmem>> -> memref<1x64xf32, #tpu.memory_space<vmem>>
      %dma_start3A_472 = arith.constant 0 : i32
      %dma_start3A_473 = tpu.memref_slice %arg5[%squeeze3A_459, %dma_start3A_472] : memref<100000x64xf32, #tpu.memory_space<hbm>> -> memref<1x64xf32, #tpu.memory_space<hbm>>
      tpu.enqueue_dma source(%dma_start3A_473 : memref<1x64xf32, #tpu.memory_space<hbm>>) target(%dma_start3A_471 : memref<1x64xf32, #tpu.memory_space<vmem>>) target_semaphore(%arg11 : memref<!tpu.dma_semaphore, #tpu.memory_space<semaphore_mem>>)
      %slice3A_474 = vector.extract_strided_slice %get3A_393 {offsets = [5], sizes = [1], strides = [1]} : vector<16xi32> to vector<1xi32>
      %squeeze3A_475 = vector.extract %slice3A_474[0] : i32 from vector<1xi32>
      %add3A_476 = arith.constant 512 : i32
      %add3A_477 = arith.addi %add3A_476, %mul3A_126 : i32
      %add3A_478 = arith.constant 16 : i32
      %add3A_479 = arith.addi %add3A_477, %add3A_478 : i32
      %add3A_480 = arith.constant 5 : i32
      %add3A_481 = arith.addi %add3A_479, %add3A_480 : i32
      %dma_start3A_482 = arith.constant 0 : i32
      %dma_start3A_483 = tpu.memref_slice %arg10[%add3A_481, %dma_start3A_482] : memref<768x64xf32, #tpu.memory_space<vmem>> -> memref<1x64xf32, #tpu.memory_space<vmem>>
      %dma_start3A_484 = arith.constant 0 : i32
      %dma_start3A_485 = tpu.memref_slice %arg5[%squeeze3A_475, %dma_start3A_484] : memref<100000x64xf32, #tpu.memory_space<hbm>> -> memref<1x64xf32, #tpu.memory_space<hbm>>
      %dma_start3A_486 = arith.constant 0 : i32
      %dma_start3A_487 = tpu.memref_slice %arg10[%add3A_481, %dma_start3A_486] : memref<768x64xf32, #tpu.memory_space<vmem>> -> memref<1x64xf32, #tpu.memory_space<vmem>>
      %dma_start3A_488 = arith.constant 0 : i32
      %dma_start3A_489 = tpu.memref_slice %arg5[%squeeze3A_475, %dma_start3A_488] : memref<100000x64xf32, #tpu.memory_space<hbm>> -> memref<1x64xf32, #tpu.memory_space<hbm>>
      tpu.enqueue_dma source(%dma_start3A_489 : memref<1x64xf32, #tpu.memory_space<hbm>>) target(%dma_start3A_487 : memref<1x64xf32, #tpu.memory_space<vmem>>) target_semaphore(%arg11 : memref<!tpu.dma_semaphore, #tpu.memory_space<semaphore_mem>>)
      %slice3A_490 = vector.extract_strided_slice %get3A_393 {offsets = [6], sizes = [1], strides = [1]} : vector<16xi32> to vector<1xi32>
      %squeeze3A_491 = vector.extract %slice3A_490[0] : i32 from vector<1xi32>
      %add3A_492 = arith.constant 512 : i32
      %add3A_493 = arith.addi %add3A_492, %mul3A_126 : i32
      %add3A_494 = arith.constant 16 : i32
      %add3A_495 = arith.addi %add3A_493, %add3A_494 : i32
      %add3A_496 = arith.constant 6 : i32
      %add3A_497 = arith.addi %add3A_495, %add3A_496 : i32
      %dma_start3A_498 = arith.constant 0 : i32
      %dma_start3A_499 = tpu.memref_slice %arg10[%add3A_497, %dma_start3A_498] : memref<768x64xf32, #tpu.memory_space<vmem>> -> memref<1x64xf32, #tpu.memory_space<vmem>>
      %dma_start3A_500 = arith.constant 0 : i32
      %dma_start3A_501 = tpu.memref_slice %arg5[%squeeze3A_491, %dma_start3A_500] : memref<100000x64xf32, #tpu.memory_space<hbm>> -> memref<1x64xf32, #tpu.memory_space<hbm>>
      %dma_start3A_502 = arith.constant 0 : i32
      %dma_start3A_503 = tpu.memref_slice %arg10[%add3A_497, %dma_start3A_502] : memref<768x64xf32, #tpu.memory_space<vmem>> -> memref<1x64xf32, #tpu.memory_space<vmem>>
      %dma_start3A_504 = arith.constant 0 : i32
      %dma_start3A_505 = tpu.memref_slice %arg5[%squeeze3A_491, %dma_start3A_504] : memref<100000x64xf32, #tpu.memory_space<hbm>> -> memref<1x64xf32, #tpu.memory_space<hbm>>
      tpu.enqueue_dma source(%dma_start3A_505 : memref<1x64xf32, #tpu.memory_space<hbm>>) target(%dma_start3A_503 : memref<1x64xf32, #tpu.memory_space<vmem>>) target_semaphore(%arg11 : memref<!tpu.dma_semaphore, #tpu.memory_space<semaphore_mem>>)
      %slice3A_506 = vector.extract_strided_slice %get3A_393 {offsets = [7], sizes = [1], strides = [1]} : vector<16xi32> to vector<1xi32>
      %squeeze3A_507 = vector.extract %slice3A_506[0] : i32 from vector<1xi32>
      %add3A_508 = arith.constant 512 : i32
      %add3A_509 = arith.addi %add3A_508, %mul3A_126 : i32
      %add3A_510 = arith.constant 16 : i32
      %add3A_511 = arith.addi %add3A_509, %add3A_510 : i32
      %add3A_512 = arith.constant 7 : i32
      %add3A_513 = arith.addi %add3A_511, %add3A_512 : i32
      %dma_start3A_514 = arith.constant 0 : i32
      %dma_start3A_515 = tpu.memref_slice %arg10[%add3A_513, %dma_start3A_514] : memref<768x64xf32, #tpu.memory_space<vmem>> -> memref<1x64xf32, #tpu.memory_space<vmem>>
      %dma_start3A_516 = arith.constant 0 : i32
      %dma_start3A_517 = tpu.memref_slice %arg5[%squeeze3A_507, %dma_start3A_516] : memref<100000x64xf32, #tpu.memory_space<hbm>> -> memref<1x64xf32, #tpu.memory_space<hbm>>
      %dma_start3A_518 = arith.constant 0 : i32
      %dma_start3A_519 = tpu.memref_slice %arg10[%add3A_513, %dma_start3A_518] : memref<768x64xf32, #tpu.memory_space<vmem>> -> memref<1x64xf32, #tpu.memory_space<vmem>>
      %dma_start3A_520 = arith.constant 0 : i32
      %dma_start3A_521 = tpu.memref_slice %arg5[%squeeze3A_507, %dma_start3A_520] : memref<100000x64xf32, #tpu.memory_space<hbm>> -> memref<1x64xf32, #tpu.memory_space<hbm>>
      tpu.enqueue_dma source(%dma_start3A_521 : memref<1x64xf32, #tpu.memory_space<hbm>>) target(%dma_start3A_519 : memref<1x64xf32, #tpu.memory_space<vmem>>) target_semaphore(%arg11 : memref<!tpu.dma_semaphore, #tpu.memory_space<semaphore_mem>>)
      %slice3A_522 = vector.extract_strided_slice %get3A_393 {offsets = [8], sizes = [1], strides = [1]} : vector<16xi32> to vector<1xi32>
      %squeeze3A_523 = vector.extract %slice3A_522[0] : i32 from vector<1xi32>
      %add3A_524 = arith.constant 512 : i32
      %add3A_525 = arith.addi %add3A_524, %mul3A_126 : i32
      %add3A_526 = arith.constant 16 : i32
      %add3A_527 = arith.addi %add3A_525, %add3A_526 : i32
      %add3A_528 = arith.constant 8 : i32
      %add3A_529 = arith.addi %add3A_527, %add3A_528 : i32
      %dma_start3A_530 = arith.constant 0 : i32
      %dma_start3A_531 = tpu.memref_slice %arg10[%add3A_529, %dma_start3A_530] : memref<768x64xf32, #tpu.memory_space<vmem>> -> memref<1x64xf32, #tpu.memory_space<vmem>>
      %dma_start3A_532 = arith.constant 0 : i32
      %dma_start3A_533 = tpu.memref_slice %arg5[%squeeze3A_523, %dma_start3A_532] : memref<100000x64xf32, #tpu.memory_space<hbm>> -> memref<1x64xf32, #tpu.memory_space<hbm>>
      %dma_start3A_534 = arith.constant 0 : i32
      %dma_start3A_535 = tpu.memref_slice %arg10[%add3A_529, %dma_start3A_534] : memref<768x64xf32, #tpu.memory_space<vmem>> -> memref<1x64xf32, #tpu.memory_space<vmem>>
      %dma_start3A_536 = arith.constant 0 : i32
      %dma_start3A_537 = tpu.memref_slice %arg5[%squeeze3A_523, %dma_start3A_536] : memref<100000x64xf32, #tpu.memory_space<hbm>> -> memref<1x64xf32, #tpu.memory_space<hbm>>
      tpu.enqueue_dma source(%dma_start3A_537 : memref<1x64xf32, #tpu.memory_space<hbm>>) target(%dma_start3A_535 : memref<1x64xf32, #tpu.memory_space<vmem>>) target_semaphore(%arg11 : memref<!tpu.dma_semaphore, #tpu.memory_space<semaphore_mem>>)
      %slice3A_538 = vector.extract_strided_slice %get3A_393 {offsets = [9], sizes = [1], strides = [1]} : vector<16xi32> to vector<1xi32>
      %squeeze3A_539 = vector.extract %slice3A_538[0] : i32 from vector<1xi32>
      %add3A_540 = arith.constant 512 : i32
      %add3A_541 = arith.addi %add3A_540, %mul3A_126 : i32
      %add3A_542 = arith.constant 16 : i32
      %add3A_543 = arith.addi %add3A_541, %add3A_542 : i32
      %add3A_544 = arith.constant 9 : i32
      %add3A_545 = arith.addi %add3A_543, %add3A_544 : i32
      %dma_start3A_546 = arith.constant 0 : i32
      %dma_start3A_547 = tpu.memref_slice %arg10[%add3A_545, %dma_start3A_546] : memref<768x64xf32, #tpu.memory_space<vmem>> -> memref<1x64xf32, #tpu.memory_space<vmem>>
      %dma_start3A_548 = arith.constant 0 : i32
      %dma_start3A_549 = tpu.memref_slice %arg5[%squeeze3A_539, %dma_start3A_548] : memref<100000x64xf32, #tpu.memory_space<hbm>> -> memref<1x64xf32, #tpu.memory_space<hbm>>
      %dma_start3A_550 = arith.constant 0 : i32
      %dma_start3A_551 = tpu.memref_slice %arg10[%add3A_545, %dma_start3A_550] : memref<768x64xf32, #tpu.memory_space<vmem>> -> memref<1x64xf32, #tpu.memory_space<vmem>>
      %dma_start3A_552 = arith.constant 0 : i32
      %dma_start3A_553 = tpu.memref_slice %arg5[%squeeze3A_539, %dma_start3A_552] : memref<100000x64xf32, #tpu.memory_space<hbm>> -> memref<1x64xf32, #tpu.memory_space<hbm>>
      tpu.enqueue_dma source(%dma_start3A_553 : memref<1x64xf32, #tpu.memory_space<hbm>>) target(%dma_start3A_551 : memref<1x64xf32, #tpu.memory_space<vmem>>) target_semaphore(%arg11 : memref<!tpu.dma_semaphore, #tpu.memory_space<semaphore_mem>>)
      %slice3A_554 = vector.extract_strided_slice %get3A_393 {offsets = [10], sizes = [1], strides = [1]} : vector<16xi32> to vector<1xi32>
      %squeeze3A_555 = vector.extract %slice3A_554[0] : i32 from vector<1xi32>
      %add3A_556 = arith.constant 512 : i32
      %add3A_557 = arith.addi %add3A_556, %mul3A_126 : i32
      %add3A_558 = arith.constant 16 : i32
      %add3A_559 = arith.addi %add3A_557, %add3A_558 : i32
      %add3A_560 = arith.constant 10 : i32
      %add3A_561 = arith.addi %add3A_559, %add3A_560 : i32
      %dma_start3A_562 = arith.constant 0 : i32
      %dma_start3A_563 = tpu.memref_slice %arg10[%add3A_561, %dma_start3A_562] : memref<768x64xf32, #tpu.memory_space<vmem>> -> memref<1x64xf32, #tpu.memory_space<vmem>>
      %dma_start3A_564 = arith.constant 0 : i32
      %dma_start3A_565 = tpu.memref_slice %arg5[%squeeze3A_555, %dma_start3A_564] : memref<100000x64xf32, #tpu.memory_space<hbm>> -> memref<1x64xf32, #tpu.memory_space<hbm>>
      %dma_start3A_566 = arith.constant 0 : i32
      %dma_start3A_567 = tpu.memref_slice %arg10[%add3A_561, %dma_start3A_566] : memref<768x64xf32, #tpu.memory_space<vmem>> -> memref<1x64xf32, #tpu.memory_space<vmem>>
      %dma_start3A_568 = arith.constant 0 : i32
      %dma_start3A_569 = tpu.memref_slice %arg5[%squeeze3A_555, %dma_start3A_568] : memref<100000x64xf32, #tpu.memory_space<hbm>> -> memref<1x64xf32, #tpu.memory_space<hbm>>
      tpu.enqueue_dma source(%dma_start3A_569 : memref<1x64xf32, #tpu.memory_space<hbm>>) target(%dma_start3A_567 : memref<1x64xf32, #tpu.memory_space<vmem>>) target_semaphore(%arg11 : memref<!tpu.dma_semaphore, #tpu.memory_space<semaphore_mem>>)
      %slice3A_570 = vector.extract_strided_slice %get3A_393 {offsets = [11], sizes = [1], strides = [1]} : vector<16xi32> to vector<1xi32>
      %squeeze3A_571 = vector.extract %slice3A_570[0] : i32 from vector<1xi32>
      %add3A_572 = arith.constant 512 : i32
      %add3A_573 = arith.addi %add3A_572, %mul3A_126 : i32
      %add3A_574 = arith.constant 16 : i32
      %add3A_575 = arith.addi %add3A_573, %add3A_574 : i32
      %add3A_576 = arith.constant 11 : i32
      %add3A_577 = arith.addi %add3A_575, %add3A_576 : i32
      %dma_start3A_578 = arith.constant 0 : i32
      %dma_start3A_579 = tpu.memref_slice %arg10[%add3A_577, %dma_start3A_578] : memref<768x64xf32, #tpu.memory_space<vmem>> -> memref<1x64xf32, #tpu.memory_space<vmem>>
      %dma_start3A_580 = arith.constant 0 : i32
      %dma_start3A_581 = tpu.memref_slice %arg5[%squeeze3A_571, %dma_start3A_580] : memref<100000x64xf32, #tpu.memory_space<hbm>> -> memref<1x64xf32, #tpu.memory_space<hbm>>
      %dma_start3A_582 = arith.constant 0 : i32
      %dma_start3A_583 = tpu.memref_slice %arg10[%add3A_577, %dma_start3A_582] : memref<768x64xf32, #tpu.memory_space<vmem>> -> memref<1x64xf32, #tpu.memory_space<vmem>>
      %dma_start3A_584 = arith.constant 0 : i32
      %dma_start3A_585 = tpu.memref_slice %arg5[%squeeze3A_571, %dma_start3A_584] : memref<100000x64xf32, #tpu.memory_space<hbm>> -> memref<1x64xf32, #tpu.memory_space<hbm>>
      tpu.enqueue_dma source(%dma_start3A_585 : memref<1x64xf32, #tpu.memory_space<hbm>>) target(%dma_start3A_583 : memref<1x64xf32, #tpu.memory_space<vmem>>) target_semaphore(%arg11 : memref<!tpu.dma_semaphore, #tpu.memory_space<semaphore_mem>>)
      %slice3A_586 = vector.extract_strided_slice %get3A_393 {offsets = [12], sizes = [1], strides = [1]} : vector<16xi32> to vector<1xi32>
      %squeeze3A_587 = vector.extract %slice3A_586[0] : i32 from vector<1xi32>
      %add3A_588 = arith.constant 512 : i32
      %add3A_589 = arith.addi %add3A_588, %mul3A_126 : i32
      %add3A_590 = arith.constant 16 : i32
      %add3A_591 = arith.addi %add3A_589, %add3A_590 : i32
      %add3A_592 = arith.constant 12 : i32
      %add3A_593 = arith.addi %add3A_591, %add3A_592 : i32
      %dma_start3A_594 = arith.constant 0 : i32
      %dma_start3A_595 = tpu.memref_slice %arg10[%add3A_593, %dma_start3A_594] : memref<768x64xf32, #tpu.memory_space<vmem>> -> memref<1x64xf32, #tpu.memory_space<vmem>>
      %dma_start3A_596 = arith.constant 0 : i32
      %dma_start3A_597 = tpu.memref_slice %arg5[%squeeze3A_587, %dma_start3A_596] : memref<100000x64xf32, #tpu.memory_space<hbm>> -> memref<1x64xf32, #tpu.memory_space<hbm>>
      %dma_start3A_598 = arith.constant 0 : i32
      %dma_start3A_599 = tpu.memref_slice %arg10[%add3A_593, %dma_start3A_598] : memref<768x64xf32, #tpu.memory_space<vmem>> -> memref<1x64xf32, #tpu.memory_space<vmem>>
      %dma_start3A_600 = arith.constant 0 : i32
      %dma_start3A_601 = tpu.memref_slice %arg5[%squeeze3A_587, %dma_start3A_600] : memref<100000x64xf32, #tpu.memory_space<hbm>> -> memref<1x64xf32, #tpu.memory_space<hbm>>
      tpu.enqueue_dma source(%dma_start3A_601 : memref<1x64xf32, #tpu.memory_space<hbm>>) target(%dma_start3A_599 : memref<1x64xf32, #tpu.memory_space<vmem>>) target_semaphore(%arg11 : memref<!tpu.dma_semaphore, #tpu.memory_space<semaphore_mem>>)
      %slice3A_602 = vector.extract_strided_slice %get3A_393 {offsets = [13], sizes = [1], strides = [1]} : vector<16xi32> to vector<1xi32>
      %squeeze3A_603 = vector.extract %slice3A_602[0] : i32 from vector<1xi32>
      %add3A_604 = arith.constant 512 : i32
      %add3A_605 = arith.addi %add3A_604, %mul3A_126 : i32
      %add3A_606 = arith.constant 16 : i32
      %add3A_607 = arith.addi %add3A_605, %add3A_606 : i32
      %add3A_608 = arith.constant 13 : i32
      %add3A_609 = arith.addi %add3A_607, %add3A_608 : i32
      %dma_start3A_610 = arith.constant 0 : i32
      %dma_start3A_611 = tpu.memref_slice %arg10[%add3A_609, %dma_start3A_610] : memref<768x64xf32, #tpu.memory_space<vmem>> -> memref<1x64xf32, #tpu.memory_space<vmem>>
      %dma_start3A_612 = arith.constant 0 : i32
      %dma_start3A_613 = tpu.memref_slice %arg5[%squeeze3A_603, %dma_start3A_612] : memref<100000x64xf32, #tpu.memory_space<hbm>> -> memref<1x64xf32, #tpu.memory_space<hbm>>
      %dma_start3A_614 = arith.constant 0 : i32
      %dma_start3A_615 = tpu.memref_slice %arg10[%add3A_609, %dma_start3A_614] : memref<768x64xf32, #tpu.memory_space<vmem>> -> memref<1x64xf32, #tpu.memory_space<vmem>>
      %dma_start3A_616 = arith.constant 0 : i32
      %dma_start3A_617 = tpu.memref_slice %arg5[%squeeze3A_603, %dma_start3A_616] : memref<100000x64xf32, #tpu.memory_space<hbm>> -> memref<1x64xf32, #tpu.memory_space<hbm>>
      tpu.enqueue_dma source(%dma_start3A_617 : memref<1x64xf32, #tpu.memory_space<hbm>>) target(%dma_start3A_615 : memref<1x64xf32, #tpu.memory_space<vmem>>) target_semaphore(%arg11 : memref<!tpu.dma_semaphore, #tpu.memory_space<semaphore_mem>>)
      %slice3A_618 = vector.extract_strided_slice %get3A_393 {offsets = [14], sizes = [1], strides = [1]} : vector<16xi32> to vector<1xi32>
      %squeeze3A_619 = vector.extract %slice3A_618[0] : i32 from vector<1xi32>
      %add3A_620 = arith.constant 512 : i32
      %add3A_621 = arith.addi %add3A_620, %mul3A_126 : i32
      %add3A_622 = arith.constant 16 : i32
      %add3A_623 = arith.addi %add3A_621, %add3A_622 : i32
      %add3A_624 = arith.constant 14 : i32
      %add3A_625 = arith.addi %add3A_623, %add3A_624 : i32
      %dma_start3A_626 = arith.constant 0 : i32
      %dma_start3A_627 = tpu.memref_slice %arg10[%add3A_625, %dma_start3A_626] : memref<768x64xf32, #tpu.memory_space<vmem>> -> memref<1x64xf32, #tpu.memory_space<vmem>>
      %dma_start3A_628 = arith.constant 0 : i32
      %dma_start3A_629 = tpu.memref_slice %arg5[%squeeze3A_619, %dma_start3A_628] : memref<100000x64xf32, #tpu.memory_space<hbm>> -> memref<1x64xf32, #tpu.memory_space<hbm>>
      %dma_start3A_630 = arith.constant 0 : i32
      %dma_start3A_631 = tpu.memref_slice %arg10[%add3A_625, %dma_start3A_630] : memref<768x64xf32, #tpu.memory_space<vmem>> -> memref<1x64xf32, #tpu.memory_space<vmem>>
      %dma_start3A_632 = arith.constant 0 : i32
      %dma_start3A_633 = tpu.memref_slice %arg5[%squeeze3A_619, %dma_start3A_632] : memref<100000x64xf32, #tpu.memory_space<hbm>> -> memref<1x64xf32, #tpu.memory_space<hbm>>
      tpu.enqueue_dma source(%dma_start3A_633 : memref<1x64xf32, #tpu.memory_space<hbm>>) target(%dma_start3A_631 : memref<1x64xf32, #tpu.memory_space<vmem>>) target_semaphore(%arg11 : memref<!tpu.dma_semaphore, #tpu.memory_space<semaphore_mem>>)
      %slice3A_634 = vector.extract_strided_slice %get3A_393 {offsets = [15], sizes = [1], strides = [1]} : vector<16xi32> to vector<1xi32>
      %squeeze3A_635 = vector.extract %slice3A_634[0] : i32 from vector<1xi32>
      %add3A_636 = arith.constant 512 : i32
      %add3A_637 = arith.addi %add3A_636, %mul3A_126 : i32
      %add3A_638 = arith.constant 16 : i32
      %add3A_639 = arith.addi %add3A_637, %add3A_638 : i32
      %add3A_640 = arith.constant 15 : i32
      %add3A_641 = arith.addi %add3A_639, %add3A_640 : i32
      %dma_start3A_642 = arith.constant 0 : i32
      %dma_start3A_643 = tpu.memref_slice %arg10[%add3A_641, %dma_start3A_642] : memref<768x64xf32, #tpu.memory_space<vmem>> -> memref<1x64xf32, #tpu.memory_space<vmem>>
      %dma_start3A_644 = arith.constant 0 : i32
      %dma_start3A_645 = tpu.memref_slice %arg5[%squeeze3A_635, %dma_start3A_644] : memref<100000x64xf32, #tpu.memory_space<hbm>> -> memref<1x64xf32, #tpu.memory_space<hbm>>
      %dma_start3A_646 = arith.constant 0 : i32
      %dma_start3A_647 = tpu.memref_slice %arg10[%add3A_641, %dma_start3A_646] : memref<768x64xf32, #tpu.memory_space<vmem>> -> memref<1x64xf32, #tpu.memory_space<vmem>>
      %dma_start3A_648 = arith.constant 0 : i32
      %dma_start3A_649 = tpu.memref_slice %arg5[%squeeze3A_635, %dma_start3A_648] : memref<100000x64xf32, #tpu.memory_space<hbm>> -> memref<1x64xf32, #tpu.memory_space<hbm>>
      tpu.enqueue_dma source(%dma_start3A_649 : memref<1x64xf32, #tpu.memory_space<hbm>>) target(%dma_start3A_647 : memref<1x64xf32, #tpu.memory_space<vmem>>) target_semaphore(%arg11 : memref<!tpu.dma_semaphore, #tpu.memory_space<semaphore_mem>>)
    }
    %scan3A_35 = arith.constant 8 : i32
    %dma_wait3A_36 = arith.constant 0 : i32
    %dma_wait3A_37 = arith.constant 0 : i32
    %dma_wait3A_38 = tpu.memref_slice %arg10[%dma_wait3A_36, %dma_wait3A_37] : memref<768x64xf32, #tpu.memory_space<vmem>> -> memref<768x64xf32, #tpu.memory_space<vmem>>
    %dma_wait3A_39 = arith.constant 0 : i32
    %dma_wait3A_40 = tpu.memref_slice %arg6[%mul3A_2, %dma_wait3A_39] : memref<16384x64xf32, #tpu.memory_space<hbm>> -> memref<768x64xf32, #tpu.memory_space<hbm>>
    %dma_wait3A_41 = arith.constant 0 : i32
    %dma_wait3A_42 = arith.constant 0 : i32
    %dma_wait3A_43 = tpu.memref_slice %arg10[%dma_wait3A_41, %dma_wait3A_42] : memref<768x64xf32, #tpu.memory_space<vmem>> -> memref<768x64xf32, #tpu.memory_space<vmem>>
    %dma_wait3A_44 = arith.constant 0 : i32
    %dma_wait3A_45 = tpu.memref_slice %arg6[%mul3A_2, %dma_wait3A_44] : memref<16384x64xf32, #tpu.memory_space<hbm>> -> memref<768x64xf32, #tpu.memory_space<hbm>>
    tpu.wait_dma2 semaphore(%arg11 : memref<!tpu.dma_semaphore, #tpu.memory_space<semaphore_mem>>) src(%dma_wait3A_45 : memref<768x64xf32, #tpu.memory_space<hbm>>) dst(%dma_wait3A_43 : memref<768x64xf32, #tpu.memory_space<vmem>>)
    %dma_start3A_46 = arith.constant 0 : i32
    %dma_start3A_47 = arith.constant 0 : i32
    %dma_start3A_48 = tpu.memref_slice %arg10[%dma_start3A_46, %dma_start3A_47] : memref<768x64xf32, #tpu.memory_space<vmem>> -> memref<512x64xf32, #tpu.memory_space<vmem>>
    %dma_start3A_49 = arith.constant 0 : i32
    %dma_start3A_50 = tpu.memref_slice %arg6[%mul3A_2, %dma_start3A_49] : memref<16384x64xf32, #tpu.memory_space<hbm>> -> memref<512x64xf32, #tpu.memory_space<hbm>>
    %dma_start3A_51 = arith.constant 0 : i32
    %dma_start3A_52 = tpu.memref_slice %arg6[%mul3A_2, %dma_start3A_51] : memref<16384x64xf32, #tpu.memory_space<hbm>> -> memref<512x64xf32, #tpu.memory_space<hbm>>
    %dma_start3A_53 = arith.constant 0 : i32
    %dma_start3A_54 = arith.constant 0 : i32
    %dma_start3A_55 = tpu.memref_slice %arg10[%dma_start3A_53, %dma_start3A_54] : memref<768x64xf32, #tpu.memory_space<vmem>> -> memref<512x64xf32, #tpu.memory_space<vmem>>
    tpu.enqueue_dma source(%dma_start3A_55 : memref<512x64xf32, #tpu.memory_space<vmem>>) target(%dma_start3A_52 : memref<512x64xf32, #tpu.memory_space<hbm>>) target_semaphore(%arg11 : memref<!tpu.dma_semaphore, #tpu.memory_space<semaphore_mem>>)
    %scan3A_56 = arith.constant 0 : i32
    %scan3A_57 = arith.constant 0 : i32
    %scan3A_58 = arith.constant 8 : i32
    %scan3A_59 = arith.addi %scan3A_57, %scan3A_58 : i32
    %scan3A_60 = arith.constant 1 : i32
    scf.for %scan3A_124 = %scan3A_57 to %scan3A_59 step %scan3A_60  : i32 {
      %mul3A_125 = arith.constant 32 : i32
      %mul3A_126 = arith.muli %scan3A_124, %mul3A_125 : i32
      %add3A_127 = arith.constant 256 : i32
      %add3A_128 = arith.addi %add3A_127, %mul3A_126 : i32
      %add3A_129 = arith.constant 0 : i32
      %add3A_130 = arith.addi %add3A_128, %add3A_129 : i32
      %get3A = arith.index_cast %add3A_130 : i32 to index
      %get3A_131 = tpu.vector_load %arg9[%get3A] {strides = array<i32>} : memref<512xi32, #tpu.memory_space<vmem>>, vector<16xi32>,
      %get3A_132 = vector.shape_cast %get3A_131 : vector<16xi32> to vector<16xi32>
      %slice3A = vector.extract_strided_slice %get3A_132 {offsets = [0], sizes = [1], strides = [1]} : vector<16xi32> to vector<1xi32>
      %squeeze3A = vector.extract %slice3A[0] : i32 from vector<1xi32>
      %add3A_133 = arith.constant 0 : i32
      %add3A_134 = arith.addi %add3A_133, %mul3A_126 : i32
      %add3A_135 = arith.constant 0 : i32
      %add3A_136 = arith.addi %add3A_134, %add3A_135 : i32
      %add3A_137 = arith.constant 0 : i32
      %add3A_138 = arith.addi %add3A_136, %add3A_137 : i32
      %dma_start3A_139 = arith.constant 0 : i32
      %dma_start3A_140 = tpu.memref_slice %arg10[%add3A_138, %dma_start3A_139] : memref<768x64xf32, #tpu.memory_space<vmem>> -> memref<1x64xf32, #tpu.memory_space<vmem>>
      %dma_start3A_141 = arith.constant 0 : i32
      %dma_start3A_142 = tpu.memref_slice %arg5[%squeeze3A, %dma_start3A_141] : memref<100000x64xf32, #tpu.memory_space<hbm>> -> memref<1x64xf32, #tpu.memory_space<hbm>>
      %dma_start3A_143 = arith.constant 0 : i32
      %dma_start3A_144 = tpu.memref_slice %arg10[%add3A_138, %dma_start3A_143] : memref<768x64xf32, #tpu.memory_space<vmem>> -> memref<1x64xf32, #tpu.memory_space<vmem>>
      %dma_start3A_145 = arith.constant 0 : i32
      %dma_start3A_146 = tpu.memref_slice %arg5[%squeeze3A, %dma_start3A_145] : memref<100000x64xf32, #tpu.memory_space<hbm>> -> memref<1x64xf32, #tpu.memory_space<hbm>>
      tpu.enqueue_dma source(%dma_start3A_146 : memref<1x64xf32, #tpu.memory_space<hbm>>) target(%dma_start3A_144 : memref<1x64xf32, #tpu.memory_space<vmem>>) target_semaphore(%arg11 : memref<!tpu.dma_semaphore, #tpu.memory_space<semaphore_mem>>)
      %slice3A_147 = vector.extract_strided_slice %get3A_132 {offsets = [1], sizes = [1], strides = [1]} : vector<16xi32> to vector<1xi32>
      %squeeze3A_148 = vector.extract %slice3A_147[0] : i32 from vector<1xi32>
      %add3A_149 = arith.constant 0 : i32
      %add3A_150 = arith.addi %add3A_149, %mul3A_126 : i32
      %add3A_151 = arith.constant 0 : i32
      %add3A_152 = arith.addi %add3A_150, %add3A_151 : i32
      %add3A_153 = arith.constant 1 : i32
      %add3A_154 = arith.addi %add3A_152, %add3A_153 : i32
      %dma_start3A_155 = arith.constant 0 : i32
      %dma_start3A_156 = tpu.memref_slice %arg10[%add3A_154, %dma_start3A_155] : memref<768x64xf32, #tpu.memory_space<vmem>> -> memref<1x64xf32, #tpu.memory_space<vmem>>
      %dma_start3A_157 = arith.constant 0 : i32
      %dma_start3A_158 = tpu.memref_slice %arg5[%squeeze3A_148, %dma_start3A_157] : memref<100000x64xf32, #tpu.memory_space<hbm>> -> memref<1x64xf32, #tpu.memory_space<hbm>>
      %dma_start3A_159 = arith.constant 0 : i32
      %dma_start3A_160 = tpu.memref_slice %arg10[%add3A_154, %dma_start3A_159] : memref<768x64xf32, #tpu.memory_space<vmem>> -> memref<1x64xf32, #tpu.memory_space<vmem>>
      %dma_start3A_161 = arith.constant 0 : i32
      %dma_start3A_162 = tpu.memref_slice %arg5[%squeeze3A_148, %dma_start3A_161] : memref<100000x64xf32, #tpu.memory_space<hbm>> -> memref<1x64xf32, #tpu.memory_space<hbm>>
      tpu.enqueue_dma source(%dma_start3A_162 : memref<1x64xf32, #tpu.memory_space<hbm>>) target(%dma_start3A_160 : memref<1x64xf32, #tpu.memory_space<vmem>>) target_semaphore(%arg11 : memref<!tpu.dma_semaphore, #tpu.memory_space<semaphore_mem>>)
      %slice3A_163 = vector.extract_strided_slice %get3A_132 {offsets = [2], sizes = [1], strides = [1]} : vector<16xi32> to vector<1xi32>
      %squeeze3A_164 = vector.extract %slice3A_163[0] : i32 from vector<1xi32>
      %add3A_165 = arith.constant 0 : i32
      %add3A_166 = arith.addi %add3A_165, %mul3A_126 : i32
      %add3A_167 = arith.constant 0 : i32
      %add3A_168 = arith.addi %add3A_166, %add3A_167 : i32
      %add3A_169 = arith.constant 2 : i32
      %add3A_170 = arith.addi %add3A_168, %add3A_169 : i32
      %dma_start3A_171 = arith.constant 0 : i32
      %dma_start3A_172 = tpu.memref_slice %arg10[%add3A_170, %dma_start3A_171] : memref<768x64xf32, #tpu.memory_space<vmem>> -> memref<1x64xf32, #tpu.memory_space<vmem>>
      %dma_start3A_173 = arith.constant 0 : i32
      %dma_start3A_174 = tpu.memref_slice %arg5[%squeeze3A_164, %dma_start3A_173] : memref<100000x64xf32, #tpu.memory_space<hbm>> -> memref<1x64xf32, #tpu.memory_space<hbm>>
      %dma_start3A_175 = arith.constant 0 : i32
      %dma_start3A_176 = tpu.memref_slice %arg10[%add3A_170, %dma_start3A_175] : memref<768x64xf32, #tpu.memory_space<vmem>> -> memref<1x64xf32, #tpu.memory_space<vmem>>
      %dma_start3A_177 = arith.constant 0 : i32
      %dma_start3A_178 = tpu.memref_slice %arg5[%squeeze3A_164, %dma_start3A_177] : memref<100000x64xf32, #tpu.memory_space<hbm>> -> memref<1x64xf32, #tpu.memory_space<hbm>>
      tpu.enqueue_dma source(%dma_start3A_178 : memref<1x64xf32, #tpu.memory_space<hbm>>) target(%dma_start3A_176 : memref<1x64xf32, #tpu.memory_space<vmem>>) target_semaphore(%arg11 : memref<!tpu.dma_semaphore, #tpu.memory_space<semaphore_mem>>)
      %slice3A_179 = vector.extract_strided_slice %get3A_132 {offsets = [3], sizes = [1], strides = [1]} : vector<16xi32> to vector<1xi32>
      %squeeze3A_180 = vector.extract %slice3A_179[0] : i32 from vector<1xi32>
      %add3A_181 = arith.constant 0 : i32
      %add3A_182 = arith.addi %add3A_181, %mul3A_126 : i32
      %add3A_183 = arith.constant 0 : i32
      %add3A_184 = arith.addi %add3A_182, %add3A_183 : i32
      %add3A_185 = arith.constant 3 : i32
      %add3A_186 = arith.addi %add3A_184, %add3A_185 : i32
      %dma_start3A_187 = arith.constant 0 : i32
      %dma_start3A_188 = tpu.memref_slice %arg10[%add3A_186, %dma_start3A_187] : memref<768x64xf32, #tpu.memory_space<vmem>> -> memref<1x64xf32, #tpu.memory_space<vmem>>
      %dma_start3A_189 = arith.constant 0 : i32
      %dma_start3A_190 = tpu.memref_slice %arg5[%squeeze3A_180, %dma_start3A_189] : memref<100000x64xf32, #tpu.memory_space<hbm>> -> memref<1x64xf32, #tpu.memory_space<hbm>>
      %dma_start3A_191 = arith.constant 0 : i32
      %dma_start3A_192 = tpu.memref_slice %arg10[%add3A_186, %dma_start3A_191] : memref<768x64xf32, #tpu.memory_space<vmem>> -> memref<1x64xf32, #tpu.memory_space<vmem>>
      %dma_start3A_193 = arith.constant 0 : i32
      %dma_start3A_194 = tpu.memref_slice %arg5[%squeeze3A_180, %dma_start3A_193] : memref<100000x64xf32, #tpu.memory_space<hbm>> -> memref<1x64xf32, #tpu.memory_space<hbm>>
      tpu.enqueue_dma source(%dma_start3A_194 : memref<1x64xf32, #tpu.memory_space<hbm>>) target(%dma_start3A_192 : memref<1x64xf32, #tpu.memory_space<vmem>>) target_semaphore(%arg11 : memref<!tpu.dma_semaphore, #tpu.memory_space<semaphore_mem>>)
      %slice3A_195 = vector.extract_strided_slice %get3A_132 {offsets = [4], sizes = [1], strides = [1]} : vector<16xi32> to vector<1xi32>
      %squeeze3A_196 = vector.extract %slice3A_195[0] : i32 from vector<1xi32>
      %add3A_197 = arith.constant 0 : i32
      %add3A_198 = arith.addi %add3A_197, %mul3A_126 : i32
      %add3A_199 = arith.constant 0 : i32
      %add3A_200 = arith.addi %add3A_198, %add3A_199 : i32
      %add3A_201 = arith.constant 4 : i32
      %add3A_202 = arith.addi %add3A_200, %add3A_201 : i32
      %dma_start3A_203 = arith.constant 0 : i32
      %dma_start3A_204 = tpu.memref_slice %arg10[%add3A_202, %dma_start3A_203] : memref<768x64xf32, #tpu.memory_space<vmem>> -> memref<1x64xf32, #tpu.memory_space<vmem>>
      %dma_start3A_205 = arith.constant 0 : i32
      %dma_start3A_206 = tpu.memref_slice %arg5[%squeeze3A_196, %dma_start3A_205] : memref<100000x64xf32, #tpu.memory_space<hbm>> -> memref<1x64xf32, #tpu.memory_space<hbm>>
      %dma_start3A_207 = arith.constant 0 : i32
      %dma_start3A_208 = tpu.memref_slice %arg10[%add3A_202, %dma_start3A_207] : memref<768x64xf32, #tpu.memory_space<vmem>> -> memref<1x64xf32, #tpu.memory_space<vmem>>
      %dma_start3A_209 = arith.constant 0 : i32
      %dma_start3A_210 = tpu.memref_slice %arg5[%squeeze3A_196, %dma_start3A_209] : memref<100000x64xf32, #tpu.memory_space<hbm>> -> memref<1x64xf32, #tpu.memory_space<hbm>>
      tpu.enqueue_dma source(%dma_start3A_210 : memref<1x64xf32, #tpu.memory_space<hbm>>) target(%dma_start3A_208 : memref<1x64xf32, #tpu.memory_space<vmem>>) target_semaphore(%arg11 : memref<!tpu.dma_semaphore, #tpu.memory_space<semaphore_mem>>)
      %slice3A_211 = vector.extract_strided_slice %get3A_132 {offsets = [5], sizes = [1], strides = [1]} : vector<16xi32> to vector<1xi32>
      %squeeze3A_212 = vector.extract %slice3A_211[0] : i32 from vector<1xi32>
      %add3A_213 = arith.constant 0 : i32
      %add3A_214 = arith.addi %add3A_213, %mul3A_126 : i32
      %add3A_215 = arith.constant 0 : i32
      %add3A_216 = arith.addi %add3A_214, %add3A_215 : i32
      %add3A_217 = arith.constant 5 : i32
      %add3A_218 = arith.addi %add3A_216, %add3A_217 : i32
      %dma_start3A_219 = arith.constant 0 : i32
      %dma_start3A_220 = tpu.memref_slice %arg10[%add3A_218, %dma_start3A_219] : memref<768x64xf32, #tpu.memory_space<vmem>> -> memref<1x64xf32, #tpu.memory_space<vmem>>
      %dma_start3A_221 = arith.constant 0 : i32
      %dma_start3A_222 = tpu.memref_slice %arg5[%squeeze3A_212, %dma_start3A_221] : memref<100000x64xf32, #tpu.memory_space<hbm>> -> memref<1x64xf32, #tpu.memory_space<hbm>>
      %dma_start3A_223 = arith.constant 0 : i32
      %dma_start3A_224 = tpu.memref_slice %arg10[%add3A_218, %dma_start3A_223] : memref<768x64xf32, #tpu.memory_space<vmem>> -> memref<1x64xf32, #tpu.memory_space<vmem>>
      %dma_start3A_225 = arith.constant 0 : i32
      %dma_start3A_226 = tpu.memref_slice %arg5[%squeeze3A_212, %dma_start3A_225] : memref<100000x64xf32, #tpu.memory_space<hbm>> -> memref<1x64xf32, #tpu.memory_space<hbm>>
      tpu.enqueue_dma source(%dma_start3A_226 : memref<1x64xf32, #tpu.memory_space<hbm>>) target(%dma_start3A_224 : memref<1x64xf32, #tpu.memory_space<vmem>>) target_semaphore(%arg11 : memref<!tpu.dma_semaphore, #tpu.memory_space<semaphore_mem>>)
      %slice3A_227 = vector.extract_strided_slice %get3A_132 {offsets = [6], sizes = [1], strides = [1]} : vector<16xi32> to vector<1xi32>
      %squeeze3A_228 = vector.extract %slice3A_227[0] : i32 from vector<1xi32>
      %add3A_229 = arith.constant 0 : i32
      %add3A_230 = arith.addi %add3A_229, %mul3A_126 : i32
      %add3A_231 = arith.constant 0 : i32
      %add3A_232 = arith.addi %add3A_230, %add3A_231 : i32
      %add3A_233 = arith.constant 6 : i32
      %add3A_234 = arith.addi %add3A_232, %add3A_233 : i32
      %dma_start3A_235 = arith.constant 0 : i32
      %dma_start3A_236 = tpu.memref_slice %arg10[%add3A_234, %dma_start3A_235] : memref<768x64xf32, #tpu.memory_space<vmem>> -> memref<1x64xf32, #tpu.memory_space<vmem>>
      %dma_start3A_237 = arith.constant 0 : i32
      %dma_start3A_238 = tpu.memref_slice %arg5[%squeeze3A_228, %dma_start3A_237] : memref<100000x64xf32, #tpu.memory_space<hbm>> -> memref<1x64xf32, #tpu.memory_space<hbm>>
      %dma_start3A_239 = arith.constant 0 : i32
      %dma_start3A_240 = tpu.memref_slice %arg10[%add3A_234, %dma_start3A_239] : memref<768x64xf32, #tpu.memory_space<vmem>> -> memref<1x64xf32, #tpu.memory_space<vmem>>
      %dma_start3A_241 = arith.constant 0 : i32
      %dma_start3A_242 = tpu.memref_slice %arg5[%squeeze3A_228, %dma_start3A_241] : memref<100000x64xf32, #tpu.memory_space<hbm>> -> memref<1x64xf32, #tpu.memory_space<hbm>>
      tpu.enqueue_dma source(%dma_start3A_242 : memref<1x64xf32, #tpu.memory_space<hbm>>) target(%dma_start3A_240 : memref<1x64xf32, #tpu.memory_space<vmem>>) target_semaphore(%arg11 : memref<!tpu.dma_semaphore, #tpu.memory_space<semaphore_mem>>)
      %slice3A_243 = vector.extract_strided_slice %get3A_132 {offsets = [7], sizes = [1], strides = [1]} : vector<16xi32> to vector<1xi32>
      %squeeze3A_244 = vector.extract %slice3A_243[0] : i32 from vector<1xi32>
      %add3A_245 = arith.constant 0 : i32
      %add3A_246 = arith.addi %add3A_245, %mul3A_126 : i32
      %add3A_247 = arith.constant 0 : i32
      %add3A_248 = arith.addi %add3A_246, %add3A_247 : i32
      %add3A_249 = arith.constant 7 : i32
      %add3A_250 = arith.addi %add3A_248, %add3A_249 : i32
      %dma_start3A_251 = arith.constant 0 : i32
      %dma_start3A_252 = tpu.memref_slice %arg10[%add3A_250, %dma_start3A_251] : memref<768x64xf32, #tpu.memory_space<vmem>> -> memref<1x64xf32, #tpu.memory_space<vmem>>
      %dma_start3A_253 = arith.constant 0 : i32
      %dma_start3A_254 = tpu.memref_slice %arg5[%squeeze3A_244, %dma_start3A_253] : memref<100000x64xf32, #tpu.memory_space<hbm>> -> memref<1x64xf32, #tpu.memory_space<hbm>>
      %dma_start3A_255 = arith.constant 0 : i32
      %dma_start3A_256 = tpu.memref_slice %arg10[%add3A_250, %dma_start3A_255] : memref<768x64xf32, #tpu.memory_space<vmem>> -> memref<1x64xf32, #tpu.memory_space<vmem>>
      %dma_start3A_257 = arith.constant 0 : i32
      %dma_start3A_258 = tpu.memref_slice %arg5[%squeeze3A_244, %dma_start3A_257] : memref<100000x64xf32, #tpu.memory_space<hbm>> -> memref<1x64xf32, #tpu.memory_space<hbm>>
      tpu.enqueue_dma source(%dma_start3A_258 : memref<1x64xf32, #tpu.memory_space<hbm>>) target(%dma_start3A_256 : memref<1x64xf32, #tpu.memory_space<vmem>>) target_semaphore(%arg11 : memref<!tpu.dma_semaphore, #tpu.memory_space<semaphore_mem>>)
      %slice3A_259 = vector.extract_strided_slice %get3A_132 {offsets = [8], sizes = [1], strides = [1]} : vector<16xi32> to vector<1xi32>
      %squeeze3A_260 = vector.extract %slice3A_259[0] : i32 from vector<1xi32>
      %add3A_261 = arith.constant 0 : i32
      %add3A_262 = arith.addi %add3A_261, %mul3A_126 : i32
      %add3A_263 = arith.constant 0 : i32
      %add3A_264 = arith.addi %add3A_262, %add3A_263 : i32
      %add3A_265 = arith.constant 8 : i32
      %add3A_266 = arith.addi %add3A_264, %add3A_265 : i32
      %dma_start3A_267 = arith.constant 0 : i32
      %dma_start3A_268 = tpu.memref_slice %arg10[%add3A_266, %dma_start3A_267] : memref<768x64xf32, #tpu.memory_space<vmem>> -> memref<1x64xf32, #tpu.memory_space<vmem>>
      %dma_start3A_269 = arith.constant 0 : i32
      %dma_start3A_270 = tpu.memref_slice %arg5[%squeeze3A_260, %dma_start3A_269] : memref<100000x64xf32, #tpu.memory_space<hbm>> -> memref<1x64xf32, #tpu.memory_space<hbm>>
      %dma_start3A_271 = arith.constant 0 : i32
      %dma_start3A_272 = tpu.memref_slice %arg10[%add3A_266, %dma_start3A_271] : memref<768x64xf32, #tpu.memory_space<vmem>> -> memref<1x64xf32, #tpu.memory_space<vmem>>
      %dma_start3A_273 = arith.constant 0 : i32
      %dma_start3A_274 = tpu.memref_slice %arg5[%squeeze3A_260, %dma_start3A_273] : memref<100000x64xf32, #tpu.memory_space<hbm>> -> memref<1x64xf32, #tpu.memory_space<hbm>>
      tpu.enqueue_dma source(%dma_start3A_274 : memref<1x64xf32, #tpu.memory_space<hbm>>) target(%dma_start3A_272 : memref<1x64xf32, #tpu.memory_space<vmem>>) target_semaphore(%arg11 : memref<!tpu.dma_semaphore, #tpu.memory_space<semaphore_mem>>)
      %slice3A_275 = vector.extract_strided_slice %get3A_132 {offsets = [9], sizes = [1], strides = [1]} : vector<16xi32> to vector<1xi32>
      %squeeze3A_276 = vector.extract %slice3A_275[0] : i32 from vector<1xi32>
      %add3A_277 = arith.constant 0 : i32
      %add3A_278 = arith.addi %add3A_277, %mul3A_126 : i32
      %add3A_279 = arith.constant 0 : i32
      %add3A_280 = arith.addi %add3A_278, %add3A_279 : i32
      %add3A_281 = arith.constant 9 : i32
      %add3A_282 = arith.addi %add3A_280, %add3A_281 : i32
      %dma_start3A_283 = arith.constant 0 : i32
      %dma_start3A_284 = tpu.memref_slice %arg10[%add3A_282, %dma_start3A_283] : memref<768x64xf32, #tpu.memory_space<vmem>> -> memref<1x64xf32, #tpu.memory_space<vmem>>
      %dma_start3A_285 = arith.constant 0 : i32
      %dma_start3A_286 = tpu.memref_slice %arg5[%squeeze3A_276, %dma_start3A_285] : memref<100000x64xf32, #tpu.memory_space<hbm>> -> memref<1x64xf32, #tpu.memory_space<hbm>>
      %dma_start3A_287 = arith.constant 0 : i32
      %dma_start3A_288 = tpu.memref_slice %arg10[%add3A_282, %dma_start3A_287] : memref<768x64xf32, #tpu.memory_space<vmem>> -> memref<1x64xf32, #tpu.memory_space<vmem>>
      %dma_start3A_289 = arith.constant 0 : i32
      %dma_start3A_290 = tpu.memref_slice %arg5[%squeeze3A_276, %dma_start3A_289] : memref<100000x64xf32, #tpu.memory_space<hbm>> -> memref<1x64xf32, #tpu.memory_space<hbm>>
      tpu.enqueue_dma source(%dma_start3A_290 : memref<1x64xf32, #tpu.memory_space<hbm>>) target(%dma_start3A_288 : memref<1x64xf32, #tpu.memory_space<vmem>>) target_semaphore(%arg11 : memref<!tpu.dma_semaphore, #tpu.memory_space<semaphore_mem>>)
      %slice3A_291 = vector.extract_strided_slice %get3A_132 {offsets = [10], sizes = [1], strides = [1]} : vector<16xi32> to vector<1xi32>
      %squeeze3A_292 = vector.extract %slice3A_291[0] : i32 from vector<1xi32>
      %add3A_293 = arith.constant 0 : i32
      %add3A_294 = arith.addi %add3A_293, %mul3A_126 : i32
      %add3A_295 = arith.constant 0 : i32
      %add3A_296 = arith.addi %add3A_294, %add3A_295 : i32
      %add3A_297 = arith.constant 10 : i32
      %add3A_298 = arith.addi %add3A_296, %add3A_297 : i32
      %dma_start3A_299 = arith.constant 0 : i32
      %dma_start3A_300 = tpu.memref_slice %arg10[%add3A_298, %dma_start3A_299] : memref<768x64xf32, #tpu.memory_space<vmem>> -> memref<1x64xf32, #tpu.memory_space<vmem>>
      %dma_start3A_301 = arith.constant 0 : i32
      %dma_start3A_302 = tpu.memref_slice %arg5[%squeeze3A_292, %dma_start3A_301] : memref<100000x64xf32, #tpu.memory_space<hbm>> -> memref<1x64xf32, #tpu.memory_space<hbm>>
      %dma_start3A_303 = arith.constant 0 : i32
      %dma_start3A_304 = tpu.memref_slice %arg10[%add3A_298, %dma_start3A_303] : memref<768x64xf32, #tpu.memory_space<vmem>> -> memref<1x64xf32, #tpu.memory_space<vmem>>
      %dma_start3A_305 = arith.constant 0 : i32
      %dma_start3A_306 = tpu.memref_slice %arg5[%squeeze3A_292, %dma_start3A_305] : memref<100000x64xf32, #tpu.memory_space<hbm>> -> memref<1x64xf32, #tpu.memory_space<hbm>>
      tpu.enqueue_dma source(%dma_start3A_306 : memref<1x64xf32, #tpu.memory_space<hbm>>) target(%dma_start3A_304 : memref<1x64xf32, #tpu.memory_space<vmem>>) target_semaphore(%arg11 : memref<!tpu.dma_semaphore, #tpu.memory_space<semaphore_mem>>)
      %slice3A_307 = vector.extract_strided_slice %get3A_132 {offsets = [11], sizes = [1], strides = [1]} : vector<16xi32> to vector<1xi32>
      %squeeze3A_308 = vector.extract %slice3A_307[0] : i32 from vector<1xi32>
      %add3A_309 = arith.constant 0 : i32
      %add3A_310 = arith.addi %add3A_309, %mul3A_126 : i32
      %add3A_311 = arith.constant 0 : i32
      %add3A_312 = arith.addi %add3A_310, %add3A_311 : i32
      %add3A_313 = arith.constant 11 : i32
      %add3A_314 = arith.addi %add3A_312, %add3A_313 : i32
      %dma_start3A_315 = arith.constant 0 : i32
      %dma_start3A_316 = tpu.memref_slice %arg10[%add3A_314, %dma_start3A_315] : memref<768x64xf32, #tpu.memory_space<vmem>> -> memref<1x64xf32, #tpu.memory_space<vmem>>
      %dma_start3A_317 = arith.constant 0 : i32
      %dma_start3A_318 = tpu.memref_slice %arg5[%squeeze3A_308, %dma_start3A_317] : memref<100000x64xf32, #tpu.memory_space<hbm>> -> memref<1x64xf32, #tpu.memory_space<hbm>>
      %dma_start3A_319 = arith.constant 0 : i32
      %dma_start3A_320 = tpu.memref_slice %arg10[%add3A_314, %dma_start3A_319] : memref<768x64xf32, #tpu.memory_space<vmem>> -> memref<1x64xf32, #tpu.memory_space<vmem>>
      %dma_start3A_321 = arith.constant 0 : i32
      %dma_start3A_322 = tpu.memref_slice %arg5[%squeeze3A_308, %dma_start3A_321] : memref<100000x64xf32, #tpu.memory_space<hbm>> -> memref<1x64xf32, #tpu.memory_space<hbm>>
      tpu.enqueue_dma source(%dma_start3A_322 : memref<1x64xf32, #tpu.memory_space<hbm>>) target(%dma_start3A_320 : memref<1x64xf32, #tpu.memory_space<vmem>>) target_semaphore(%arg11 : memref<!tpu.dma_semaphore, #tpu.memory_space<semaphore_mem>>)
      %slice3A_323 = vector.extract_strided_slice %get3A_132 {offsets = [12], sizes = [1], strides = [1]} : vector<16xi32> to vector<1xi32>
      %squeeze3A_324 = vector.extract %slice3A_323[0] : i32 from vector<1xi32>
      %add3A_325 = arith.constant 0 : i32
      %add3A_326 = arith.addi %add3A_325, %mul3A_126 : i32
      %add3A_327 = arith.constant 0 : i32
      %add3A_328 = arith.addi %add3A_326, %add3A_327 : i32
      %add3A_329 = arith.constant 12 : i32
      %add3A_330 = arith.addi %add3A_328, %add3A_329 : i32
      %dma_start3A_331 = arith.constant 0 : i32
      %dma_start3A_332 = tpu.memref_slice %arg10[%add3A_330, %dma_start3A_331] : memref<768x64xf32, #tpu.memory_space<vmem>> -> memref<1x64xf32, #tpu.memory_space<vmem>>
      %dma_start3A_333 = arith.constant 0 : i32
      %dma_start3A_334 = tpu.memref_slice %arg5[%squeeze3A_324, %dma_start3A_333] : memref<100000x64xf32, #tpu.memory_space<hbm>> -> memref<1x64xf32, #tpu.memory_space<hbm>>
      %dma_start3A_335 = arith.constant 0 : i32
      %dma_start3A_336 = tpu.memref_slice %arg10[%add3A_330, %dma_start3A_335] : memref<768x64xf32, #tpu.memory_space<vmem>> -> memref<1x64xf32, #tpu.memory_space<vmem>>
      %dma_start3A_337 = arith.constant 0 : i32
      %dma_start3A_338 = tpu.memref_slice %arg5[%squeeze3A_324, %dma_start3A_337] : memref<100000x64xf32, #tpu.memory_space<hbm>> -> memref<1x64xf32, #tpu.memory_space<hbm>>
      tpu.enqueue_dma source(%dma_start3A_338 : memref<1x64xf32, #tpu.memory_space<hbm>>) target(%dma_start3A_336 : memref<1x64xf32, #tpu.memory_space<vmem>>) target_semaphore(%arg11 : memref<!tpu.dma_semaphore, #tpu.memory_space<semaphore_mem>>)
      %slice3A_339 = vector.extract_strided_slice %get3A_132 {offsets = [13], sizes = [1], strides = [1]} : vector<16xi32> to vector<1xi32>
      %squeeze3A_340 = vector.extract %slice3A_339[0] : i32 from vector<1xi32>
      %add3A_341 = arith.constant 0 : i32
      %add3A_342 = arith.addi %add3A_341, %mul3A_126 : i32
      %add3A_343 = arith.constant 0 : i32
      %add3A_344 = arith.addi %add3A_342, %add3A_343 : i32
      %add3A_345 = arith.constant 13 : i32
      %add3A_346 = arith.addi %add3A_344, %add3A_345 : i32
      %dma_start3A_347 = arith.constant 0 : i32
      %dma_start3A_348 = tpu.memref_slice %arg10[%add3A_346, %dma_start3A_347] : memref<768x64xf32, #tpu.memory_space<vmem>> -> memref<1x64xf32, #tpu.memory_space<vmem>>
      %dma_start3A_349 = arith.constant 0 : i32
      %dma_start3A_350 = tpu.memref_slice %arg5[%squeeze3A_340, %dma_start3A_349] : memref<100000x64xf32, #tpu.memory_space<hbm>> -> memref<1x64xf32, #tpu.memory_space<hbm>>
      %dma_start3A_351 = arith.constant 0 : i32
      %dma_start3A_352 = tpu.memref_slice %arg10[%add3A_346, %dma_start3A_351] : memref<768x64xf32, #tpu.memory_space<vmem>> -> memref<1x64xf32, #tpu.memory_space<vmem>>
      %dma_start3A_353 = arith.constant 0 : i32
      %dma_start3A_354 = tpu.memref_slice %arg5[%squeeze3A_340, %dma_start3A_353] : memref<100000x64xf32, #tpu.memory_space<hbm>> -> memref<1x64xf32, #tpu.memory_space<hbm>>
      tpu.enqueue_dma source(%dma_start3A_354 : memref<1x64xf32, #tpu.memory_space<hbm>>) target(%dma_start3A_352 : memref<1x64xf32, #tpu.memory_space<vmem>>) target_semaphore(%arg11 : memref<!tpu.dma_semaphore, #tpu.memory_space<semaphore_mem>>)
      %slice3A_355 = vector.extract_strided_slice %get3A_132 {offsets = [14], sizes = [1], strides = [1]} : vector<16xi32> to vector<1xi32>
      %squeeze3A_356 = vector.extract %slice3A_355[0] : i32 from vector<1xi32>
      %add3A_357 = arith.constant 0 : i32
      %add3A_358 = arith.addi %add3A_357, %mul3A_126 : i32
      %add3A_359 = arith.constant 0 : i32
      %add3A_360 = arith.addi %add3A_358, %add3A_359 : i32
      %add3A_361 = arith.constant 14 : i32
      %add3A_362 = arith.addi %add3A_360, %add3A_361 : i32
      %dma_start3A_363 = arith.constant 0 : i32
      %dma_start3A_364 = tpu.memref_slice %arg10[%add3A_362, %dma_start3A_363] : memref<768x64xf32, #tpu.memory_space<vmem>> -> memref<1x64xf32, #tpu.memory_space<vmem>>
      %dma_start3A_365 = arith.constant 0 : i32
      %dma_start3A_366 = tpu.memref_slice %arg5[%squeeze3A_356, %dma_start3A_365] : memref<100000x64xf32, #tpu.memory_space<hbm>> -> memref<1x64xf32, #tpu.memory_space<hbm>>
      %dma_start3A_367 = arith.constant 0 : i32
      %dma_start3A_368 = tpu.memref_slice %arg10[%add3A_362, %dma_start3A_367] : memref<768x64xf32, #tpu.memory_space<vmem>> -> memref<1x64xf32, #tpu.memory_space<vmem>>
      %dma_start3A_369 = arith.constant 0 : i32
      %dma_start3A_370 = tpu.memref_slice %arg5[%squeeze3A_356, %dma_start3A_369] : memref<100000x64xf32, #tpu.memory_space<hbm>> -> memref<1x64xf32, #tpu.memory_space<hbm>>
      tpu.enqueue_dma source(%dma_start3A_370 : memref<1x64xf32, #tpu.memory_space<hbm>>) target(%dma_start3A_368 : memref<1x64xf32, #tpu.memory_space<vmem>>) target_semaphore(%arg11 : memref<!tpu.dma_semaphore, #tpu.memory_space<semaphore_mem>>)
      %slice3A_371 = vector.extract_strided_slice %get3A_132 {offsets = [15], sizes = [1], strides = [1]} : vector<16xi32> to vector<1xi32>
      %squeeze3A_372 = vector.extract %slice3A_371[0] : i32 from vector<1xi32>
      %add3A_373 = arith.constant 0 : i32
      %add3A_374 = arith.addi %add3A_373, %mul3A_126 : i32
      %add3A_375 = arith.constant 0 : i32
      %add3A_376 = arith.addi %add3A_374, %add3A_375 : i32
      %add3A_377 = arith.constant 15 : i32
      %add3A_378 = arith.addi %add3A_376, %add3A_377 : i32
      %dma_start3A_379 = arith.constant 0 : i32
      %dma_start3A_380 = tpu.memref_slice %arg10[%add3A_378, %dma_start3A_379] : memref<768x64xf32, #tpu.memory_space<vmem>> -> memref<1x64xf32, #tpu.memory_space<vmem>>
      %dma_start3A_381 = arith.constant 0 : i32
      %dma_start3A_382 = tpu.memref_slice %arg5[%squeeze3A_372, %dma_start3A_381] : memref<100000x64xf32, #tpu.memory_space<hbm>> -> memref<1x64xf32, #tpu.memory_space<hbm>>
      %dma_start3A_383 = arith.constant 0 : i32
      %dma_start3A_384 = tpu.memref_slice %arg10[%add3A_378, %dma_start3A_383] : memref<768x64xf32, #tpu.memory_space<vmem>> -> memref<1x64xf32, #tpu.memory_space<vmem>>
      %dma_start3A_385 = arith.constant 0 : i32
      %dma_start3A_386 = tpu.memref_slice %arg5[%squeeze3A_372, %dma_start3A_385] : memref<100000x64xf32, #tpu.memory_space<hbm>> -> memref<1x64xf32, #tpu.memory_space<hbm>>
      tpu.enqueue_dma source(%dma_start3A_386 : memref<1x64xf32, #tpu.memory_space<hbm>>) target(%dma_start3A_384 : memref<1x64xf32, #tpu.memory_space<vmem>>) target_semaphore(%arg11 : memref<!tpu.dma_semaphore, #tpu.memory_space<semaphore_mem>>)
      %add3A_387 = arith.constant 256 : i32
      %add3A_388 = arith.addi %add3A_387, %mul3A_126 : i32
      %add3A_389 = arith.constant 16 : i32
      %add3A_390 = arith.addi %add3A_388, %add3A_389 : i32
      %get3A_391 = arith.index_cast %add3A_390 : i32 to index
      %get3A_392 = tpu.vector_load %arg9[%get3A_391] {strides = array<i32>} : memref<512xi32, #tpu.memory_space<vmem>>, vector<16xi32>,
      %get3A_393 = vector.shape_cast %get3A_392 : vector<16xi32> to vector<16xi32>
      %slice3A_394 = vector.extract_strided_slice %get3A_393 {offsets = [0], sizes = [1], strides = [1]} : vector<16xi32> to vector<1xi32>
      %squeeze3A_395 = vector.extract %slice3A_394[0] : i32 from vector<1xi32>
      %add3A_396 = arith.constant 0 : i32
      %add3A_397 = arith.addi %add3A_396, %mul3A_126 : i32
      %add3A_398 = arith.constant 16 : i32
      %add3A_399 = arith.addi %add3A_397, %add3A_398 : i32
      %add3A_400 = arith.constant 0 : i32
      %add3A_401 = arith.addi %add3A_399, %add3A_400 : i32
      %dma_start3A_402 = arith.constant 0 : i32
      %dma_start3A_403 = tpu.memref_slice %arg10[%add3A_401, %dma_start3A_402] : memref<768x64xf32, #tpu.memory_space<vmem>> -> memref<1x64xf32, #tpu.memory_space<vmem>>
      %dma_start3A_404 = arith.constant 0 : i32
      %dma_start3A_405 = tpu.memref_slice %arg5[%squeeze3A_395, %dma_start3A_404] : memref<100000x64xf32, #tpu.memory_space<hbm>> -> memref<1x64xf32, #tpu.memory_space<hbm>>
      %dma_start3A_406 = arith.constant 0 : i32
      %dma_start3A_407 = tpu.memref_slice %arg10[%add3A_401, %dma_start3A_406] : memref<768x64xf32, #tpu.memory_space<vmem>> -> memref<1x64xf32, #tpu.memory_space<vmem>>
      %dma_start3A_408 = arith.constant 0 : i32
      %dma_start3A_409 = tpu.memref_slice %arg5[%squeeze3A_395, %dma_start3A_408] : memref<100000x64xf32, #tpu.memory_space<hbm>> -> memref<1x64xf32, #tpu.memory_space<hbm>>
      tpu.enqueue_dma source(%dma_start3A_409 : memref<1x64xf32, #tpu.memory_space<hbm>>) target(%dma_start3A_407 : memref<1x64xf32, #tpu.memory_space<vmem>>) target_semaphore(%arg11 : memref<!tpu.dma_semaphore, #tpu.memory_space<semaphore_mem>>)
      %slice3A_410 = vector.extract_strided_slice %get3A_393 {offsets = [1], sizes = [1], strides = [1]} : vector<16xi32> to vector<1xi32>
      %squeeze3A_411 = vector.extract %slice3A_410[0] : i32 from vector<1xi32>
      %add3A_412 = arith.constant 0 : i32
      %add3A_413 = arith.addi %add3A_412, %mul3A_126 : i32
      %add3A_414 = arith.constant 16 : i32
      %add3A_415 = arith.addi %add3A_413, %add3A_414 : i32
      %add3A_416 = arith.constant 1 : i32
      %add3A_417 = arith.addi %add3A_415, %add3A_416 : i32
      %dma_start3A_418 = arith.constant 0 : i32
      %dma_start3A_419 = tpu.memref_slice %arg10[%add3A_417, %dma_start3A_418] : memref<768x64xf32, #tpu.memory_space<vmem>> -> memref<1x64xf32, #tpu.memory_space<vmem>>
      %dma_start3A_420 = arith.constant 0 : i32
      %dma_start3A_421 = tpu.memref_slice %arg5[%squeeze3A_411, %dma_start3A_420] : memref<100000x64xf32, #tpu.memory_space<hbm>> -> memref<1x64xf32, #tpu.memory_space<hbm>>
      %dma_start3A_422 = arith.constant 0 : i32
      %dma_start3A_423 = tpu.memref_slice %arg10[%add3A_417, %dma_start3A_422] : memref<768x64xf32, #tpu.memory_space<vmem>> -> memref<1x64xf32, #tpu.memory_space<vmem>>
      %dma_start3A_424 = arith.constant 0 : i32
      %dma_start3A_425 = tpu.memref_slice %arg5[%squeeze3A_411, %dma_start3A_424] : memref<100000x64xf32, #tpu.memory_space<hbm>> -> memref<1x64xf32, #tpu.memory_space<hbm>>
      tpu.enqueue_dma source(%dma_start3A_425 : memref<1x64xf32, #tpu.memory_space<hbm>>) target(%dma_start3A_423 : memref<1x64xf32, #tpu.memory_space<vmem>>) target_semaphore(%arg11 : memref<!tpu.dma_semaphore, #tpu.memory_space<semaphore_mem>>)
      %slice3A_426 = vector.extract_strided_slice %get3A_393 {offsets = [2], sizes = [1], strides = [1]} : vector<16xi32> to vector<1xi32>
      %squeeze3A_427 = vector.extract %slice3A_426[0] : i32 from vector<1xi32>
      %add3A_428 = arith.constant 0 : i32
      %add3A_429 = arith.addi %add3A_428, %mul3A_126 : i32
      %add3A_430 = arith.constant 16 : i32
      %add3A_431 = arith.addi %add3A_429, %add3A_430 : i32
      %add3A_432 = arith.constant 2 : i32
      %add3A_433 = arith.addi %add3A_431, %add3A_432 : i32
      %dma_start3A_434 = arith.constant 0 : i32
      %dma_start3A_435 = tpu.memref_slice %arg10[%add3A_433, %dma_start3A_434] : memref<768x64xf32, #tpu.memory_space<vmem>> -> memref<1x64xf32, #tpu.memory_space<vmem>>
      %dma_start3A_436 = arith.constant 0 : i32
      %dma_start3A_437 = tpu.memref_slice %arg5[%squeeze3A_427, %dma_start3A_436] : memref<100000x64xf32, #tpu.memory_space<hbm>> -> memref<1x64xf32, #tpu.memory_space<hbm>>
      %dma_start3A_438 = arith.constant 0 : i32
      %dma_start3A_439 = tpu.memref_slice %arg10[%add3A_433, %dma_start3A_438] : memref<768x64xf32, #tpu.memory_space<vmem>> -> memref<1x64xf32, #tpu.memory_space<vmem>>
      %dma_start3A_440 = arith.constant 0 : i32
      %dma_start3A_441 = tpu.memref_slice %arg5[%squeeze3A_427, %dma_start3A_440] : memref<100000x64xf32, #tpu.memory_space<hbm>> -> memref<1x64xf32, #tpu.memory_space<hbm>>
      tpu.enqueue_dma source(%dma_start3A_441 : memref<1x64xf32, #tpu.memory_space<hbm>>) target(%dma_start3A_439 : memref<1x64xf32, #tpu.memory_space<vmem>>) target_semaphore(%arg11 : memref<!tpu.dma_semaphore, #tpu.memory_space<semaphore_mem>>)
      %slice3A_442 = vector.extract_strided_slice %get3A_393 {offsets = [3], sizes = [1], strides = [1]} : vector<16xi32> to vector<1xi32>
      %squeeze3A_443 = vector.extract %slice3A_442[0] : i32 from vector<1xi32>
      %add3A_444 = arith.constant 0 : i32
      %add3A_445 = arith.addi %add3A_444, %mul3A_126 : i32
      %add3A_446 = arith.constant 16 : i32
      %add3A_447 = arith.addi %add3A_445, %add3A_446 : i32
      %add3A_448 = arith.constant 3 : i32
      %add3A_449 = arith.addi %add3A_447, %add3A_448 : i32
      %dma_start3A_450 = arith.constant 0 : i32
      %dma_start3A_451 = tpu.memref_slice %arg10[%add3A_449, %dma_start3A_450] : memref<768x64xf32, #tpu.memory_space<vmem>> -> memref<1x64xf32, #tpu.memory_space<vmem>>
      %dma_start3A_452 = arith.constant 0 : i32
      %dma_start3A_453 = tpu.memref_slice %arg5[%squeeze3A_443, %dma_start3A_452] : memref<100000x64xf32, #tpu.memory_space<hbm>> -> memref<1x64xf32, #tpu.memory_space<hbm>>
      %dma_start3A_454 = arith.constant 0 : i32
      %dma_start3A_455 = tpu.memref_slice %arg10[%add3A_449, %dma_start3A_454] : memref<768x64xf32, #tpu.memory_space<vmem>> -> memref<1x64xf32, #tpu.memory_space<vmem>>
      %dma_start3A_456 = arith.constant 0 : i32
      %dma_start3A_457 = tpu.memref_slice %arg5[%squeeze3A_443, %dma_start3A_456] : memref<100000x64xf32, #tpu.memory_space<hbm>> -> memref<1x64xf32, #tpu.memory_space<hbm>>
      tpu.enqueue_dma source(%dma_start3A_457 : memref<1x64xf32, #tpu.memory_space<hbm>>) target(%dma_start3A_455 : memref<1x64xf32, #tpu.memory_space<vmem>>) target_semaphore(%arg11 : memref<!tpu.dma_semaphore, #tpu.memory_space<semaphore_mem>>)
      %slice3A_458 = vector.extract_strided_slice %get3A_393 {offsets = [4], sizes = [1], strides = [1]} : vector<16xi32> to vector<1xi32>
      %squeeze3A_459 = vector.extract %slice3A_458[0] : i32 from vector<1xi32>
      %add3A_460 = arith.constant 0 : i32
      %add3A_461 = arith.addi %add3A_460, %mul3A_126 : i32
      %add3A_462 = arith.constant 16 : i32
      %add3A_463 = arith.addi %add3A_461, %add3A_462 : i32
      %add3A_464 = arith.constant 4 : i32
      %add3A_465 = arith.addi %add3A_463, %add3A_464 : i32
      %dma_start3A_466 = arith.constant 0 : i32
      %dma_start3A_467 = tpu.memref_slice %arg10[%add3A_465, %dma_start3A_466] : memref<768x64xf32, #tpu.memory_space<vmem>> -> memref<1x64xf32, #tpu.memory_space<vmem>>
      %dma_start3A_468 = arith.constant 0 : i32
      %dma_start3A_469 = tpu.memref_slice %arg5[%squeeze3A_459, %dma_start3A_468] : memref<100000x64xf32, #tpu.memory_space<hbm>> -> memref<1x64xf32, #tpu.memory_space<hbm>>
      %dma_start3A_470 = arith.constant 0 : i32
      %dma_start3A_471 = tpu.memref_slice %arg10[%add3A_465, %dma_start3A_470] : memref<768x64xf32, #tpu.memory_space<vmem>> -> memref<1x64xf32, #tpu.memory_space<vmem>>
      %dma_start3A_472 = arith.constant 0 : i32
      %dma_start3A_473 = tpu.memref_slice %arg5[%squeeze3A_459, %dma_start3A_472] : memref<100000x64xf32, #tpu.memory_space<hbm>> -> memref<1x64xf32, #tpu.memory_space<hbm>>
      tpu.enqueue_dma source(%dma_start3A_473 : memref<1x64xf32, #tpu.memory_space<hbm>>) target(%dma_start3A_471 : memref<1x64xf32, #tpu.memory_space<vmem>>) target_semaphore(%arg11 : memref<!tpu.dma_semaphore, #tpu.memory_space<semaphore_mem>>)
      %slice3A_474 = vector.extract_strided_slice %get3A_393 {offsets = [5], sizes = [1], strides = [1]} : vector<16xi32> to vector<1xi32>
      %squeeze3A_475 = vector.extract %slice3A_474[0] : i32 from vector<1xi32>
      %add3A_476 = arith.constant 0 : i32
      %add3A_477 = arith.addi %add3A_476, %mul3A_126 : i32
      %add3A_478 = arith.constant 16 : i32
      %add3A_479 = arith.addi %add3A_477, %add3A_478 : i32
      %add3A_480 = arith.constant 5 : i32
      %add3A_481 = arith.addi %add3A_479, %add3A_480 : i32
      %dma_start3A_482 = arith.constant 0 : i32
      %dma_start3A_483 = tpu.memref_slice %arg10[%add3A_481, %dma_start3A_482] : memref<768x64xf32, #tpu.memory_space<vmem>> -> memref<1x64xf32, #tpu.memory_space<vmem>>
      %dma_start3A_484 = arith.constant 0 : i32
      %dma_start3A_485 = tpu.memref_slice %arg5[%squeeze3A_475, %dma_start3A_484] : memref<100000x64xf32, #tpu.memory_space<hbm>> -> memref<1x64xf32, #tpu.memory_space<hbm>>
      %dma_start3A_486 = arith.constant 0 : i32
      %dma_start3A_487 = tpu.memref_slice %arg10[%add3A_481, %dma_start3A_486] : memref<768x64xf32, #tpu.memory_space<vmem>> -> memref<1x64xf32, #tpu.memory_space<vmem>>
      %dma_start3A_488 = arith.constant 0 : i32
      %dma_start3A_489 = tpu.memref_slice %arg5[%squeeze3A_475, %dma_start3A_488] : memref<100000x64xf32, #tpu.memory_space<hbm>> -> memref<1x64xf32, #tpu.memory_space<hbm>>
      tpu.enqueue_dma source(%dma_start3A_489 : memref<1x64xf32, #tpu.memory_space<hbm>>) target(%dma_start3A_487 : memref<1x64xf32, #tpu.memory_space<vmem>>) target_semaphore(%arg11 : memref<!tpu.dma_semaphore, #tpu.memory_space<semaphore_mem>>)
      %slice3A_490 = vector.extract_strided_slice %get3A_393 {offsets = [6], sizes = [1], strides = [1]} : vector<16xi32> to vector<1xi32>
      %squeeze3A_491 = vector.extract %slice3A_490[0] : i32 from vector<1xi32>
      %add3A_492 = arith.constant 0 : i32
      %add3A_493 = arith.addi %add3A_492, %mul3A_126 : i32
      %add3A_494 = arith.constant 16 : i32
      %add3A_495 = arith.addi %add3A_493, %add3A_494 : i32
      %add3A_496 = arith.constant 6 : i32
      %add3A_497 = arith.addi %add3A_495, %add3A_496 : i32
      %dma_start3A_498 = arith.constant 0 : i32
      %dma_start3A_499 = tpu.memref_slice %arg10[%add3A_497, %dma_start3A_498] : memref<768x64xf32, #tpu.memory_space<vmem>> -> memref<1x64xf32, #tpu.memory_space<vmem>>
      %dma_start3A_500 = arith.constant 0 : i32
      %dma_start3A_501 = tpu.memref_slice %arg5[%squeeze3A_491, %dma_start3A_500] : memref<100000x64xf32, #tpu.memory_space<hbm>> -> memref<1x64xf32, #tpu.memory_space<hbm>>
      %dma_start3A_502 = arith.constant 0 : i32
      %dma_start3A_503 = tpu.memref_slice %arg10[%add3A_497, %dma_start3A_502] : memref<768x64xf32, #tpu.memory_space<vmem>> -> memref<1x64xf32, #tpu.memory_space<vmem>>
      %dma_start3A_504 = arith.constant 0 : i32
      %dma_start3A_505 = tpu.memref_slice %arg5[%squeeze3A_491, %dma_start3A_504] : memref<100000x64xf32, #tpu.memory_space<hbm>> -> memref<1x64xf32, #tpu.memory_space<hbm>>
      tpu.enqueue_dma source(%dma_start3A_505 : memref<1x64xf32, #tpu.memory_space<hbm>>) target(%dma_start3A_503 : memref<1x64xf32, #tpu.memory_space<vmem>>) target_semaphore(%arg11 : memref<!tpu.dma_semaphore, #tpu.memory_space<semaphore_mem>>)
      %slice3A_506 = vector.extract_strided_slice %get3A_393 {offsets = [7], sizes = [1], strides = [1]} : vector<16xi32> to vector<1xi32>
      %squeeze3A_507 = vector.extract %slice3A_506[0] : i32 from vector<1xi32>
      %add3A_508 = arith.constant 0 : i32
      %add3A_509 = arith.addi %add3A_508, %mul3A_126 : i32
      %add3A_510 = arith.constant 16 : i32
      %add3A_511 = arith.addi %add3A_509, %add3A_510 : i32
      %add3A_512 = arith.constant 7 : i32
      %add3A_513 = arith.addi %add3A_511, %add3A_512 : i32
      %dma_start3A_514 = arith.constant 0 : i32
      %dma_start3A_515 = tpu.memref_slice %arg10[%add3A_513, %dma_start3A_514] : memref<768x64xf32, #tpu.memory_space<vmem>> -> memref<1x64xf32, #tpu.memory_space<vmem>>
      %dma_start3A_516 = arith.constant 0 : i32
      %dma_start3A_517 = tpu.memref_slice %arg5[%squeeze3A_507, %dma_start3A_516] : memref<100000x64xf32, #tpu.memory_space<hbm>> -> memref<1x64xf32, #tpu.memory_space<hbm>>
      %dma_start3A_518 = arith.constant 0 : i32
      %dma_start3A_519 = tpu.memref_slice %arg10[%add3A_513, %dma_start3A_518] : memref<768x64xf32, #tpu.memory_space<vmem>> -> memref<1x64xf32, #tpu.memory_space<vmem>>
      %dma_start3A_520 = arith.constant 0 : i32
      %dma_start3A_521 = tpu.memref_slice %arg5[%squeeze3A_507, %dma_start3A_520] : memref<100000x64xf32, #tpu.memory_space<hbm>> -> memref<1x64xf32, #tpu.memory_space<hbm>>
      tpu.enqueue_dma source(%dma_start3A_521 : memref<1x64xf32, #tpu.memory_space<hbm>>) target(%dma_start3A_519 : memref<1x64xf32, #tpu.memory_space<vmem>>) target_semaphore(%arg11 : memref<!tpu.dma_semaphore, #tpu.memory_space<semaphore_mem>>)
      %slice3A_522 = vector.extract_strided_slice %get3A_393 {offsets = [8], sizes = [1], strides = [1]} : vector<16xi32> to vector<1xi32>
      %squeeze3A_523 = vector.extract %slice3A_522[0] : i32 from vector<1xi32>
      %add3A_524 = arith.constant 0 : i32
      %add3A_525 = arith.addi %add3A_524, %mul3A_126 : i32
      %add3A_526 = arith.constant 16 : i32
      %add3A_527 = arith.addi %add3A_525, %add3A_526 : i32
      %add3A_528 = arith.constant 8 : i32
      %add3A_529 = arith.addi %add3A_527, %add3A_528 : i32
      %dma_start3A_530 = arith.constant 0 : i32
      %dma_start3A_531 = tpu.memref_slice %arg10[%add3A_529, %dma_start3A_530] : memref<768x64xf32, #tpu.memory_space<vmem>> -> memref<1x64xf32, #tpu.memory_space<vmem>>
      %dma_start3A_532 = arith.constant 0 : i32
      %dma_start3A_533 = tpu.memref_slice %arg5[%squeeze3A_523, %dma_start3A_532] : memref<100000x64xf32, #tpu.memory_space<hbm>> -> memref<1x64xf32, #tpu.memory_space<hbm>>
      %dma_start3A_534 = arith.constant 0 : i32
      %dma_start3A_535 = tpu.memref_slice %arg10[%add3A_529, %dma_start3A_534] : memref<768x64xf32, #tpu.memory_space<vmem>> -> memref<1x64xf32, #tpu.memory_space<vmem>>
      %dma_start3A_536 = arith.constant 0 : i32
      %dma_start3A_537 = tpu.memref_slice %arg5[%squeeze3A_523, %dma_start3A_536] : memref<100000x64xf32, #tpu.memory_space<hbm>> -> memref<1x64xf32, #tpu.memory_space<hbm>>
      tpu.enqueue_dma source(%dma_start3A_537 : memref<1x64xf32, #tpu.memory_space<hbm>>) target(%dma_start3A_535 : memref<1x64xf32, #tpu.memory_space<vmem>>) target_semaphore(%arg11 : memref<!tpu.dma_semaphore, #tpu.memory_space<semaphore_mem>>)
      %slice3A_538 = vector.extract_strided_slice %get3A_393 {offsets = [9], sizes = [1], strides = [1]} : vector<16xi32> to vector<1xi32>
      %squeeze3A_539 = vector.extract %slice3A_538[0] : i32 from vector<1xi32>
      %add3A_540 = arith.constant 0 : i32
      %add3A_541 = arith.addi %add3A_540, %mul3A_126 : i32
      %add3A_542 = arith.constant 16 : i32
      %add3A_543 = arith.addi %add3A_541, %add3A_542 : i32
      %add3A_544 = arith.constant 9 : i32
      %add3A_545 = arith.addi %add3A_543, %add3A_544 : i32
      %dma_start3A_546 = arith.constant 0 : i32
      %dma_start3A_547 = tpu.memref_slice %arg10[%add3A_545, %dma_start3A_546] : memref<768x64xf32, #tpu.memory_space<vmem>> -> memref<1x64xf32, #tpu.memory_space<vmem>>
      %dma_start3A_548 = arith.constant 0 : i32
      %dma_start3A_549 = tpu.memref_slice %arg5[%squeeze3A_539, %dma_start3A_548] : memref<100000x64xf32, #tpu.memory_space<hbm>> -> memref<1x64xf32, #tpu.memory_space<hbm>>
      %dma_start3A_550 = arith.constant 0 : i32
      %dma_start3A_551 = tpu.memref_slice %arg10[%add3A_545, %dma_start3A_550] : memref<768x64xf32, #tpu.memory_space<vmem>> -> memref<1x64xf32, #tpu.memory_space<vmem>>
      %dma_start3A_552 = arith.constant 0 : i32
      %dma_start3A_553 = tpu.memref_slice %arg5[%squeeze3A_539, %dma_start3A_552] : memref<100000x64xf32, #tpu.memory_space<hbm>> -> memref<1x64xf32, #tpu.memory_space<hbm>>
      tpu.enqueue_dma source(%dma_start3A_553 : memref<1x64xf32, #tpu.memory_space<hbm>>) target(%dma_start3A_551 : memref<1x64xf32, #tpu.memory_space<vmem>>) target_semaphore(%arg11 : memref<!tpu.dma_semaphore, #tpu.memory_space<semaphore_mem>>)
      %slice3A_554 = vector.extract_strided_slice %get3A_393 {offsets = [10], sizes = [1], strides = [1]} : vector<16xi32> to vector<1xi32>
      %squeeze3A_555 = vector.extract %slice3A_554[0] : i32 from vector<1xi32>
      %add3A_556 = arith.constant 0 : i32
      %add3A_557 = arith.addi %add3A_556, %mul3A_126 : i32
      %add3A_558 = arith.constant 16 : i32
      %add3A_559 = arith.addi %add3A_557, %add3A_558 : i32
      %add3A_560 = arith.constant 10 : i32
      %add3A_561 = arith.addi %add3A_559, %add3A_560 : i32
      %dma_start3A_562 = arith.constant 0 : i32
      %dma_start3A_563 = tpu.memref_slice %arg10[%add3A_561, %dma_start3A_562] : memref<768x64xf32, #tpu.memory_space<vmem>> -> memref<1x64xf32, #tpu.memory_space<vmem>>
      %dma_start3A_564 = arith.constant 0 : i32
      %dma_start3A_565 = tpu.memref_slice %arg5[%squeeze3A_555, %dma_start3A_564] : memref<100000x64xf32, #tpu.memory_space<hbm>> -> memref<1x64xf32, #tpu.memory_space<hbm>>
      %dma_start3A_566 = arith.constant 0 : i32
      %dma_start3A_567 = tpu.memref_slice %arg10[%add3A_561, %dma_start3A_566] : memref<768x64xf32, #tpu.memory_space<vmem>> -> memref<1x64xf32, #tpu.memory_space<vmem>>
      %dma_start3A_568 = arith.constant 0 : i32
      %dma_start3A_569 = tpu.memref_slice %arg5[%squeeze3A_555, %dma_start3A_568] : memref<100000x64xf32, #tpu.memory_space<hbm>> -> memref<1x64xf32, #tpu.memory_space<hbm>>
      tpu.enqueue_dma source(%dma_start3A_569 : memref<1x64xf32, #tpu.memory_space<hbm>>) target(%dma_start3A_567 : memref<1x64xf32, #tpu.memory_space<vmem>>) target_semaphore(%arg11 : memref<!tpu.dma_semaphore, #tpu.memory_space<semaphore_mem>>)
      %slice3A_570 = vector.extract_strided_slice %get3A_393 {offsets = [11], sizes = [1], strides = [1]} : vector<16xi32> to vector<1xi32>
      %squeeze3A_571 = vector.extract %slice3A_570[0] : i32 from vector<1xi32>
      %add3A_572 = arith.constant 0 : i32
      %add3A_573 = arith.addi %add3A_572, %mul3A_126 : i32
      %add3A_574 = arith.constant 16 : i32
      %add3A_575 = arith.addi %add3A_573, %add3A_574 : i32
      %add3A_576 = arith.constant 11 : i32
      %add3A_577 = arith.addi %add3A_575, %add3A_576 : i32
      %dma_start3A_578 = arith.constant 0 : i32
      %dma_start3A_579 = tpu.memref_slice %arg10[%add3A_577, %dma_start3A_578] : memref<768x64xf32, #tpu.memory_space<vmem>> -> memref<1x64xf32, #tpu.memory_space<vmem>>
      %dma_start3A_580 = arith.constant 0 : i32
      %dma_start3A_581 = tpu.memref_slice %arg5[%squeeze3A_571, %dma_start3A_580] : memref<100000x64xf32, #tpu.memory_space<hbm>> -> memref<1x64xf32, #tpu.memory_space<hbm>>
      %dma_start3A_582 = arith.constant 0 : i32
      %dma_start3A_583 = tpu.memref_slice %arg10[%add3A_577, %dma_start3A_582] : memref<768x64xf32, #tpu.memory_space<vmem>> -> memref<1x64xf32, #tpu.memory_space<vmem>>
      %dma_start3A_584 = arith.constant 0 : i32
      %dma_start3A_585 = tpu.memref_slice %arg5[%squeeze3A_571, %dma_start3A_584] : memref<100000x64xf32, #tpu.memory_space<hbm>> -> memref<1x64xf32, #tpu.memory_space<hbm>>
      tpu.enqueue_dma source(%dma_start3A_585 : memref<1x64xf32, #tpu.memory_space<hbm>>) target(%dma_start3A_583 : memref<1x64xf32, #tpu.memory_space<vmem>>) target_semaphore(%arg11 : memref<!tpu.dma_semaphore, #tpu.memory_space<semaphore_mem>>)
      %slice3A_586 = vector.extract_strided_slice %get3A_393 {offsets = [12], sizes = [1], strides = [1]} : vector<16xi32> to vector<1xi32>
      %squeeze3A_587 = vector.extract %slice3A_586[0] : i32 from vector<1xi32>
      %add3A_588 = arith.constant 0 : i32
      %add3A_589 = arith.addi %add3A_588, %mul3A_126 : i32
      %add3A_590 = arith.constant 16 : i32
      %add3A_591 = arith.addi %add3A_589, %add3A_590 : i32
      %add3A_592 = arith.constant 12 : i32
      %add3A_593 = arith.addi %add3A_591, %add3A_592 : i32
      %dma_start3A_594 = arith.constant 0 : i32
      %dma_start3A_595 = tpu.memref_slice %arg10[%add3A_593, %dma_start3A_594] : memref<768x64xf32, #tpu.memory_space<vmem>> -> memref<1x64xf32, #tpu.memory_space<vmem>>
      %dma_start3A_596 = arith.constant 0 : i32
      %dma_start3A_597 = tpu.memref_slice %arg5[%squeeze3A_587, %dma_start3A_596] : memref<100000x64xf32, #tpu.memory_space<hbm>> -> memref<1x64xf32, #tpu.memory_space<hbm>>
      %dma_start3A_598 = arith.constant 0 : i32
      %dma_start3A_599 = tpu.memref_slice %arg10[%add3A_593, %dma_start3A_598] : memref<768x64xf32, #tpu.memory_space<vmem>> -> memref<1x64xf32, #tpu.memory_space<vmem>>
      %dma_start3A_600 = arith.constant 0 : i32
      %dma_start3A_601 = tpu.memref_slice %arg5[%squeeze3A_587, %dma_start3A_600] : memref<100000x64xf32, #tpu.memory_space<hbm>> -> memref<1x64xf32, #tpu.memory_space<hbm>>
      tpu.enqueue_dma source(%dma_start3A_601 : memref<1x64xf32, #tpu.memory_space<hbm>>) target(%dma_start3A_599 : memref<1x64xf32, #tpu.memory_space<vmem>>) target_semaphore(%arg11 : memref<!tpu.dma_semaphore, #tpu.memory_space<semaphore_mem>>)
      %slice3A_602 = vector.extract_strided_slice %get3A_393 {offsets = [13], sizes = [1], strides = [1]} : vector<16xi32> to vector<1xi32>
      %squeeze3A_603 = vector.extract %slice3A_602[0] : i32 from vector<1xi32>
      %add3A_604 = arith.constant 0 : i32
      %add3A_605 = arith.addi %add3A_604, %mul3A_126 : i32
      %add3A_606 = arith.constant 16 : i32
      %add3A_607 = arith.addi %add3A_605, %add3A_606 : i32
      %add3A_608 = arith.constant 13 : i32
      %add3A_609 = arith.addi %add3A_607, %add3A_608 : i32
      %dma_start3A_610 = arith.constant 0 : i32
      %dma_start3A_611 = tpu.memref_slice %arg10[%add3A_609, %dma_start3A_610] : memref<768x64xf32, #tpu.memory_space<vmem>> -> memref<1x64xf32, #tpu.memory_space<vmem>>
      %dma_start3A_612 = arith.constant 0 : i32
      %dma_start3A_613 = tpu.memref_slice %arg5[%squeeze3A_603, %dma_start3A_612] : memref<100000x64xf32, #tpu.memory_space<hbm>> -> memref<1x64xf32, #tpu.memory_space<hbm>>
      %dma_start3A_614 = arith.constant 0 : i32
      %dma_start3A_615 = tpu.memref_slice %arg10[%add3A_609, %dma_start3A_614] : memref<768x64xf32, #tpu.memory_space<vmem>> -> memref<1x64xf32, #tpu.memory_space<vmem>>
      %dma_start3A_616 = arith.constant 0 : i32
      %dma_start3A_617 = tpu.memref_slice %arg5[%squeeze3A_603, %dma_start3A_616] : memref<100000x64xf32, #tpu.memory_space<hbm>> -> memref<1x64xf32, #tpu.memory_space<hbm>>
      tpu.enqueue_dma source(%dma_start3A_617 : memref<1x64xf32, #tpu.memory_space<hbm>>) target(%dma_start3A_615 : memref<1x64xf32, #tpu.memory_space<vmem>>) target_semaphore(%arg11 : memref<!tpu.dma_semaphore, #tpu.memory_space<semaphore_mem>>)
      %slice3A_618 = vector.extract_strided_slice %get3A_393 {offsets = [14], sizes = [1], strides = [1]} : vector<16xi32> to vector<1xi32>
      %squeeze3A_619 = vector.extract %slice3A_618[0] : i32 from vector<1xi32>
      %add3A_620 = arith.constant 0 : i32
      %add3A_621 = arith.addi %add3A_620, %mul3A_126 : i32
      %add3A_622 = arith.constant 16 : i32
      %add3A_623 = arith.addi %add3A_621, %add3A_622 : i32
      %add3A_624 = arith.constant 14 : i32
      %add3A_625 = arith.addi %add3A_623, %add3A_624 : i32
      %dma_start3A_626 = arith.constant 0 : i32
      %dma_start3A_627 = tpu.memref_slice %arg10[%add3A_625, %dma_start3A_626] : memref<768x64xf32, #tpu.memory_space<vmem>> -> memref<1x64xf32, #tpu.memory_space<vmem>>
      %dma_start3A_628 = arith.constant 0 : i32
      %dma_start3A_629 = tpu.memref_slice %arg5[%squeeze3A_619, %dma_start3A_628] : memref<100000x64xf32, #tpu.memory_space<hbm>> -> memref<1x64xf32, #tpu.memory_space<hbm>>
      %dma_start3A_630 = arith.constant 0 : i32
      %dma_start3A_631 = tpu.memref_slice %arg10[%add3A_625, %dma_start3A_630] : memref<768x64xf32, #tpu.memory_space<vmem>> -> memref<1x64xf32, #tpu.memory_space<vmem>>
      %dma_start3A_632 = arith.constant 0 : i32
      %dma_start3A_633 = tpu.memref_slice %arg5[%squeeze3A_619, %dma_start3A_632] : memref<100000x64xf32, #tpu.memory_space<hbm>> -> memref<1x64xf32, #tpu.memory_space<hbm>>
      tpu.enqueue_dma source(%dma_start3A_633 : memref<1x64xf32, #tpu.memory_space<hbm>>) target(%dma_start3A_631 : memref<1x64xf32, #tpu.memory_space<vmem>>) target_semaphore(%arg11 : memref<!tpu.dma_semaphore, #tpu.memory_space<semaphore_mem>>)
      %slice3A_634 = vector.extract_strided_slice %get3A_393 {offsets = [15], sizes = [1], strides = [1]} : vector<16xi32> to vector<1xi32>
      %squeeze3A_635 = vector.extract %slice3A_634[0] : i32 from vector<1xi32>
      %add3A_636 = arith.constant 0 : i32
      %add3A_637 = arith.addi %add3A_636, %mul3A_126 : i32
      %add3A_638 = arith.constant 16 : i32
      %add3A_639 = arith.addi %add3A_637, %add3A_638 : i32
      %add3A_640 = arith.constant 15 : i32
      %add3A_641 = arith.addi %add3A_639, %add3A_640 : i32
      %dma_start3A_642 = arith.constant 0 : i32
      %dma_start3A_643 = tpu.memref_slice %arg10[%add3A_641, %dma_start3A_642] : memref<768x64xf32, #tpu.memory_space<vmem>> -> memref<1x64xf32, #tpu.memory_space<vmem>>
      %dma_start3A_644 = arith.constant 0 : i32
      %dma_start3A_645 = tpu.memref_slice %arg5[%squeeze3A_635, %dma_start3A_644] : memref<100000x64xf32, #tpu.memory_space<hbm>> -> memref<1x64xf32, #tpu.memory_space<hbm>>
      %dma_start3A_646 = arith.constant 0 : i32
      %dma_start3A_647 = tpu.memref_slice %arg10[%add3A_641, %dma_start3A_646] : memref<768x64xf32, #tpu.memory_space<vmem>> -> memref<1x64xf32, #tpu.memory_space<vmem>>
      %dma_start3A_648 = arith.constant 0 : i32
      %dma_start3A_649 = tpu.memref_slice %arg5[%squeeze3A_635, %dma_start3A_648] : memref<100000x64xf32, #tpu.memory_space<hbm>> -> memref<1x64xf32, #tpu.memory_space<hbm>>
      tpu.enqueue_dma source(%dma_start3A_649 : memref<1x64xf32, #tpu.memory_space<hbm>>) target(%dma_start3A_647 : memref<1x64xf32, #tpu.memory_space<vmem>>) target_semaphore(%arg11 : memref<!tpu.dma_semaphore, #tpu.memory_space<semaphore_mem>>)
    }
    %scan3A_61 = arith.constant 8 : i32
    %dma_wait3A_62 = arith.constant 0 : i32
    %dma_wait3A_63 = arith.constant 0 : i32
    %dma_wait3A_64 = tpu.memref_slice %arg10[%dma_wait3A_62, %dma_wait3A_63] : memref<768x64xf32, #tpu.memory_space<vmem>> -> memref<512x64xf32, #tpu.memory_space<vmem>>
    %dma_wait3A_65 = arith.constant 0 : i32
    %dma_wait3A_66 = tpu.memref_slice %arg6[%mul3A_2, %dma_wait3A_65] : memref<16384x64xf32, #tpu.memory_space<hbm>> -> memref<512x64xf32, #tpu.memory_space<hbm>>
    %dma_wait3A_67 = arith.constant 0 : i32
    %dma_wait3A_68 = arith.constant 0 : i32
    %dma_wait3A_69 = tpu.memref_slice %arg10[%dma_wait3A_67, %dma_wait3A_68] : memref<768x64xf32, #tpu.memory_space<vmem>> -> memref<512x64xf32, #tpu.memory_space<vmem>>
    %dma_wait3A_70 = arith.constant 0 : i32
    %dma_wait3A_71 = tpu.memref_slice %arg6[%mul3A_2, %dma_wait3A_70] : memref<16384x64xf32, #tpu.memory_space<hbm>> -> memref<512x64xf32, #tpu.memory_space<hbm>>
    tpu.wait_dma2 semaphore(%arg11 : memref<!tpu.dma_semaphore, #tpu.memory_space<semaphore_mem>>) src(%dma_wait3A_71 : memref<512x64xf32, #tpu.memory_space<hbm>>) dst(%dma_wait3A_69 : memref<512x64xf32, #tpu.memory_space<vmem>>)
    %dma_wait3A_72 = arith.constant 0 : i32
    %dma_wait3A_73 = arith.constant 0 : i32
    %dma_wait3A_74 = tpu.memref_slice %arg10[%dma_wait3A_72, %dma_wait3A_73] : memref<768x64xf32, #tpu.memory_space<vmem>> -> memref<256x64xf32, #tpu.memory_space<vmem>>
    %dma_wait3A_75 = arith.constant 0 : i32
    %dma_wait3A_76 = tpu.memref_slice %arg6[%mul3A_2, %dma_wait3A_75] : memref<16384x64xf32, #tpu.memory_space<hbm>> -> memref<256x64xf32, #tpu.memory_space<hbm>>
    %dma_wait3A_77 = arith.constant 0 : i32
    %dma_wait3A_78 = arith.constant 0 : i32
    %dma_wait3A_79 = tpu.memref_slice %arg10[%dma_wait3A_77, %dma_wait3A_78] : memref<768x64xf32, #tpu.memory_space<vmem>> -> memref<256x64xf32, #tpu.memory_space<vmem>>
    %dma_wait3A_80 = arith.constant 0 : i32
    %dma_wait3A_81 = tpu.memref_slice %arg6[%mul3A_2, %dma_wait3A_80] : memref<16384x64xf32, #tpu.memory_space<hbm>> -> memref<256x64xf32, #tpu.memory_space<hbm>>
    tpu.wait_dma2 semaphore(%arg11 : memref<!tpu.dma_semaphore, #tpu.memory_space<semaphore_mem>>) src(%dma_wait3A_81 : memref<256x64xf32, #tpu.memory_space<hbm>>) dst(%dma_wait3A_79 : memref<256x64xf32, #tpu.memory_space<vmem>>)
    %dma_start3A_82 = arith.constant 512 : i32
    %dma_start3A_83 = arith.constant 0 : i32
    %dma_start3A_84 = tpu.memref_slice %arg10[%dma_start3A_82, %dma_start3A_83] : memref<768x64xf32, #tpu.memory_space<vmem>> -> memref<256x64xf32, #tpu.memory_space<vmem>>
    %dma_start3A_85 = arith.constant 0 : i32
    %dma_start3A_86 = tpu.memref_slice %arg7[%mul3A_2, %dma_start3A_85] : memref<16384x64xf32, #tpu.memory_space<hbm>> -> memref<256x64xf32, #tpu.memory_space<hbm>>
    %dma_start3A_87 = arith.constant 0 : i32
    %dma_start3A_88 = tpu.memref_slice %arg7[%mul3A_2, %dma_start3A_87] : memref<16384x64xf32, #tpu.memory_space<hbm>> -> memref<256x64xf32, #tpu.memory_space<hbm>>
    %dma_start3A_89 = arith.constant 512 : i32
    %dma_start3A_90 = arith.constant 0 : i32
    %dma_start3A_91 = tpu.memref_slice %arg10[%dma_start3A_89, %dma_start3A_90] : memref<768x64xf32, #tpu.memory_space<vmem>> -> memref<256x64xf32, #tpu.memory_space<vmem>>
    tpu.enqueue_dma source(%dma_start3A_91 : memref<256x64xf32, #tpu.memory_space<vmem>>) target(%dma_start3A_88 : memref<256x64xf32, #tpu.memory_space<hbm>>) target_semaphore(%arg11 : memref<!tpu.dma_semaphore, #tpu.memory_space<semaphore_mem>>)
    %dma_wait3A_92 = arith.constant 512 : i32
    %dma_wait3A_93 = arith.constant 0 : i32
    %dma_wait3A_94 = tpu.memref_slice %arg10[%dma_wait3A_92, %dma_wait3A_93] : memref<768x64xf32, #tpu.memory_space<vmem>> -> memref<256x64xf32, #tpu.memory_space<vmem>>
    %dma_wait3A_95 = arith.constant 0 : i32
    %dma_wait3A_96 = tpu.memref_slice %arg7[%mul3A_2, %dma_wait3A_95] : memref<16384x64xf32, #tpu.memory_space<hbm>> -> memref<256x64xf32, #tpu.memory_space<hbm>>
    %dma_wait3A_97 = arith.constant 0 : i32
    %dma_wait3A_98 = tpu.memref_slice %arg7[%mul3A_2, %dma_wait3A_97] : memref<16384x64xf32, #tpu.memory_space<hbm>> -> memref<256x64xf32, #tpu.memory_space<hbm>>
    %dma_wait3A_99 = arith.constant 512 : i32
    %dma_wait3A_100 = arith.constant 0 : i32
    %dma_wait3A_101 = tpu.memref_slice %arg10[%dma_wait3A_99, %dma_wait3A_100] : memref<768x64xf32, #tpu.memory_space<vmem>> -> memref<256x64xf32, #tpu.memory_space<vmem>>
    tpu.wait_dma2 semaphore(%arg11 : memref<!tpu.dma_semaphore, #tpu.memory_space<semaphore_mem>>) src(%dma_wait3A_101 : memref<256x64xf32, #tpu.memory_space<vmem>>) dst(%dma_wait3A_98 : memref<256x64xf32, #tpu.memory_space<hbm>>)
    %add3A_102 = arith.constant 256 : i32
    %add3A_103 = arith.addi %mul3A_2, %add3A_102 : i32
    %dma_start3A_104 = arith.constant 0 : i32
    %dma_start3A_105 = arith.constant 0 : i32
    %dma_start3A_106 = tpu.memref_slice %arg10[%dma_start3A_104, %dma_start3A_105] : memref<768x64xf32, #tpu.memory_space<vmem>> -> memref<256x64xf32, #tpu.memory_space<vmem>>
    %dma_start3A_107 = arith.constant 0 : i32
    %dma_start3A_108 = tpu.memref_slice %arg7[%add3A_103, %dma_start3A_107] : memref<16384x64xf32, #tpu.memory_space<hbm>> -> memref<256x64xf32, #tpu.memory_space<hbm>>
    %dma_start3A_109 = arith.constant 0 : i32
    %dma_start3A_110 = tpu.memref_slice %arg7[%add3A_103, %dma_start3A_109] : memref<16384x64xf32, #tpu.memory_space<hbm>> -> memref<256x64xf32, #tpu.memory_space<hbm>>
    %dma_start3A_111 = arith.constant 0 : i32
    %dma_start3A_112 = arith.constant 0 : i32
    %dma_start3A_113 = tpu.memref_slice %arg10[%dma_start3A_111, %dma_start3A_112] : memref<768x64xf32, #tpu.memory_space<vmem>> -> memref<256x64xf32, #tpu.memory_space<vmem>>
    tpu.enqueue_dma source(%dma_start3A_113 : memref<256x64xf32, #tpu.memory_space<vmem>>) target(%dma_start3A_110 : memref<256x64xf32, #tpu.memory_space<hbm>>) target_semaphore(%arg11 : memref<!tpu.dma_semaphore, #tpu.memory_space<semaphore_mem>>)
    %dma_wait3A_114 = arith.constant 0 : i32
    %dma_wait3A_115 = arith.constant 0 : i32
    %dma_wait3A_116 = tpu.memref_slice %arg10[%dma_wait3A_114, %dma_wait3A_115] : memref<768x64xf32, #tpu.memory_space<vmem>> -> memref<256x64xf32, #tpu.memory_space<vmem>>
    %dma_wait3A_117 = arith.constant 0 : i32
    %dma_wait3A_118 = tpu.memref_slice %arg7[%add3A_103, %dma_wait3A_117] : memref<16384x64xf32, #tpu.memory_space<hbm>> -> memref<256x64xf32, #tpu.memory_space<hbm>>
    %dma_wait3A_119 = arith.constant 0 : i32
    %dma_wait3A_120 = tpu.memref_slice %arg7[%add3A_103, %dma_wait3A_119] : memref<16384x64xf32, #tpu.memory_space<hbm>> -> memref<256x64xf32, #tpu.memory_space<hbm>>
    %dma_wait3A_121 = arith.constant 0 : i32
    %dma_wait3A_122 = arith.constant 0 : i32
    %dma_wait3A_123 = tpu.memref_slice %arg10[%dma_wait3A_121, %dma_wait3A_122] : memref<768x64xf32, #tpu.memory_space<vmem>> -> memref<256x64xf32, #tpu.memory_space<vmem>>
    tpu.wait_dma2 semaphore(%arg11 : memref<!tpu.dma_semaphore, #tpu.memory_space<semaphore_mem>>) src(%dma_wait3A_123 : memref<256x64xf32, #tpu.memory_space<vmem>>) dst(%dma_wait3A_120 : memref<256x64xf32, #tpu.memory_space<hbm>>)
    return
  }
}

</mosaic_0001>

<sc_bundles>
// kernel: kernel.3.cloned.1.call-start
scs
__scs_entry_jumppad:
0x0: {  	(pc) =	sbr.rel $0x88, $3  }
0x1: {  	(tag) =	ssettag $0x0;
	lr =	simm.s32 $0x1  }
0x2: {  	[smem:$0x3F9D] =	sst lr;
	_ =	strace $0xD0000000  }
0x3: {  	_ = 	snop  }
0x4: {  	_ = 	snop  }
0x5: {  	_ = 	snop  }
0x6: {  	_ = 	snop  }
0x7: {  	_ = 	snop  }
__scs_overlays_trampoline_lowered:
0x8: {  	[smem:$0x3FAC] =	sst s0  }
0x9: {  	[smem:$0x3FAD] =	sst s1  }
0xa: {  	[smem:$0x3FAE] =	sst s2  }
0xb: {  	[smem:$0x3FAF] =	sst s3  }
0xc: {  	[smem:$0x3FB0] =	sst s4  }
0xd: {  	[smem:$0x3FB1] =	sst s5  }
0xe: {  	[smem:$0x3FB2] =	sst s6  }
0xf: {  	[smem:$0x3FB3] =	sst s7  }
0x10: {  	[smem:$0x3FB4] =	sst s8  }
0x11: {  	[smem:$0x3FB5] =	sst s9;
	s0 =	simm.s32 @!p0 $0x0  }
0x12: {  	s1 =	sld [smem:$0x3F9B];
	s0 =	simm.s32 @p0 $0x1  }
0x13: {  	[smem:$0x3FB6] =	sst s0;
	s0 =	simm.s32 @!p1 $0x0  }
0x14: {  	s2 =	sld [smem:$0x3F9A];
	s0 =	simm.s32 @p1 $0x1  }
0x15: {  	[smem:$0x3FB7] =	sst s0;
	s0 =	simm.s32 @!p2 $0x0  }
0x16: {  	s3 =	sld [smem:$0x3FDB];
	s0 =	simm.s32 @p2 $0x1  }
0x17: {  	s4 =	simm.s32 $0x1BF5;
	[smem:$0x3FB9] =	sst s0  }
0x18: {  	s0 =	sld [smem:$0x3F9C];
	_ =	swait.ge [sflag:s4], $0x0  }
0x19: {  	s7 =	sld [smem:$0x3F9D]  }
0x1a: {  	s8 =	sadd.s32 $0xFFFFE003, lr  }
0x1b: {  	s9 =	sadd.s32 $0xFFFFFEF7, lr;
	s5 =	simm.s32 $0xFFFFFFFF;
	p2 =	slt.u32 s8, $0xFFFFF086  }
0x1c: {  	p1 =	slt.u32 s9, $0xF7A;
	s5 =	simm.s32 @!p2 $0x0  }
0x1d: {  	s5 =	simm.s32 @p1 $0x1;
	p0 =	seq.s32 s7, s2  }
0x1e: {  	s7 =	smul.u32 @!p0 $0xF7A, s2;
	p2 =	seq.s32 @!p0 s5, $0x0  }
0x1f: {  	s9 =	smul.u32 $0xF7A, s1;
	s8 =	simm.s32 @!p0 $0x1BF5;
	p2 =	por !p2, p0  }
0x20: {  	[sflag:s8] =	ssyncset.s32 @!p0 $0xFFFFF086;
	s6 =	sadd.s32 @!p0 s3, s7;
	s7 =	simm.s32 @!p0 $0x108  }
0x21: {  	s3 =	sadd.s32 s3, s9;
	s6 =	sadd.s32 @!p0 $0x88, s6;
	s7 =	simm.s32 @p2 $0x1082  }
0x22: {  	[simem:s7], [sflag:s8] =	dma.local @!p0 [hbm:s6], $0xF7A  }
0x23: {  	s9 =	sor.u32 $0xD0000000, s2;
	s6 =	simm.s32 $0x108;
	_ =	swait.ge @!p0 [sflag:s8], $0x0  }
0x24: {  	s3 =	sadd.s32 $0x88, s3;
	s6 =	simm.s32 @!p1 $0x1082;
	[sflag:s4] =	ssyncset.s32 $0xFFFFF086  }
0x25: {  	[simem:s6], [sflag:s4] =	dma.local [hbm:s3], $0xF7A  }
0x26: {  	[smem:$0x3F9D] =	sst s1;
	(tag) =	ssettag s2;
	_ =	strace s9  }
0x27: {  	s1 =	sld [smem:$0x3FAD]  }
0x28: {  	s2 =	sld [smem:$0x3FAE]  }
0x29: {  	s4 =	sld [smem:$0x3FB0]  }
0x2a: {  	p0 =	seq.s32 s5, $0x0;
	s5 =	sld [smem:$0x3FB1]  }
0x2b: {  	s6 =	sld [smem:$0x3FB2]  }
0x2c: {  	s7 =	sld [smem:$0x3FB3]  }
0x2d: {  	s3 =	simm.s32 $0x108;
	s8 =	sld [smem:$0x3FB4]  }
0x2e: {  	s3 =	simm.s32 @!p0 $0x1082;
	s9 =	sld [smem:$0x3FB5]  }
0x2f: {  	lr =	sadd.s32 s0, s3;
	s0 =	sld [smem:$0x3FAC]  }
0x30: {  	s3 =	sld [smem:$0x3FAF]  }
0x31: {  	[smem:$0x3FB8] =	sst s10  }
0x32: {  	s10 =	sld [smem:$0x3FB6];
	_ =	sdelay $0x3  }
0x33: {  	p0 =	seq.s32 s10, $0x1;
	s10 =	sld [smem:$0x3FB8];
	_ =	sdelay $0x3  }
0x34: {  	[smem:$0x3FB8] =	sst s10  }
0x35: {  	s10 =	sld [smem:$0x3FB7];
	_ =	sdelay $0x3  }
0x36: {  	p1 =	seq.s32 s10, $0x1;
	s10 =	sld [smem:$0x3FB8];
	_ =	sdelay $0x3  }
0x37: {  	[smem:$0x3FB8] =	sst s10  }
0x38: {  	s10 =	sld [smem:$0x3FB9]  }
0x39: {  	_ = 	snop;
	(pc) =	sbr.ind lr, $3  }
0x3a: {  	_ = 	snop  }
0x3b: {  	_ = 	snop  }
0x3c: {  	p2 =	seq.s32 s10, $0x1;
	s10 =	sld [smem:$0x3FB8]  }
0x3d: {  	_ =	shalt  }
0x3e: {  	_ =	shalt  }
0x3f: {  	_ =	shalt  }
0x40: {  	_ =	shalt  }
0x41: {  	_ =	shalt  }
0x42: {  	_ =	shalt  }
0x43: {  	_ =	shalt  }
0x44: {  	_ =	shalt  }
0x45: {  	_ =	shalt  }
0x46: {  	_ =	shalt  }
0x47: {  	_ =	shalt  }
0x48: {  	_ =	shalt  }
0x49: {  	_ =	shalt  }
0x4a: {  	_ =	shalt  }
0x4b: {  	_ =	shalt  }
0x4c: {  	_ =	shalt  }
0x4d: {  	_ =	shalt  }
0x4e: {  	_ =	shalt  }
0x4f: {  	_ =	shalt  }
0x50: {  	_ =	shalt  }
0x51: {  	_ =	shalt  }
0x52: {  	_ =	shalt  }
0x53: {  	_ =	shalt  }
0x54: {  	_ =	shalt  }
0x55: {  	_ =	shalt  }
0x56: {  	_ =	shalt  }
0x57: {  	_ =	shalt  }
0x58: {  	_ =	shalt  }
0x59: {  	_ =	shalt  }
0x5a: {  	_ =	shalt  }
0x5b: {  	_ =	shalt  }
0x5c: {  	_ =	shalt  }
0x5d: {  	_ =	shalt  }
0x5e: {  	_ =	shalt  }
0x5f: {  	_ =	shalt  }
0x60: {  	_ =	shalt  }
0x61: {  	_ =	shalt  }
0x62: {  	_ =	shalt  }
0x63: {  	_ =	shalt  }
0x64: {  	_ =	shalt  }
0x65: {  	_ =	shalt  }
0x66: {  	_ =	shalt  }
0x67: {  	_ =	shalt  }
0x68: {  	_ =	shalt  }
0x69: {  	_ =	shalt  }
0x6a: {  	_ =	shalt  }
0x6b: {  	_ =	shalt  }
0x6c: {  	_ =	shalt  }
0x6d: {  	_ =	shalt  }
0x6e: {  	_ =	shalt  }
0x6f: {  	_ =	shalt  }
0x70: {  	_ =	shalt  }
0x71: {  	_ =	shalt  }
0x72: {  	_ =	shalt  }
0x73: {  	_ =	shalt  }
0x74: {  	_ =	shalt  }
0x75: {  	_ =	shalt  }
0x76: {  	_ =	shalt  }
0x77: {  	_ =	shalt  }
0x78: {  	_ =	shalt  }
0x79: {  	_ =	shalt  }
0x7a: {  	_ =	shalt  }
0x7b: {  	_ =	shalt  }
0x7c: {  	_ =	shalt  }
0x7d: {  	_ =	shalt  }
0x7e: {  	_ =	shalt  }
0x7f: {  	_ =	shalt  }
0x80: {  	_ =	shalt  }
0x81: {  	_ =	shalt  }
0x82: {  	_ =	shalt  }
0x83: {  	_ =	shalt  }
0x84: {  	_ =	shalt  }
0x85: {  	_ =	shalt  }
0x86: {  	_ =	shalt  }
0x87: {  	_ =	shalt  }
.Lfunc_end0:
.L_simem_size_0:
called_computation_lowered:
.L_overlay_start_0:
0x88: {  	s2 =	sld [smem:$0x3FD9]  }
0x89: {  	s3 =	sld [smem:$0x3FFE];
	_ =	sdelay $0x1  }
0x8a: {  	s1 =	srdreg.scid  }
0x8b: {  	s0 =	sand.u32 $0x1, s1  }
0x8c: {  	s14 =	sshll.u32 s0, $0xA;
	s2 =	sadd.s32 s3, s2  }
0x8d: {  	s2 =	sadd.s32 s2, s14  }
0x8e: {  	[smem:$0x3FC4] =	sst s2  }
0x8f: {  	_ = 	snop  }
0x90: {  	s2 =	sld [smem:$0x3FD0];
	_ =	sdelay $0x2  }
0x91: {  	s15 =	simm.s32 $0xA;
	s4 =	simm.s32 $0x10  }
0x92: {  	[smem:s4], [sflag:s15] =	dma.local [hbm:s2], $0x1  }
0x93: {  	_ =	swait.eq [sflag:s15], $0x1  }
0x94: {  	[sflag:s15] =	ssyncset.done $0x0  }
0x95: {  	s16 =	sld [smem:$0x10];
	[sflag:s15] =	ssyncadd.s32 $0xFFFFFFFF  }
0x96: {  	s17 =	sld [smem:$0x11];
	(tm) =	ssettm $0x1  }
0x97: {  	s18 =	sld [smem:$0x3FFB];
	_ =	sdelay $0x3  }
0x98: {  	_ =	strace s18  }
0x99: {  	s4 =	sld [smem:$0x3FFC];
	_ =	sdelay $0x3  }
0x9a: {  	_ =	strace s4  }
0x9b: {  	s4 =	sld [smem:$0x3FFD];
	_ =	sdelay $0x3  }
0x9c: {  	_ =	strace s4  }
0x9d: {  	_ =	strace $0x8FFFFFFF  }
0x9e: {  	s19 =	sld [smem:$0x3FDB];
	_ =	sdelay $0x1  }
0x9f: {  	s5 =	simm.s32 $_scs_section_size  }
0xa0: {  	s6 =	simm.s32 $_size__tile_overlayer_lowered;
	s7 =	simm.s32 $_tile_overlayer_lowered  }
0xa1: {  	s22 =	simm.s32 $0x1BFF;
	s21 =	sshll.u32 s7, $0x1;
	s4 =	sadd.s32 s5, s19  }
0xa2: {  	s8 =	simm.s32 $0x0;
	s20 =	sshll.u32 s6, $0x1;
	s6 =	sadd.s32 s21, s4  }
0xa3: {  	[timem:s8], [sflag:s22] =	dma.local [hbm:s6], s20  }
0xa4: {  	_ =	swait.ge [sflag:s22], s20  }
0xa5: {  	s5 =	ssub.s32 $0x0, s20;
	[sflag:s22] =	ssyncset.done $0x0  }
0xa6: {  	[sflag:s22] =	ssyncadd.s32 s5;
	_ =	sdelay $0x1  }
0xa7: {  	s23 =	simm.s32 $0x1B8B  }
0xa8: {  	_ =	swait.ge [sflag:s23], $0x1  }
0xa9: {  	[sflag:s23] =	ssyncset.done $0x0  }
0xaa: {  	s25 =	simm.s32 $0x1B8E;
	s24 =	sld [smem:$0x3FFE];
	[sflag:s23] =	ssyncadd.s32 $0xFFFFFFFF  }
0xab: {  	s26 =	simm.s32 $execute0_lowered;
	[smem:$0x3FD2] =	sst s25  }
0xac: {  	s6 =	sshll.u32 s26, $0x1;
	_ =	strace $0x80000046;
	[dreg:$0x1] =	wrdreg $0xFFFFFFFF  }
0xad: {  	s28 =	simm.s32 $_size_execute0_lowered;
	s4 =	sadd.s32 s4, s6;
	[dreg:$0x0] =	wrdreg $0x0  }
0xae: {  	s6 =	sshll.u32 s28, $0x1;
	[dreg:$0x2] =	wrdreg s4  }
0xaf: {  	[dreg:$0x3] =	wrdreg s6  }
0xb0: {  	[dreg:$0x4] =	wrdreg $0xC0  }
0xb1: {  	_ =	task [dreg:s8], $0x5FFFF  }
0xb2: {  	[dreg:$0x1] =	wrdreg $0xFFFFFFFF  }
0xb3: {  	[dreg:$0x0] =	wrdreg $0x60  }
0xb4: {  	[dreg:$0x2] =	wrdreg s17  }
0xb5: {  	[dreg:$0x3] =	wrdreg s16  }
0xb6: {  	[dreg:$0x4] =	wrdreg s24  }
0xb7: {  	[dreg:$0x5] =	wrdreg $0x9  }
0xb8: {  	_ =	task.clear_ibuf [dreg:s8], $0x6FFFF;
	_ =	strace $0x90000046  }
0xb9: {  	s29 =	simm.s32 $0x9;
	_ =	strace $0x80000048  }
0xba: {  	_ =	swait.ge [sflag:s29], $0x1  }
0xbb: {  	[sflag:s29] =	ssyncadd.s32 $0xFFFFFFFF  }
0xbc: {  	_ =	strace $0x90000048  }
0xbd: {  	_ =	sfence  }
0xbe: {  	s30 =	sld [smem:$0x0];
	_ =	sdelay $0x2  }
0xbf: {  	s31 =	sshll.u32 s1, $0xD;
	s1 =	sshrl.u32 s1, $0x2  }
0xc0: {  	s3 =	sand.u32 $0x4000, s31;
	s1 =	sadd.s32 s1, s30  }
0xc1: {  	s0 =	sor.u32 s3, s0;
	s1 =	sshll.u32 s1, $0x11  }
0xc2: {  	s0 =	sor.u32 s1, s0  }
0xc3: {  	s0 =	sadd.s32 $0x8F2B, s0  }
0xc4: {  	[sflag:s0] =	ssyncadd.remote.s32 $0x1  }
0xc5: {  	_ =	sfence.sel $0xFFFF  }
0xc6: {  	[dreg:$0x0] =	wrdreg $0xFFFFFFFF;
	(pc) =	sbr.abs _section_cstart, $3  }
0xc7: {  	[dreg:$0x1] =	wrdreg $0xFFFFFFFF  }
0xc8: {  	_ =	task.clear_ibuf [dreg:s8], $0x2FFFF;
	_ =	strace $0x9FFFFFFF  }
0xc9: {  	(tm) =	ssettm $0x7FFFFFFF  }
tec
execute0_lowered:
.L_overlay_start_1:
0x0: {  	(tag) =	ssettag $0x1  }
0x1: {  	s5 =	rddreg [dreg:$0x0]  }
0x2: {  	s6 =	rddreg [dreg:$0x1]  }
0x3: {  	s7 =	rddreg [dreg:$0x2];
	s2 =	simm.s32 $0x0  }
0x4: {  	s3 =	srdreg.scid;
	s0 =	stileid.u32;
	s13 =	simm.s32 $0x1  }
0x5: {  	s16 =	simm.s32 $0x0;
	[smem:$0x7FF] =	sst s2;
	s8 =	sand.u32 $0x1, s3  }
0x6: {  	s9 =	sshll.u32 s0, $0x1;
	s3 =	sadd.s32 $0x187200, s7;
	s4 =	sadd.s32 $0x800, s7  }
0x7: {  	s10 =	sshll.u32 s0, $0x7;
	_ =	strace $0x80000047;
	s9 =	sor.u32 s8, s9  }
0x8: {  	s8 =	ssub.s32 $0x2, s8;
	s11 =	sshll.u32 s9, $0x4;
	s9 =	sshll.u32 s9, $0xD  }
0x9: {  	s12 =	sshrl.u32 s8, $0x1;
	s10 =	sor.u32 s10, s11;
	s9 =	sadd.s32 s9, s7  }
0xa: {  	s26 =	ssub.s32 s8, s12;
	s28 =	sand.u32 $0x670, s10;
	s31 =	sadd.s32 $0x10C9600, s9  }
0xb: {  	s12 =	simm.s32 $0x400;
	s29 =	sadd.s32 s5, s28;
	[dreg:$0x6] =	wrdreg s31  }
0xc: {  	s8 =	sadd.s32 $0x1109600, s9;
	s30 =	sadd.s32 s6, s28;
	[dreg:$0x4] =	wrdreg s29  }
0xd: {  	s9 =	sadd.s32 $0x110A600, s9;
	s10 =	smax.u32 s26, $0x1;
	[dreg:$0x5] =	wrdreg s30  }
.LBB2_1:
0xe: {  	s0 =	rddreg [dreg:$0x4];
	s1 =	simm.s32 $0x80  }
0xf: {  	[tilespmem:s2], [sflag:$0x1] =	stream.strided.gather [hbm4b:s0+s1], $0x200, s12, s1, $0x38;
	[tilespmem:$0x18400] =	vst v63  }
0x10: {  	_ =	swait.ge [sflag:s13], $0x200  }
0x11: {  	[sflag:s13] =	ssyncset.done $0x0  }
0x12: {  	s5 =	simm.s32 $0x200;
	s31 =	rddreg [dreg:$0x5];
	[sflag:s13] =	ssyncadd.s32 $0xFFFFFE00  }
0x13: {  	[tilespmem:s5], [sflag:$0x1] =	stream.strided.gather [hbm4b:s31+s1], $0x200, s12, s1, $0x38;
	[tilespmem:$0x18400] =	vst v63  }
0x14: {  	_ =	swait.ge [sflag:s13], $0x200  }
0x15: {  	[sflag:s13] =	ssyncset.done $0x0  }
0x16: {  	s19 =	simm.s32 $0x10;
	[sflag:s13] =	ssyncadd.s32 $0xFFFFFE00  }
0x17: {  	v0 =	vld [tilespmem:s19+$0xFFFFFFF0];
	_ =	sdelay $0x4  }
0x18: {  	v0 =	vshll.u32 v0, $0x4  }
0x19: {  	(v2sf) =	vpush v0, $0x0  }
0x1a: {  	(v2sf) =	vpush v0, $0x1  }
0x1b: {  	(v2sf) =	vpush v0, $0x2;
	_ =	sdelay $0x1  }
0x1c: {  	(v2sf) =	vpush v0, $0x4;
	_ =	sdelay $0x1  }
0x1d: {  	(v2sf) =	vpush v0, $0x3  }
0x1e: {  	(v2sf) =	vpush v0, $0x5  }
0x1f: {  	s20 =	simm.s32 $0x4000;
	s18 =	simm.s32 $0x0;
	(v2sf) =	vpush v0, $0x6  }
.LBB2_2:
0x20: {  	p0 =	sne.s32 s20, $0x3C000  }
0x21: {  	s31 =	sadd.s32 $0x480, s18;
	s24 =	sadd.s32 $0x980, s18;
	s21 =	smov.u32 s20  }
0x22: {  	s20 =	sadd.s32 $0x4000, s20;
	s28 =	sadd.s32 $0x780, s18;
	s22 =	sadd.s32 $0xA00, s18;
	(v2sf) =	vpush v0, $0x7  }
0x23: {  	s30 =	sadd.s32 $0x680, s18;
	s26 =	sadd.s32 $0x800, s18;
	s23 =	sadd.s32 $0xA80, s18  }
0x24: {  	s0 =	sadd.s32 $0x400, s18;
	s1 =	sadd.s32 $0x600, s18;
	(v2sf) =	vpush v0, $0x8  }
0x25: {  	s17 =	simm.s32 $0x0;
	s14 =	sadd.s32 $0x700, s18  }
0x26: {  	s15 =	sadd.s32 $0x500, s18;
	s25 =	sadd.s32 $0x900, s18;
	s29 =	spop (v2sf);
	(v2sf) =	vpush v0, $0x9  }
0x27: {  	s11 =	sand.u32 $0x1FFFFFF0, s29;
	s29 =	sadd.s32 $0x880, s18;
	s5 =	spop (v2sf)  }
0x28: {  	s11 =	sadd.s32 s3, s11;
	s5 =	sand.u32 $0x1FFFFFF0, s5;
	s6 =	spop (v2sf);
	(v2sf) =	vpush v0, $0xA  }
0x29: {  	[tilespmem:s0], [sflag:$0x1] =	stream.linear.gather [hbm4b:s11+s17], $0x80, $0x38;
	[tilespmem:$0x18400] =	vst v63  }
0x2a: {  	s0 =	sadd.s32 s3, s5;
	s5 =	sadd.s32 $0x580, s18;
	s11 =	spop (v2sf);
	(v2sf) =	vpush v0, $0xB  }
0x2b: {  	[tilespmem:s31], [sflag:$0x1] =	stream.linear.gather [hbm4b:s0+s17], $0x80, $0x38;
	[tilespmem:$0x18400] =	vst v63  }
0x2c: {  	s0 =	sand.u32 $0x1FFFFFF0, s6;
	s6 =	sand.u32 $0x1FFFFFF0, s11;
	s11 =	spop (v2sf);
	(v2sf) =	vpush v0, $0xC  }
0x2d: {  	s0 =	sadd.s32 s3, s0;
	s11 =	sand.u32 $0x1FFFFFF0, s11;
	s31 =	spop (v2sf)  }
0x2e: {  	[tilespmem:s15], [sflag:$0x1] =	stream.linear.gather [hbm4b:s0+s17], $0x80, $0x38;
	(v2sf) =	vpush v0, $0xD;
	[tilespmem:$0x18400] =	vst v63  }
0x2f: {  	s0 =	sadd.s32 s3, s11;
	s11 =	sand.u32 $0x1FFFFFF0, s31;
	s15 =	spop (v2sf)  }
0x30: {  	[tilespmem:s5], [sflag:$0x1] =	stream.linear.gather [hbm4b:s0+s17], $0x80, $0x38;
	(v2sf) =	vpush v0, $0xE;
	[tilespmem:$0x18400] =	vst v63  }
0x31: {  	s0 =	sadd.s32 s3, s6;
	s5 =	sand.u32 $0x1FFFFFF0, s15;
	s6 =	spop (v2sf)  }
0x32: {  	[tilespmem:s1], [sflag:$0x1] =	stream.linear.gather [hbm4b:s0+s17], $0x80, $0x38;
	(v2sf) =	vpush v0, $0xF;
	[tilespmem:$0x18400] =	vst v63  }
0x33: {  	s0 =	sadd.s32 s3, s11;
	s1 =	sand.u32 $0x1FFFFFF0, s6;
	s6 =	spop (v2sf)  }
0x34: {  	[tilespmem:s30], [sflag:$0x1] =	stream.linear.gather [hbm4b:s0+s17], $0x80, $0x38;
	[tilespmem:$0x18400] =	vst v63  }
0x35: {  	s0 =	sadd.s32 s3, s5;
	s5 =	sand.u32 $0x1FFFFFF0, s6;
	s6 =	spop (v2sf)  }
0x36: {  	[tilespmem:s14], [sflag:$0x1] =	stream.linear.gather [hbm4b:s0+s17], $0x80, $0x38;
	[tilespmem:$0x18400] =	vst v63  }
0x37: {  	s0 =	sadd.s32 s3, s1;
	s1 =	sand.u32 $0x1FFFFFF0, s6;
	s6 =	spop (v2sf)  }
0x38: {  	[tilespmem:s28], [sflag:$0x1] =	stream.linear.gather [hbm4b:s0+s17], $0x80, $0x38;
	[tilespmem:$0x18400] =	vst v63  }
0x39: {  	s0 =	sadd.s32 s3, s5;
	s5 =	sand.u32 $0x1FFFFFF0, s6;
	s6 =	spop (v2sf)  }
0x3a: {  	[tilespmem:s26], [sflag:$0x1] =	stream.linear.gather [hbm4b:s0+s17], $0x80, $0x38;
	[tilespmem:$0x18400] =	vst v63  }
0x3b: {  	s0 =	sadd.s32 s3, s1;
	s1 =	sand.u32 $0x1FFFFFF0, s6;
	s6 =	spop (v2sf)  }
0x3c: {  	[tilespmem:s29], [sflag:$0x1] =	stream.linear.gather [hbm4b:s0+s17], $0x80, $0x38;
	[tilespmem:$0x18400] =	vst v63  }
0x3d: {  	s0 =	sadd.s32 s3, s5;
	s5 =	sand.u32 $0x1FFFFFF0, s6;
	s6 =	spop (v2sf)  }
0x3e: {  	[tilespmem:s25], [sflag:$0x1] =	stream.linear.gather [hbm4b:s0+s17], $0x80, $0x38;
	[tilespmem:$0x18400] =	vst v63  }
0x3f: {  	s0 =	sadd.s32 s3, s1;
	s1 =	sand.u32 $0x1FFFFFF0, s6;
	s6 =	spop (v2sf)  }
0x40: {  	[tilespmem:s24], [sflag:$0x1] =	stream.linear.gather [hbm4b:s0+s17], $0x80, $0x38;
	[tilespmem:$0x18400] =	vst v63  }
0x41: {  	s0 =	sadd.s32 s3, s5;
	s5 =	sand.u32 $0x1FFFFFF0, s6;
	s6 =	spop (v2sf)  }
0x42: {  	[tilespmem:s22], [sflag:$0x1] =	stream.linear.gather [hbm4b:s0+s17], $0x80, $0x38;
	[tilespmem:$0x18400] =	vst v63  }
0x43: {  	s0 =	sadd.s32 s3, s1;
	s1 =	sand.u32 $0x1FFFFFF0, s6  }
0x44: {  	[tilespmem:s23], [sflag:$0x1] =	stream.linear.gather [hbm4b:s0+s17], $0x80, $0x38;
	[tilespmem:$0x18400] =	vst v63  }
0x45: {  	s5 =	sadd.s32 s3, s5;
	s0 =	sadd.s32 $0xB00, s18  }
0x46: {  	[tilespmem:s0], [sflag:$0x1] =	stream.linear.gather [hbm4b:s5+s17], $0x80, $0x38;
	[tilespmem:$0x18400] =	vst v63  }
0x47: {  	s1 =	sadd.s32 s3, s1;
	s0 =	sadd.s32 $0xB80, s18  }
0x48: {  	[tilespmem:s0], [sflag:$0x1] =	stream.linear.gather [hbm4b:s1+s17], $0x80, $0x38;
	[tilespmem:$0x18400] =	vst v63  }
0x49: {  	v0 =	vld [tilespmem:s19+$0x0];
	_ =	sdelay $0x4  }
0x4a: {  	v0 =	vshll.u32 v0, $0x4  }
0x4b: {  	(v2sf) =	vpush v0, $0x0  }
0x4c: {  	(v2sf) =	vpush v0, $0x1  }
0x4d: {  	(v2sf) =	vpush v0, $0x2;
	_ =	sdelay $0x1  }
0x4e: {  	(v2sf) =	vpush v0, $0x3;
	_ =	sdelay $0x1  }
0x4f: {  	(v2sf) =	vpush v0, $0x4;
	_ =	sdelay $0x1  }
0x50: {  	(v2sf) =	vpush v0, $0x5;
	_ =	sdelay $0x1  }
0x51: {  	(v2sf) =	vpush v0, $0x6  }
0x52: {  	s22 =	sadd.s32 $0x1280, s18;
	s23 =	sadd.s32 $0x1200, s18;
	s19 =	sadd.s32 $0x20, s19  }
0x53: {  	s26 =	sadd.s32 $0x1080, s18;
	s25 =	sadd.s32 $0x1100, s18;
	s24 =	sadd.s32 $0x1180, s18;
	(v2sf) =	vpush v0, $0x7  }
0x54: {  	s30 =	sadd.s32 $0xF00, s18;
	s28 =	sadd.s32 $0x1000, s18;
	s29 =	sadd.s32 $0xF80, s18  }
0x55: {  	s5 =	sadd.s32 $0xE80, s18;
	s0 =	sadd.s32 $0xD80, s18;
	s1 =	sadd.s32 $0xE00, s18;
	(v2sf) =	vpush v0, $0x8  }
0x56: {  	s11 =	sadd.s32 $0xD00, s18;
	s6 =	sadd.s32 $0xC80, s18;
	s14 =	spop (v2sf)  }
0x57: {  	s15 =	sadd.s32 $0xC00, s18;
	s14 =	sand.u32 $0x1FFFFFF0, s14;
	s31 =	spop (v2sf);
	(v2sf) =	vpush v0, $0x9  }
0x58: {  	s14 =	sadd.s32 s3, s14;
	s31 =	sand.u32 $0x1FFFFFF0, s31;
	s7 =	spop (v2sf)  }
0x59: {  	[tilespmem:s15], [sflag:$0x1] =	stream.linear.gather [hbm4b:s14+s17], $0x80, $0x38;
	(v2sf) =	vpush v0, $0xA;
	[tilespmem:$0x18400] =	vst v63  }
0x5a: {  	s14 =	sadd.s32 s3, s31;
	s7 =	sand.u32 $0x1FFFFFF0, s7;
	s15 =	spop (v2sf)  }
0x5b: {  	[tilespmem:s6], [sflag:$0x1] =	stream.linear.gather [hbm4b:s14+s17], $0x80, $0x38;
	(v2sf) =	vpush v0, $0xB;
	[tilespmem:$0x18400] =	vst v63  }
0x5c: {  	s6 =	sadd.s32 s3, s7;
	s7 =	sand.u32 $0x1FFFFFF0, s15;
	s14 =	spop (v2sf)  }
0x5d: {  	[tilespmem:s11], [sflag:$0x1] =	stream.linear.gather [hbm4b:s6+s17], $0x80, $0x38;
	(v2sf) =	vpush v0, $0xC;
	[tilespmem:$0x18400] =	vst v63  }
0x5e: {  	s6 =	sadd.s32 s3, s7;
	s7 =	sand.u32 $0x1FFFFFF0, s14;
	s11 =	spop (v2sf)  }
0x5f: {  	[tilespmem:s0], [sflag:$0x1] =	stream.linear.gather [hbm4b:s6+s17], $0x80, $0x38;
	(v2sf) =	vpush v0, $0xD;
	[tilespmem:$0x18400] =	vst v63  }
0x60: {  	s0 =	sadd.s32 s3, s7;
	s6 =	sand.u32 $0x1FFFFFF0, s11;
	s7 =	spop (v2sf)  }
0x61: {  	[tilespmem:s1], [sflag:$0x1] =	stream.linear.gather [hbm4b:s0+s17], $0x80, $0x38;
	(v2sf) =	vpush v0, $0xE;
	[tilespmem:$0x18400] =	vst v63  }
0x62: {  	s0 =	sadd.s32 s3, s6;
	s1 =	sand.u32 $0x1FFFFFF0, s7;
	s6 =	spop (v2sf)  }
0x63: {  	[tilespmem:s5], [sflag:$0x1] =	stream.linear.gather [hbm4b:s0+s17], $0x80, $0x38;
	(v2sf) =	vpush v0, $0xF;
	[tilespmem:$0x18400] =	vst v63  }
0x64: {  	s0 =	sadd.s32 s3, s1;
	s1 =	sand.u32 $0x1FFFFFF0, s6;
	s5 =	spop (v2sf)  }
0x65: {  	[tilespmem:s30], [sflag:$0x1] =	stream.linear.gather [hbm4b:s0+s17], $0x80, $0x38;
	[tilespmem:$0x18400] =	vst v63  }
0x66: {  	s0 =	sadd.s32 s3, s1;
	s1 =	sand.u32 $0x1FFFFFF0, s5;
	s5 =	spop (v2sf)  }
0x67: {  	[tilespmem:s29], [sflag:$0x1] =	stream.linear.gather [hbm4b:s0+s17], $0x80, $0x38;
	[tilespmem:$0x18400] =	vst v63  }
0x68: {  	s0 =	sadd.s32 s3, s1;
	s1 =	sand.u32 $0x1FFFFFF0, s5;
	s5 =	spop (v2sf)  }
0x69: {  	[tilespmem:s28], [sflag:$0x1] =	stream.linear.gather [hbm4b:s0+s17], $0x80, $0x38;
	[tilespmem:$0x18400] =	vst v63  }
0x6a: {  	s0 =	sadd.s32 s3, s1;
	s1 =	sand.u32 $0x1FFFFFF0, s5;
	s5 =	spop (v2sf)  }
0x6b: {  	[tilespmem:s26], [sflag:$0x1] =	stream.linear.gather [hbm4b:s0+s17], $0x80, $0x38;
	[tilespmem:$0x18400] =	vst v63  }
0x6c: {  	s0 =	sadd.s32 s3, s1;
	s1 =	sand.u32 $0x1FFFFFF0, s5;
	s5 =	spop (v2sf)  }
0x6d: {  	[tilespmem:s25], [sflag:$0x1] =	stream.linear.gather [hbm4b:s0+s17], $0x80, $0x38;
	[tilespmem:$0x18400] =	vst v63  }
0x6e: {  	s0 =	sadd.s32 s3, s1;
	s1 =	sand.u32 $0x1FFFFFF0, s5;
	s5 =	spop (v2sf)  }
0x6f: {  	[tilespmem:s24], [sflag:$0x1] =	stream.linear.gather [hbm4b:s0+s17], $0x80, $0x38;
	[tilespmem:$0x18400] =	vst v63  }
0x70: {  	s0 =	sadd.s32 s3, s1;
	s1 =	sand.u32 $0x1FFFFFF0, s5;
	s5 =	spop (v2sf)  }
0x71: {  	[tilespmem:s23], [sflag:$0x1] =	stream.linear.gather [hbm4b:s0+s17], $0x80, $0x38;
	[tilespmem:$0x18400] =	vst v63  }
0x72: {  	s0 =	sadd.s32 s3, s1;
	s1 =	sand.u32 $0x1FFFFFF0, s5;
	s5 =	spop (v2sf)  }
0x73: {  	[tilespmem:s22], [sflag:$0x1] =	stream.linear.gather [hbm4b:s0+s17], $0x80, $0x38;
	[tilespmem:$0x18400] =	vst v63  }
0x74: {  	s1 =	sadd.s32 s3, s1;
	s0 =	sadd.s32 $0x1300, s18;
	s5 =	sand.u32 $0x1FFFFFF0, s5  }
0x75: {  	[tilespmem:s0], [sflag:$0x1] =	stream.linear.gather [hbm4b:s1+s17], $0x80, $0x38;
	[tilespmem:$0x18400] =	vst v63  }
0x76: {  	s0 =	sadd.s32 $0x1380, s18;
	s1 =	sadd.s32 s3, s5  }
0x77: {  	[tilespmem:s0], [sflag:$0x1] =	stream.linear.gather [hbm4b:s1+s17], $0x80, $0x38;
	[tilespmem:$0x18400] =	vst v63  }
0x78: {  	v0 =	vld [tilespmem:s19+$0xFFFFFFF0];
	_ =	sdelay $0x4  }
0x79: {  	v0 =	vshll.u32 v0, $0x4  }
0x7a: {  	(v2sf) =	vpush v0, $0x0  }
0x7b: {  	(v2sf) =	vpush v0, $0x1  }
0x7c: {  	(v2sf) =	vpush v0, $0x2;
	_ =	sdelay $0x1  }
0x7d: {  	(v2sf) =	vpush v0, $0x4  }
.Ltmp0:
0x7e: {  	(pc) =	sbr.rel @p0 .LBB2_2-.Ltmp0, $3  }
0x7f: {  	(v2sf) =	vpush v0, $0x3  }
0x80: {  	(v2sf) =	vpush v0, $0x5;
	_ =	sdelay $0x1  }
0x81: {  	s18 =	sshra.s32 s21, $0x2;
	(v2sf) =	vpush v0, $0x6  }
0x82: {  	_ =	sdelay $0x1  }
0x83: {  	s0 =	sadd.s32 $0x480, s18;
	s22 =	sadd.s32 $0x980, s18  }
0x84: {  	s1 =	sadd.s32 $0x780, s18;
	s20 =	sadd.s32 $0xA00, s18;
	(v2sf) =	vpush v0, $0x7;
	s5 =	sadd.s32 $0x680, s18  }
0x85: {  	s6 =	sadd.s32 $0x800, s18;
	s21 =	sadd.s32 $0xA80, s18;
	s7 =	sadd.s32 $0x400, s18  }
0x86: {  	s11 =	sadd.s32 $0x600, s18;
	s14 =	sadd.s32 $0x700, s18;
	(v2sf) =	vpush v0, $0x8;
	s15 =	spop (v2sf)  }
0x87: {  	s23 =	sadd.s32 $0x500, s18;
	s15 =	sand.u32 $0x1FFFFFF0, s15;
	s24 =	spop (v2sf)  }
0x88: {  	(v2sf) =	vpush v0, $0x9;
	s15 =	sadd.s32 s3, s15;
	s24 =	sand.u32 $0x1FFFFFF0, s24;
	s25 =	spop (v2sf)  }
0x89: {  	[tilespmem:s7], [sflag:$0x1] =	stream.linear.gather [hbm4b:s15+s17], $0x80, $0x38;
	[tilespmem:$0x18400] =	vst v63  }
0x8a: {  	s26 =	sadd.s32 $0x580, s18;
	(v2sf) =	vpush v0, $0xA;
	s30 =	sadd.s32 s3, s24;
	s31 =	spop (v2sf)  }
0x8b: {  	[tilespmem:s0], [sflag:$0x1] =	stream.linear.gather [hbm4b:s30+s17], $0x80, $0x38;
	[tilespmem:$0x18400] =	vst v63  }
0x8c: {  	s7 =	sadd.s32 $0x900, s18;
	s28 =	sand.u32 $0x1FFFFFF0, s25;
	(v2sf) =	vpush v0, $0xB;
	s29 =	spop (v2sf)  }
0x8d: {  	s15 =	sadd.s32 s3, s28;
	s0 =	sadd.s32 $0x880, s18;
	s25 =	sand.u32 $0x1FFFFFF0, s29  }
0x8e: {  	(v2sf) =	vpush v0, $0xC;
	[tilespmem:s23], [sflag:$0x1] =	stream.linear.gather [hbm4b:s15+s17], $0x80, $0x38;
	[tilespmem:$0x18400] =	vst v63  }
0x8f: {  	s30 =	sand.u32 $0x1FFFFFF0, s31;
	s31 =	spop (v2sf);
	s28 =	sadd.s32 s3, s25  }
0x90: {  	(v2sf) =	vpush v0, $0xD;
	[tilespmem:s26], [sflag:$0x1] =	stream.linear.gather [hbm4b:s28+s17], $0x80, $0x38;
	[tilespmem:$0x18400] =	vst v63  }
0x91: {  	s15 =	sadd.s32 s3, s30;
	s23 =	sand.u32 $0x1FFFFFF0, s31;
	s29 =	spop (v2sf)  }
0x92: {  	(v2sf) =	vpush v0, $0xE;
	[tilespmem:s11], [sflag:$0x1] =	stream.linear.gather [hbm4b:s15+s17], $0x80, $0x38;
	[tilespmem:$0x18400] =	vst v63  }
0x93: {  	s23 =	sadd.s32 s3, s23;
	s30 =	sand.u32 $0x1FFFFFF0, s29;
	s31 =	spop (v2sf)  }
0x94: {  	(v2sf) =	vpush v0, $0xF;
	[tilespmem:s5], [sflag:$0x1] =	stream.linear.gather [hbm4b:s23+s17], $0x80, $0x38;
	[tilespmem:$0x18400] =	vst v63  }
0x95: {  	s24 =	sand.u32 $0x1FFFFFF0, s31;
	s25 =	spop (v2sf);
	s11 =	sadd.s32 s3, s30  }
0x96: {  	[tilespmem:s14], [sflag:$0x1] =	stream.linear.gather [hbm4b:s11+s17], $0x80, $0x38;
	[tilespmem:$0x18400] =	vst v63  }
0x97: {  	s26 =	sand.u32 $0x1FFFFFF0, s25;
	s5 =	sadd.s32 s3, s24;
	s28 =	spop (v2sf)  }
0x98: {  	[tilespmem:s1], [sflag:$0x1] =	stream.linear.gather [hbm4b:s5+s17], $0x80, $0x38;
	[tilespmem:$0x18400] =	vst v63  }
0x99: {  	s11 =	sadd.s32 s3, s26;
	s29 =	sand.u32 $0x1FFFFFF0, s28;
	s30 =	spop (v2sf)  }
0x9a: {  	[tilespmem:s6], [sflag:$0x1] =	stream.linear.gather [hbm4b:s11+s17], $0x80, $0x38;
	[tilespmem:$0x18400] =	vst v63  }
0x9b: {  	s5 =	sand.u32 $0x1FFFFFF0, s30;
	s1 =	sadd.s32 s3, s29;
	s31 =	spop (v2sf)  }
0x9c: {  	[tilespmem:s0], [sflag:$0x1] =	stream.linear.gather [hbm4b:s1+s17], $0x80, $0x38;
	[tilespmem:$0x18400] =	vst v63  }
0x9d: {  	s5 =	sadd.s32 s3, s5;
	s11 =	sand.u32 $0x1FFFFFF0, s31;
	s14 =	spop (v2sf)  }
0x9e: {  	[tilespmem:s7], [sflag:$0x1] =	stream.linear.gather [hbm4b:s5+s17], $0x80, $0x38;
	[tilespmem:$0x18400] =	vst v63  }
0x9f: {  	s0 =	sadd.s32 s3, s11;
	s1 =	sand.u32 $0x1FFFFFF0, s14;
	s15 =	spop (v2sf)  }
0xa0: {  	[tilespmem:s22], [sflag:$0x1] =	stream.linear.gather [hbm4b:s0+s17], $0x80, $0x38;
	[tilespmem:$0x18400] =	vst v63  }
0xa1: {  	s23 =	spop (v2sf);
	s1 =	sadd.s32 s3, s1;
	s22 =	sand.u32 $0x1FFFFFF0, s15  }
0xa2: {  	[tilespmem:s20], [sflag:$0x1] =	stream.linear.gather [hbm4b:s1+s17], $0x80, $0x38;
	[tilespmem:$0x18400] =	vst v63  }
0xa3: {  	s24 =	sand.u32 $0x1FFFFFF0, s23;
	s25 =	spop (v2sf);
	s0 =	sadd.s32 s3, s22  }
0xa4: {  	[tilespmem:s21], [sflag:$0x1] =	stream.linear.gather [hbm4b:s0+s17], $0x80, $0x38;
	[tilespmem:$0x18400] =	vst v63  }
0xa5: {  	s28 =	sadd.s32 $0xB00, s18;
	s26 =	sand.u32 $0x1FFFFFF0, s25;
	s1 =	sadd.s32 s3, s24  }
0xa6: {  	[tilespmem:s28], [sflag:$0x1] =	stream.linear.gather [hbm4b:s1+s17], $0x80, $0x38;
	[tilespmem:$0x18400] =	vst v63  }
0xa7: {  	s29 =	sadd.s32 $0xB80, s18;
	s0 =	sadd.s32 s3, s26  }
0xa8: {  	[tilespmem:s29], [sflag:$0x1] =	stream.linear.gather [hbm4b:s0+s17], $0x80, $0x38;
	[tilespmem:$0x18400] =	vst v63  }
0xa9: {  	v0 =	vld [tilespmem:s19+$0x0];
	_ =	sdelay $0x4  }
0xaa: {  	v0 =	vshll.u32 v0, $0x4  }
0xab: {  	(v2sf) =	vpush v0, $0x0  }
0xac: {  	(v2sf) =	vpush v0, $0x1  }
0xad: {  	(v2sf) =	vpush v0, $0x2;
	_ =	sdelay $0x1  }
0xae: {  	(v2sf) =	vpush v0, $0x3;
	_ =	sdelay $0x1  }
0xaf: {  	(v2sf) =	vpush v0, $0x4;
	_ =	sdelay $0x1  }
0xb0: {  	(v2sf) =	vpush v0, $0x5;
	_ =	sdelay $0x1  }
0xb1: {  	(v2sf) =	vpush v0, $0x6  }
0xb2: {  	s6 =	sadd.s32 $0xD80, s18;
	s31 =	sadd.s32 $0xC00, s18  }
0xb3: {  	s11 =	sadd.s32 $0xE80, s18;
	s14 =	sadd.s32 $0xC80, s18;
	s5 =	sadd.s32 $0x1000, s18;
	(v2sf) =	vpush v0, $0x7  }
0xb4: {  	s7 =	sadd.s32 $0xE00, s18;
	s23 =	sadd.s32 $0x1080, s18;
	s15 =	sadd.s32 $0xD00, s18  }
0xb5: {  	s22 =	sadd.s32 $0x1100, s18;
	s20 =	sadd.s32 $0x1200, s18;
	s21 =	sadd.s32 $0x1180, s18;
	(v2sf) =	vpush v0, $0x8  }
0xb6: {  	s1 =	sadd.s32 $0xF80, s18;
	s0 =	sadd.s32 $0xF00, s18;
	s30 =	spop (v2sf)  }
0xb7: {  	s19 =	sadd.s32 $0x1280, s18;
	(v2sf) =	vpush v0, $0x9;
	s24 =	sand.u32 $0x1FFFFFF0, s30;
	s28 =	spop (v2sf)  }
0xb8: {  	s24 =	sadd.s32 s3, s24;
	s26 =	sand.u32 $0x1FFFFFF0, s28;
	s28 =	spop (v2sf)  }
0xb9: {  	(v2sf) =	vpush v0, $0xA;
	[tilespmem:s31], [sflag:$0x1] =	stream.linear.gather [hbm4b:s24+s17], $0x80, $0x38;
	[tilespmem:$0x18400] =	vst v63  }
0xba: {  	s29 =	sadd.s32 s3, s26;
	s30 =	sand.u32 $0x1FFFFFF0, s28;
	s31 =	spop (v2sf)  }
0xbb: {  	(v2sf) =	vpush v0, $0xB;
	[tilespmem:s14], [sflag:$0x1] =	stream.linear.gather [hbm4b:s29+s17], $0x80, $0x38;
	[tilespmem:$0x18400] =	vst v63  }
0xbc: {  	s25 =	sadd.s32 s3, s30;
	s26 =	sand.u32 $0x1FFFFFF0, s31;
	s28 =	spop (v2sf)  }
0xbd: {  	(v2sf) =	vpush v0, $0xC;
	[tilespmem:s15], [sflag:$0x1] =	stream.linear.gather [hbm4b:s25+s17], $0x80, $0x38;
	[tilespmem:$0x18400] =	vst v63  }
0xbe: {  	s29 =	sadd.s32 s3, s26;
	s30 =	sand.u32 $0x1FFFFFF0, s28;
	s31 =	spop (v2sf)  }
0xbf: {  	(v2sf) =	vpush v0, $0xD;
	[tilespmem:s6], [sflag:$0x1] =	stream.linear.gather [hbm4b:s29+s17], $0x80, $0x38;
	[tilespmem:$0x18400] =	vst v63  }
0xc0: {  	s14 =	sadd.s32 s3, s30;
	s24 =	spop (v2sf);
	s15 =	sand.u32 $0x1FFFFFF0, s31  }
0xc1: {  	(v2sf) =	vpush v0, $0xE;
	[tilespmem:s7], [sflag:$0x1] =	stream.linear.gather [hbm4b:s14+s17], $0x80, $0x38;
	[tilespmem:$0x18400] =	vst v63  }
0xc2: {  	s26 =	sand.u32 $0x1FFFFFF0, s24;
	s28 =	spop (v2sf);
	s25 =	sadd.s32 s3, s15  }
0xc3: {  	(v2sf) =	vpush v0, $0xF;
	[tilespmem:s11], [sflag:$0x1] =	stream.linear.gather [hbm4b:s25+s17], $0x80, $0x38;
	[tilespmem:$0x18400] =	vst v63  }
0xc4: {  	s30 =	sand.u32 $0x1FFFFFF0, s28;
	s31 =	spop (v2sf);
	s29 =	sadd.s32 s3, s26  }
0xc5: {  	[tilespmem:s0], [sflag:$0x1] =	stream.linear.gather [hbm4b:s29+s17], $0x80, $0x38;
	[tilespmem:$0x18400] =	vst v63  }
0xc6: {  	s15 =	sand.u32 $0x1FFFFFF0, s31;
	s14 =	sadd.s32 s3, s30;
	s24 =	spop (v2sf)  }
0xc7: {  	[tilespmem:s1], [sflag:$0x1] =	stream.linear.gather [hbm4b:s14+s17], $0x80, $0x38;
	[tilespmem:$0x18400] =	vst v63  }
0xc8: {  	s25 =	sadd.s32 s3, s15;
	s26 =	sand.u32 $0x1FFFFFF0, s24;
	s28 =	spop (v2sf)  }
0xc9: {  	[tilespmem:s5], [sflag:$0x1] =	stream.linear.gather [hbm4b:s25+s17], $0x80, $0x38;
	[tilespmem:$0x18400] =	vst v63  }
0xca: {  	s29 =	sadd.s32 s3, s26;
	s30 =	sand.u32 $0x1FFFFFF0, s28;
	s31 =	spop (v2sf)  }
0xcb: {  	[tilespmem:s23], [sflag:$0x1] =	stream.linear.gather [hbm4b:s29+s17], $0x80, $0x38;
	[tilespmem:$0x18400] =	vst v63  }
0xcc: {  	s1 =	sadd.s32 s3, s30;
	s6 =	sand.u32 $0x1FFFFFF0, s31;
	s7 =	spop (v2sf)  }
0xcd: {  	[tilespmem:s22], [sflag:$0x1] =	stream.linear.gather [hbm4b:s1+s17], $0x80, $0x38;
	[tilespmem:$0x18400] =	vst v63  }
0xce: {  	s11 =	sadd.s32 s3, s6;
	s14 =	sand.u32 $0x1FFFFFF0, s7;
	s15 =	spop (v2sf)  }
0xcf: {  	[tilespmem:s21], [sflag:$0x1] =	stream.linear.gather [hbm4b:s11+s17], $0x80, $0x38;
	[tilespmem:$0x18400] =	vst v63  }
0xd0: {  	s24 =	spop (v2sf);
	s23 =	sand.u32 $0x1FFFFFF0, s15;
	s22 =	sadd.s32 s3, s14  }
0xd1: {  	[tilespmem:s20], [sflag:$0x1] =	stream.linear.gather [hbm4b:s22+s17], $0x80, $0x38;
	[tilespmem:$0x18400] =	vst v63  }
0xd2: {  	s26 =	sand.u32 $0x1FFFFFF0, s24;
	s28 =	spop (v2sf);
	s25 =	sadd.s32 s3, s23  }
0xd3: {  	[tilespmem:s19], [sflag:$0x1] =	stream.linear.gather [hbm4b:s25+s17], $0x80, $0x38;
	[tilespmem:$0x18400] =	vst v63  }
0xd4: {  	s29 =	sadd.s32 $0x1300, s18;
	s5 =	sand.u32 $0x1FFFFFF0, s28;
	s1 =	sadd.s32 s3, s26  }
0xd5: {  	[tilespmem:s29], [sflag:$0x1] =	stream.linear.gather [hbm4b:s1+s17], $0x80, $0x38;
	[tilespmem:$0x18400] =	vst v63  }
0xd6: {  	s30 =	sadd.s32 $0x1380, s18;
	s18 =	simm.s32 $0x210;
	s31 =	sadd.s32 s3, s5  }
0xd7: {  	[tilespmem:s30], [sflag:$0x1] =	stream.linear.gather [hbm4b:s31+s17], $0x80, $0x38;
	[tilespmem:$0x18400] =	vst v63  }
0xd8: {  	v0 =	vld [tilespmem:s18+$0xFFFFFFF0];
	_ =	sdelay $0x4  }
0xd9: {  	v0 =	vshll.u32 v0, $0x4  }
0xda: {  	(v2sf) =	vpush v0, $0x0  }
0xdb: {  	(v2sf) =	vpush v0, $0x1  }
0xdc: {  	(v2sf) =	vpush v0, $0x2;
	_ =	sdelay $0x1  }
0xdd: {  	(v2sf) =	vpush v0, $0x3  }
0xde: {  	(v2sf) =	vpush v0, $0x4;
	_ =	sdelay $0x1  }
0xdf: {  	(v2sf) =	vpush v0, $0x5;
	_ =	sdelay $0x1  }
0xe0: {  	s19 =	simm.s32 $0x4000;
	s17 =	simm.s32 $0x0;
	(v2sf) =	vpush v0, $0x6  }
.LBB2_4:
0xe1: {  	p0 =	sne.s32 s19, $0x1C000  }
0xe2: {  	s0 =	sadd.s32 $0x10480, s17;
	s1 =	sadd.s32 $0x10500, s17;
	(v2sf) =	vpush v0, $0x7;
	s20 =	smov.u32 s19  }
0xe3: {  	s19 =	sadd.s32 $0x4000, s19;
	s30 =	sadd.s32 $0x10680, s17;
	s22 =	sadd.s32 $0x10900, s17  }
0xe4: {  	s29 =	sadd.s32 $0x10700, s17;
	s28 =	sadd.s32 $0x10780, s17;
	s26 =	sadd.s32 $0x10800, s17;
	(v2sf) =	vpush v0, $0x8  }
0xe5: {  	s5 =	sadd.s32 $0x10400, s17;
	s25 =	sadd.s32 $0x10880, s17;
	s21 =	sadd.s32 $0x10A00, s17  }
0xe6: {  	s6 =	sadd.s32 $0x10580, s17;
	s24 =	sadd.s32 $0x10980, s17;
	s7 =	spop (v2sf);
	(v2sf) =	vpush v0, $0x9  }
0xe7: {  	s11 =	sadd.s32 $0x10600, s17;
	s7 =	sand.u32 $0x1FFFFFF0, s7;
	s14 =	spop (v2sf)  }
0xe8: {  	s23 =	sadd.s32 $0x10A80, s17;
	s7 =	sadd.s32 s4, s7;
	s15 =	spop (v2sf);
	(v2sf) =	vpush v0, $0xA  }
0xe9: {  	[tilespmem:s5], [sflag:$0x1] =	stream.linear.gather [hbm4b:s7+s2], $0x80, $0x38;
	[tilespmem:$0x18400] =	vst v63  }
0xea: {  	s5 =	sand.u32 $0x1FFFFFF0, s14;
	s7 =	sand.u32 $0x1FFFFFF0, s15;
	s14 =	spop (v2sf);
	(v2sf) =	vpush v0, $0xB  }
0xeb: {  	s5 =	sadd.s32 s4, s5;
	s14 =	sand.u32 $0x1FFFFFF0, s14;
	s15 =	spop (v2sf)  }
0xec: {  	[tilespmem:s0], [sflag:$0x1] =	stream.linear.gather [hbm4b:s5+s2], $0x80, $0x38;
	(v2sf) =	vpush v0, $0xC;
	[tilespmem:$0x18400] =	vst v63  }
0xed: {  	s0 =	sadd.s32 s4, s7;
	s5 =	sand.u32 $0x1FFFFFF0, s15;
	s7 =	spop (v2sf)  }
0xee: {  	[tilespmem:s1], [sflag:$0x1] =	stream.linear.gather [hbm4b:s0+s2], $0x80, $0x38;
	(v2sf) =	vpush v0, $0xD;
	[tilespmem:$0x18400] =	vst v63  }
0xef: {  	s0 =	sadd.s32 s4, s14;
	s1 =	sand.u32 $0x1FFFFFF0, s7;
	s7 =	spop (v2sf)  }
0xf0: {  	[tilespmem:s6], [sflag:$0x1] =	stream.linear.gather [hbm4b:s0+s2], $0x80, $0x38;
	(v2sf) =	vpush v0, $0xE;
	[tilespmem:$0x18400] =	vst v63  }
0xf1: {  	s0 =	sadd.s32 s4, s5;
	s5 =	sand.u32 $0x1FFFFFF0, s7;
	s6 =	spop (v2sf)  }
0xf2: {  	[tilespmem:s11], [sflag:$0x1] =	stream.linear.gather [hbm4b:s0+s2], $0x80, $0x38;
	(v2sf) =	vpush v0, $0xF;
	[tilespmem:$0x18400] =	vst v63  }
0xf3: {  	s0 =	sadd.s32 s4, s1;
	s1 =	sand.u32 $0x1FFFFFF0, s6;
	s6 =	spop (v2sf)  }
0xf4: {  	[tilespmem:s30], [sflag:$0x1] =	stream.linear.gather [hbm4b:s0+s2], $0x80, $0x38;
	[tilespmem:$0x18400] =	vst v63  }
0xf5: {  	s0 =	sadd.s32 s4, s5;
	s5 =	sand.u32 $0x1FFFFFF0, s6;
	s6 =	spop (v2sf)  }
0xf6: {  	[tilespmem:s29], [sflag:$0x1] =	stream.linear.gather [hbm4b:s0+s2], $0x80, $0x38;
	[tilespmem:$0x18400] =	vst v63  }
0xf7: {  	s0 =	sadd.s32 s4, s1;
	s1 =	sand.u32 $0x1FFFFFF0, s6;
	s6 =	spop (v2sf)  }
0xf8: {  	[tilespmem:s28], [sflag:$0x1] =	stream.linear.gather [hbm4b:s0+s2], $0x80, $0x38;
	[tilespmem:$0x18400] =	vst v63  }
0xf9: {  	s0 =	sadd.s32 s4, s5;
	s5 =	sand.u32 $0x1FFFFFF0, s6;
	s6 =	spop (v2sf)  }
0xfa: {  	[tilespmem:s26], [sflag:$0x1] =	stream.linear.gather [hbm4b:s0+s2], $0x80, $0x38;
	[tilespmem:$0x18400] =	vst v63  }
0xfb: {  	s0 =	sadd.s32 s4, s1;
	s1 =	sand.u32 $0x1FFFFFF0, s6;
	s6 =	spop (v2sf)  }
0xfc: {  	[tilespmem:s25], [sflag:$0x1] =	stream.linear.gather [hbm4b:s0+s2], $0x80, $0x38;
	[tilespmem:$0x18400] =	vst v63  }
0xfd: {  	s0 =	sadd.s32 s4, s5;
	s5 =	sand.u32 $0x1FFFFFF0, s6;
	s6 =	spop (v2sf)  }
0xfe: {  	[tilespmem:s22], [sflag:$0x1] =	stream.linear.gather [hbm4b:s0+s2], $0x80, $0x38;
	[tilespmem:$0x18400] =	vst v63  }
0xff: {  	s0 =	sadd.s32 s4, s1;
	s1 =	sand.u32 $0x1FFFFFF0, s6;
	s6 =	spop (v2sf)  }
0x100: {  	[tilespmem:s24], [sflag:$0x1] =	stream.linear.gather [hbm4b:s0+s2], $0x80, $0x38;
	[tilespmem:$0x18400] =	vst v63  }
0x101: {  	s0 =	sadd.s32 s4, s5;
	s5 =	sand.u32 $0x1FFFFFF0, s6;
	s6 =	spop (v2sf)  }
0x102: {  	[tilespmem:s21], [sflag:$0x1] =	stream.linear.gather [hbm4b:s0+s2], $0x80, $0x38;
	[tilespmem:$0x18400] =	vst v63  }
0x103: {  	s0 =	sadd.s32 s4, s1;
	s1 =	sadd.s32 $0x10B00, s17  }
0x104: {  	[tilespmem:s23], [sflag:$0x1] =	stream.linear.gather [hbm4b:s0+s2], $0x80, $0x38;
	[tilespmem:$0x18400] =	vst v63  }
0x105: {  	s6 =	sand.u32 $0x1FFFFFF0, s6;
	s0 =	sadd.s32 s4, s5;
	s5 =	sadd.s32 $0x10B80, s17  }
0x106: {  	[tilespmem:s1], [sflag:$0x1] =	stream.linear.gather [hbm4b:s0+s2], $0x80, $0x38;
	[tilespmem:$0x18400] =	vst v63  }
0x107: {  	s0 =	sadd.s32 s4, s6  }
0x108: {  	[tilespmem:s5], [sflag:$0x1] =	stream.linear.gather [hbm4b:s0+s2], $0x80, $0x38;
	[tilespmem:$0x18400] =	vst v63  }
0x109: {  	v0 =	vld [tilespmem:s18+$0x0];
	_ =	sdelay $0x4  }
0x10a: {  	v0 =	vshll.u32 v0, $0x4  }
0x10b: {  	(v2sf) =	vpush v0, $0x0  }
0x10c: {  	(v2sf) =	vpush v0, $0x1  }
0x10d: {  	(v2sf) =	vpush v0, $0x2;
	_ =	sdelay $0x1  }
0x10e: {  	(v2sf) =	vpush v0, $0x3;
	_ =	sdelay $0x1  }
0x10f: {  	(v2sf) =	vpush v0, $0x4;
	_ =	sdelay $0x1  }
0x110: {  	(v2sf) =	vpush v0, $0x5;
	_ =	sdelay $0x1  }
0x111: {  	s18 =	sadd.s32 $0x20, s18;
	(v2sf) =	vpush v0, $0x6  }
0x112: {  	s22 =	sadd.s32 $0x11280, s17;
	s21 =	sadd.s32 $0x11380, s17;
	s23 =	sadd.s32 $0x11200, s17  }
0x113: {  	s26 =	sadd.s32 $0x11080, s17;
	s25 =	sadd.s32 $0x11100, s17;
	s24 =	sadd.s32 $0x11180, s17;
	(v2sf) =	vpush v0, $0x7  }
0x114: {  	s30 =	sadd.s32 $0x10F00, s17;
	s29 =	sadd.s32 $0x10F80, s17;
	s28 =	sadd.s32 $0x11000, s17  }
0x115: {  	s1 =	sadd.s32 $0x10E00, s17;
	s0 =	sadd.s32 $0x10D80, s17;
	s5 =	sadd.s32 $0x10E80, s17;
	(v2sf) =	vpush v0, $0x8  }
0x116: {  	s7 =	sadd.s32 $0x10D00, s17;
	s6 =	sadd.s32 $0x10C80, s17;
	s11 =	spop (v2sf)  }
0x117: {  	s14 =	sadd.s32 $0x10C00, s17;
	s11 =	sand.u32 $0x1FFFFFF0, s11;
	s15 =	spop (v2sf);
	(v2sf) =	vpush v0, $0x9  }
0x118: {  	s11 =	sadd.s32 s4, s11;
	s15 =	sand.u32 $0x1FFFFFF0, s15;
	s31 =	spop (v2sf)  }
0x119: {  	[tilespmem:s14], [sflag:$0x1] =	stream.linear.gather [hbm4b:s11+s2], $0x80, $0x38;
	(v2sf) =	vpush v0, $0xA;
	[tilespmem:$0x18400] =	vst v63  }
0x11a: {  	s11 =	sadd.s32 s4, s15;
	s14 =	sand.u32 $0x1FFFFFF0, s31;
	s15 =	spop (v2sf)  }
0x11b: {  	[tilespmem:s6], [sflag:$0x1] =	stream.linear.gather [hbm4b:s11+s2], $0x80, $0x38;
	(v2sf) =	vpush v0, $0xB;
	[tilespmem:$0x18400] =	vst v63  }
0x11c: {  	s6 =	sadd.s32 s4, s14;
	s11 =	sand.u32 $0x1FFFFFF0, s15;
	s14 =	spop (v2sf)  }
0x11d: {  	[tilespmem:s7], [sflag:$0x1] =	stream.linear.gather [hbm4b:s6+s2], $0x80, $0x38;
	(v2sf) =	vpush v0, $0xC;
	[tilespmem:$0x18400] =	vst v63  }
0x11e: {  	s6 =	sadd.s32 s4, s11;
	s7 =	sand.u32 $0x1FFFFFF0, s14;
	s11 =	spop (v2sf)  }
0x11f: {  	[tilespmem:s0], [sflag:$0x1] =	stream.linear.gather [hbm4b:s6+s2], $0x80, $0x38;
	(v2sf) =	vpush v0, $0xD;
	[tilespmem:$0x18400] =	vst v63  }
0x120: {  	s0 =	sadd.s32 s4, s7;
	s6 =	sand.u32 $0x1FFFFFF0, s11;
	s7 =	spop (v2sf)  }
0x121: {  	[tilespmem:s1], [sflag:$0x1] =	stream.linear.gather [hbm4b:s0+s2], $0x80, $0x38;
	(v2sf) =	vpush v0, $0xE;
	[tilespmem:$0x18400] =	vst v63  }
0x122: {  	s0 =	sadd.s32 s4, s6;
	s1 =	sand.u32 $0x1FFFFFF0, s7;
	s6 =	spop (v2sf)  }
0x123: {  	[tilespmem:s5], [sflag:$0x1] =	stream.linear.gather [hbm4b:s0+s2], $0x80, $0x38;
	(v2sf) =	vpush v0, $0xF;
	[tilespmem:$0x18400] =	vst v63  }
0x124: {  	s0 =	sadd.s32 s4, s1;
	s1 =	sand.u32 $0x1FFFFFF0, s6;
	s5 =	spop (v2sf)  }
0x125: {  	[tilespmem:s30], [sflag:$0x1] =	stream.linear.gather [hbm4b:s0+s2], $0x80, $0x38;
	[tilespmem:$0x18400] =	vst v63  }
0x126: {  	s0 =	sadd.s32 s4, s1;
	s1 =	sand.u32 $0x1FFFFFF0, s5;
	s5 =	spop (v2sf)  }
0x127: {  	[tilespmem:s29], [sflag:$0x1] =	stream.linear.gather [hbm4b:s0+s2], $0x80, $0x38;
	[tilespmem:$0x18400] =	vst v63  }
0x128: {  	s0 =	sadd.s32 s4, s1;
	s1 =	sand.u32 $0x1FFFFFF0, s5;
	s5 =	spop (v2sf)  }
0x129: {  	[tilespmem:s28], [sflag:$0x1] =	stream.linear.gather [hbm4b:s0+s2], $0x80, $0x38;
	[tilespmem:$0x18400] =	vst v63  }
0x12a: {  	s0 =	sadd.s32 s4, s1;
	s1 =	sand.u32 $0x1FFFFFF0, s5;
	s5 =	spop (v2sf)  }
0x12b: {  	[tilespmem:s26], [sflag:$0x1] =	stream.linear.gather [hbm4b:s0+s2], $0x80, $0x38;
	[tilespmem:$0x18400] =	vst v63  }
0x12c: {  	s0 =	sadd.s32 s4, s1;
	s1 =	sand.u32 $0x1FFFFFF0, s5;
	s5 =	spop (v2sf)  }
0x12d: {  	[tilespmem:s25], [sflag:$0x1] =	stream.linear.gather [hbm4b:s0+s2], $0x80, $0x38;
	[tilespmem:$0x18400] =	vst v63  }
0x12e: {  	s0 =	sadd.s32 s4, s1;
	s1 =	sand.u32 $0x1FFFFFF0, s5;
	s5 =	spop (v2sf)  }
0x12f: {  	[tilespmem:s24], [sflag:$0x1] =	stream.linear.gather [hbm4b:s0+s2], $0x80, $0x38;
	[tilespmem:$0x18400] =	vst v63  }
0x130: {  	s0 =	sadd.s32 s4, s1;
	s1 =	sand.u32 $0x1FFFFFF0, s5;
	s5 =	spop (v2sf)  }
0x131: {  	[tilespmem:s23], [sflag:$0x1] =	stream.linear.gather [hbm4b:s0+s2], $0x80, $0x38;
	[tilespmem:$0x18400] =	vst v63  }
0x132: {  	s0 =	sadd.s32 s4, s1;
	s1 =	sand.u32 $0x1FFFFFF0, s5;
	s5 =	spop (v2sf)  }
0x133: {  	[tilespmem:s22], [sflag:$0x1] =	stream.linear.gather [hbm4b:s0+s2], $0x80, $0x38;
	[tilespmem:$0x18400] =	vst v63  }
0x134: {  	s1 =	sadd.s32 s4, s1;
	s0 =	sadd.s32 $0x11300, s17;
	s5 =	sand.u32 $0x1FFFFFF0, s5  }
0x135: {  	[tilespmem:s0], [sflag:$0x1] =	stream.linear.gather [hbm4b:s1+s2], $0x80, $0x38;
	[tilespmem:$0x18400] =	vst v63  }
0x136: {  	s0 =	sadd.s32 s4, s5  }
0x137: {  	[tilespmem:s21], [sflag:$0x1] =	stream.linear.gather [hbm4b:s0+s2], $0x80, $0x38;
	[tilespmem:$0x18400] =	vst v63  }
0x138: {  	v0 =	vld [tilespmem:s18+$0xFFFFFFF0];
	_ =	sdelay $0x4  }
0x139: {  	v0 =	vshll.u32 v0, $0x4  }
0x13a: {  	(v2sf) =	vpush v0, $0x0  }
0x13b: {  	(v2sf) =	vpush v0, $0x1  }
0x13c: {  	(v2sf) =	vpush v0, $0x2;
	_ =	sdelay $0x1  }
0x13d: {  	(v2sf) =	vpush v0, $0x3  }
0x13e: {  	(v2sf) =	vpush v0, $0x4  }
.Ltmp1:
0x13f: {  	(pc) =	sbr.rel @p0 .LBB2_4-.Ltmp1, $3  }
0x140: {  	(v2sf) =	vpush v0, $0x5;
	_ =	sdelay $0x1  }
0x141: {  	(v2sf) =	vpush v0, $0x6  }
0x142: {  	s17 =	sshra.s32 s20, $0x2  }
0x143: {  	_ = 	snop  }
0x144: {  	s0 =	sadd.s32 $0x10480, s17;
	s1 =	sadd.s32 $0x10500, s17  }
0x145: {  	(v2sf) =	vpush v0, $0x7;
	s5 =	sadd.s32 $0x10680, s17;
	s20 =	sadd.s32 $0x10900, s17;
	s6 =	sadd.s32 $0x10700, s17  }
0x146: {  	s7 =	sadd.s32 $0x10780, s17;
	s11 =	sadd.s32 $0x10800, s17;
	s14 =	sadd.s32 $0x10400, s17  }
0x147: {  	s15 =	sadd.s32 $0x10880, s17;
	s19 =	sadd.s32 $0x10A00, s17;
	(v2sf) =	vpush v0, $0x8;
	s21 =	spop (v2sf)  }
0x148: {  	s22 =	sadd.s32 $0x10580, s17;
	s23 =	sadd.s32 $0x10980, s17;
	s21 =	sand.u32 $0x1FFFFFF0, s21  }
0x149: {  	s24 =	sadd.s32 $0x10600, s17;
	(v2sf) =	vpush v0, $0x9;
	s25 =	spop (v2sf);
	s21 =	sadd.s32 s4, s21  }
0x14a: {  	[tilespmem:s14], [sflag:$0x1] =	stream.linear.gather [hbm4b:s21+s2], $0x80, $0x38;
	[tilespmem:$0x18400] =	vst v63  }
0x14b: {  	s29 =	spop (v2sf);
	(v2sf) =	vpush v0, $0xA;
	s25 =	sand.u32 $0x1FFFFFF0, s25;
	s14 =	sadd.s32 $0x10A80, s17  }
0x14c: {  	s21 =	sand.u32 $0x1FFFFFF0, s29;
	s25 =	sadd.s32 s4, s25;
	s26 =	spop (v2sf)  }
0x14d: {  	(v2sf) =	vpush v0, $0xB;
	[tilespmem:s0], [sflag:$0x1] =	stream.linear.gather [hbm4b:s25+s2], $0x80, $0x38;
	[tilespmem:$0x18400] =	vst v63  }
0x14e: {  	s21 =	sadd.s32 s4, s21;
	s30 =	sand.u32 $0x1FFFFFF0, s26;
	s31 =	spop (v2sf)  }
0x14f: {  	(v2sf) =	vpush v0, $0xC;
	[tilespmem:s1], [sflag:$0x1] =	stream.linear.gather [hbm4b:s21+s2], $0x80, $0x38;
	[tilespmem:$0x18400] =	vst v63  }
0x150: {  	s25 =	sand.u32 $0x1FFFFFF0, s31;
	s0 =	sadd.s32 s4, s30;
	s26 =	spop (v2sf)  }
0x151: {  	(v2sf) =	vpush v0, $0xD;
	[tilespmem:s22], [sflag:$0x1] =	stream.linear.gather [hbm4b:s0+s2], $0x80, $0x38;
	[tilespmem:$0x18400] =	vst v63  }
0x152: {  	s1 =	sadd.s32 s4, s25;
	s28 =	sand.u32 $0x1FFFFFF0, s26;
	s29 =	spop (v2sf)  }
0x153: {  	(v2sf) =	vpush v0, $0xE;
	[tilespmem:s24], [sflag:$0x1] =	stream.linear.gather [hbm4b:s1+s2], $0x80, $0x38;
	[tilespmem:$0x18400] =	vst v63  }
0x154: {  	s0 =	sadd.s32 s4, s28;
	s30 =	sand.u32 $0x1FFFFFF0, s29;
	s31 =	spop (v2sf)  }
0x155: {  	(v2sf) =	vpush v0, $0xF;
	[tilespmem:s5], [sflag:$0x1] =	stream.linear.gather [hbm4b:s0+s2], $0x80, $0x38;
	[tilespmem:$0x18400] =	vst v63  }
0x156: {  	s1 =	sadd.s32 s4, s30;
	s22 =	sand.u32 $0x1FFFFFF0, s31;
	s24 =	spop (v2sf)  }
0x157: {  	[tilespmem:s6], [sflag:$0x1] =	stream.linear.gather [hbm4b:s1+s2], $0x80, $0x38;
	[tilespmem:$0x18400] =	vst v63  }
0x158: {  	s25 =	sand.u32 $0x1FFFFFF0, s24;
	s0 =	sadd.s32 s4, s22;
	s26 =	spop (v2sf)  }
0x159: {  	[tilespmem:s7], [sflag:$0x1] =	stream.linear.gather [hbm4b:s0+s2], $0x80, $0x38;
	[tilespmem:$0x18400] =	vst v63  }
0x15a: {  	s1 =	sadd.s32 s4, s25;
	s28 =	sand.u32 $0x1FFFFFF0, s26;
	s29 =	spop (v2sf)  }
0x15b: {  	[tilespmem:s11], [sflag:$0x1] =	stream.linear.gather [hbm4b:s1+s2], $0x80, $0x38;
	[tilespmem:$0x18400] =	vst v63  }
0x15c: {  	s0 =	sadd.s32 s4, s28;
	s30 =	sand.u32 $0x1FFFFFF0, s29;
	s31 =	spop (v2sf)  }
0x15d: {  	[tilespmem:s15], [sflag:$0x1] =	stream.linear.gather [hbm4b:s0+s2], $0x80, $0x38;
	[tilespmem:$0x18400] =	vst v63  }
0x15e: {  	s1 =	sadd.s32 s4, s30;
	s6 =	sand.u32 $0x1FFFFFF0, s31;
	s7 =	spop (v2sf)  }
0x15f: {  	[tilespmem:s20], [sflag:$0x1] =	stream.linear.gather [hbm4b:s1+s2], $0x80, $0x38;
	[tilespmem:$0x18400] =	vst v63  }
0x160: {  	s11 =	sand.u32 $0x1FFFFFF0, s7;
	s0 =	sadd.s32 s4, s6;
	s15 =	spop (v2sf)  }
0x161: {  	[tilespmem:s23], [sflag:$0x1] =	stream.linear.gather [hbm4b:s0+s2], $0x80, $0x38;
	[tilespmem:$0x18400] =	vst v63  }
0x162: {  	s20 =	sand.u32 $0x1FFFFFF0, s15;
	s21 =	spop (v2sf);
	s1 =	sadd.s32 s4, s11  }
0x163: {  	[tilespmem:s19], [sflag:$0x1] =	stream.linear.gather [hbm4b:s1+s2], $0x80, $0x38;
	[tilespmem:$0x18400] =	vst v63  }
0x164: {  	s22 =	sand.u32 $0x1FFFFFF0, s21;
	s0 =	sadd.s32 s4, s20;
	s23 =	spop (v2sf)  }
0x165: {  	[tilespmem:s14], [sflag:$0x1] =	stream.linear.gather [hbm4b:s0+s2], $0x80, $0x38;
	[tilespmem:$0x18400] =	vst v63  }
0x166: {  	s24 =	sadd.s32 $0x10B00, s17;
	s1 =	sadd.s32 s4, s22;
	s5 =	sand.u32 $0x1FFFFFF0, s23  }
0x167: {  	[tilespmem:s24], [sflag:$0x1] =	stream.linear.gather [hbm4b:s1+s2], $0x80, $0x38;
	[tilespmem:$0x18400] =	vst v63  }
0x168: {  	s25 =	sadd.s32 $0x10B80, s17;
	s26 =	sadd.s32 s4, s5  }
0x169: {  	[tilespmem:s25], [sflag:$0x1] =	stream.linear.gather [hbm4b:s26+s2], $0x80, $0x38;
	[tilespmem:$0x18400] =	vst v63  }
0x16a: {  	v0 =	vld [tilespmem:s18+$0x0];
	_ =	sdelay $0x4  }
0x16b: {  	v0 =	vshll.u32 v0, $0x4  }
0x16c: {  	(v2sf) =	vpush v0, $0x0  }
0x16d: {  	(v2sf) =	vpush v0, $0x1  }
0x16e: {  	(v2sf) =	vpush v0, $0x2;
	_ =	sdelay $0x1  }
0x16f: {  	(v2sf) =	vpush v0, $0x3;
	_ =	sdelay $0x1  }
0x170: {  	(v2sf) =	vpush v0, $0x4;
	_ =	sdelay $0x1  }
0x171: {  	(v2sf) =	vpush v0, $0x5;
	_ =	sdelay $0x1  }
0x172: {  	(v2sf) =	vpush v0, $0x6  }
0x173: {  	s29 =	sadd.s32 $0x10C00, s17;
	s6 =	sadd.s32 $0x10D80, s17  }
0x174: {  	s7 =	sadd.s32 $0x10E00, s17;
	s11 =	sadd.s32 $0x10E80, s17;
	s15 =	sadd.s32 $0x10D00, s17;
	(v2sf) =	vpush v0, $0x7  }
0x175: {  	s21 =	sadd.s32 $0x11100, s17;
	s20 =	sadd.s32 $0x11180, s17;
	s19 =	sadd.s32 $0x11200, s17  }
0x176: {  	s22 =	sadd.s32 $0x11080, s17;
	s5 =	sadd.s32 $0x11000, s17;
	s0 =	sadd.s32 $0x10F00, s17;
	(v2sf) =	vpush v0, $0x8  }
0x177: {  	s14 =	sadd.s32 $0x10C80, s17;
	s1 =	sadd.s32 $0x10F80, s17;
	s28 =	spop (v2sf)  }
0x178: {  	s18 =	sadd.s32 $0x11280, s17;
	(v2sf) =	vpush v0, $0x9;
	s23 =	sand.u32 $0x1FFFFFF0, s28;
	s30 =	spop (v2sf)  }
0x179: {  	s23 =	sadd.s32 s4, s23;
	s25 =	sand.u32 $0x1FFFFFF0, s30;
	s31 =	spop (v2sf)  }
0x17a: {  	(v2sf) =	vpush v0, $0xA;
	[tilespmem:s29], [sflag:$0x1] =	stream.linear.gather [hbm4b:s23+s2], $0x80, $0x38;
	[tilespmem:$0x18400] =	vst v63  }
0x17b: {  	s25 =	sadd.s32 s4, s25;
	s26 =	sand.u32 $0x1FFFFFF0, s31;
	s28 =	spop (v2sf)  }
0x17c: {  	(v2sf) =	vpush v0, $0xB;
	[tilespmem:s14], [sflag:$0x1] =	stream.linear.gather [hbm4b:s25+s2], $0x80, $0x38;
	[tilespmem:$0x18400] =	vst v63  }
0x17d: {  	s29 =	sadd.s32 s4, s26;
	s30 =	sand.u32 $0x1FFFFFF0, s28;
	s31 =	spop (v2sf)  }
0x17e: {  	(v2sf) =	vpush v0, $0xC;
	[tilespmem:s15], [sflag:$0x1] =	stream.linear.gather [hbm4b:s29+s2], $0x80, $0x38;
	[tilespmem:$0x18400] =	vst v63  }
0x17f: {  	s23 =	sand.u32 $0x1FFFFFF0, s31;
	s24 =	spop (v2sf);
	s15 =	sadd.s32 s4, s30  }
0x180: {  	(v2sf) =	vpush v0, $0xD;
	[tilespmem:s6], [sflag:$0x1] =	stream.linear.gather [hbm4b:s15+s2], $0x80, $0x38;
	[tilespmem:$0x18400] =	vst v63  }
0x181: {  	s25 =	sadd.s32 s4, s23;
	s26 =	sand.u32 $0x1FFFFFF0, s24;
	s28 =	spop (v2sf)  }
0x182: {  	(v2sf) =	vpush v0, $0xE;
	[tilespmem:s7], [sflag:$0x1] =	stream.linear.gather [hbm4b:s25+s2], $0x80, $0x38;
	[tilespmem:$0x18400] =	vst v63  }
0x183: {  	s29 =	sadd.s32 s4, s26;
	s30 =	sand.u32 $0x1FFFFFF0, s28;
	s31 =	spop (v2sf)  }
0x184: {  	(v2sf) =	vpush v0, $0xF;
	[tilespmem:s11], [sflag:$0x1] =	stream.linear.gather [hbm4b:s29+s2], $0x80, $0x38;
	[tilespmem:$0x18400] =	vst v63  }
0x185: {  	s14 =	spop (v2sf);
	s7 =	sadd.s32 s4, s30;
	s11 =	sand.u32 $0x1FFFFFF0, s31  }
0x186: {  	[tilespmem:s0], [sflag:$0x1] =	stream.linear.gather [hbm4b:s7+s2], $0x80, $0x38;
	[tilespmem:$0x18400] =	vst v63  }
0x187: {  	s23 =	sand.u32 $0x1FFFFFF0, s14;
	s15 =	sadd.s32 s4, s11;
	s24 =	spop (v2sf)  }
0x188: {  	[tilespmem:s1], [sflag:$0x1] =	stream.linear.gather [hbm4b:s15+s2], $0x80, $0x38;
	[tilespmem:$0x18400] =	vst v63  }
0x189: {  	s25 =	sadd.s32 s4, s23;
	s26 =	sand.u32 $0x1FFFFFF0, s24;
	s28 =	spop (v2sf)  }
0x18a: {  	[tilespmem:s5], [sflag:$0x1] =	stream.linear.gather [hbm4b:s25+s2], $0x80, $0x38;
	[tilespmem:$0x18400] =	vst v63  }
0x18b: {  	s29 =	sadd.s32 s4, s26;
	s30 =	sand.u32 $0x1FFFFFF0, s28;
	s31 =	spop (v2sf)  }
0x18c: {  	[tilespmem:s22], [sflag:$0x1] =	stream.linear.gather [hbm4b:s29+s2], $0x80, $0x38;
	[tilespmem:$0x18400] =	vst v63  }
0x18d: {  	s1 =	sadd.s32 s4, s30;
	s6 =	sand.u32 $0x1FFFFFF0, s31;
	s7 =	spop (v2sf)  }
0x18e: {  	[tilespmem:s21], [sflag:$0x1] =	stream.linear.gather [hbm4b:s1+s2], $0x80, $0x38;
	[tilespmem:$0x18400] =	vst v63  }
0x18f: {  	s11 =	sadd.s32 s4, s6;
	s14 =	sand.u32 $0x1FFFFFF0, s7;
	s15 =	spop (v2sf)  }
0x190: {  	[tilespmem:s20], [sflag:$0x1] =	stream.linear.gather [hbm4b:s11+s2], $0x80, $0x38;
	[tilespmem:$0x18400] =	vst v63  }
0x191: {  	s22 =	spop (v2sf);
	s21 =	sand.u32 $0x1FFFFFF0, s15;
	s20 =	sadd.s32 s4, s14  }
0x192: {  	[tilespmem:s19], [sflag:$0x1] =	stream.linear.gather [hbm4b:s20+s2], $0x80, $0x38;
	[tilespmem:$0x18400] =	vst v63  }
0x193: {  	s24 =	sand.u32 $0x1FFFFFF0, s22;
	s25 =	spop (v2sf);
	s23 =	sadd.s32 s4, s21  }
0x194: {  	[tilespmem:s18], [sflag:$0x1] =	stream.linear.gather [hbm4b:s23+s2], $0x80, $0x38;
	[tilespmem:$0x18400] =	vst v63  }
0x195: {  	s26 =	sadd.s32 $0x11300, s17;
	s1 =	sadd.s32 s4, s24;
	s5 =	sand.u32 $0x1FFFFFF0, s25  }
0x196: {  	[tilespmem:s26], [sflag:$0x1] =	stream.linear.gather [hbm4b:s1+s2], $0x80, $0x38;
	[tilespmem:$0x18400] =	vst v63  }
0x197: {  	s28 =	sadd.s32 $0x11380, s17;
	s29 =	sadd.s32 s4, s5  }
0x198: {  	[tilespmem:s28], [sflag:$0x1] =	stream.linear.gather [hbm4b:s29+s2], $0x80, $0x38;
	[tilespmem:$0x18400] =	vst v63  }
0x199: {  	_ =	swait.ge [sflag:s13], $0x18000  }
0x19a: {  	s30 =	simm.s32 $0x0;
	[sflag:s13] =	ssyncset.done $0x0  }
0x19b: {  	s0 =	sand.u32 $0xE0, s30;
	s31 =	rddreg [dreg:$0x6];
	[sflag:s13] =	ssyncadd.s32 $0xFFFE8000  }
0x19c: {  	[hbm4b:s31+s30] =	stream.linear.scatter [tilespmem:s12], [sflag:$0x1], $0x10000, $0x38;
	[tilespmem:$0x18400] =	vst v63  }
0x19d: {  	v0 =	vld [tilespmem:s0+$0x300];
	_ =	sdelay $0x4  }
0x19e: {  	v0 =	vshll.u32 v0, $0x4  }
0x19f: {  	(v2sf) =	vpush v0, $0x0  }
0x1a0: {  	(v2sf) =	vpush v0, $0x1  }
0x1a1: {  	(v2sf) =	vpush v0, $0x2;
	_ =	sdelay $0x1  }
0x1a2: {  	(v2sf) =	vpush v0, $0x4;
	_ =	sdelay $0x1  }
0x1a3: {  	(v2sf) =	vpush v0, $0x3  }
0x1a4: {  	s17 =	simm.s32 $0x0;
	(v2sf) =	vpush v0, $0x5  }
0x1a5: {  	s19 =	simm.s32 $0x4000;
	s20 =	simm.s32 $0x20;
	s18 =	simm.s32 $0x310;
	(v2sf) =	vpush v0, $0x6  }
.LBB2_6:
0x1a6: {  	p0 =	sne.s32 s19, $0x1C000  }
0x1a7: {  	s0 =	sadd.s32 $0x480, s17;
	s24 =	sadd.s32 $0x980, s17;
	s21 =	smov.u32 s19  }
0x1a8: {  	s19 =	sadd.s32 $0x4000, s19;
	s28 =	sadd.s32 $0x780, s17;
	s22 =	sadd.s32 $0xA00, s17;
	(v2sf) =	vpush v0, $0x7  }
0x1a9: {  	s30 =	sadd.s32 $0x680, s17;
	s26 =	sadd.s32 $0x800, s17;
	s23 =	sadd.s32 $0xA80, s17  }
0x1aa: {  	s1 =	sadd.s32 $0x400, s17;
	s5 =	sadd.s32 $0x600, s17;
	(v2sf) =	vpush v0, $0x8  }
0x1ab: {  	s6 =	sadd.s32 $0x700, s17  }
0x1ac: {  	s7 =	sadd.s32 $0x500, s17;
	s25 =	sadd.s32 $0x900, s17;
	s11 =	spop (v2sf);
	(v2sf) =	vpush v0, $0x9  }
0x1ad: {  	s29 =	sadd.s32 $0x880, s17;
	s11 =	sand.u32 $0x1FFFFFF0, s11;
	s14 =	spop (v2sf)  }
0x1ae: {  	s11 =	sadd.s32 s4, s11;
	s14 =	sand.u32 $0x1FFFFFF0, s14;
	s15 =	spop (v2sf);
	(v2sf) =	vpush v0, $0xA  }
0x1af: {  	[tilespmem:s1], [sflag:$0x1] =	stream.linear.gather [hbm4b:s11+s2], $0x80, $0x38;
	[tilespmem:$0x18400] =	vst v63  }
0x1b0: {  	s1 =	sadd.s32 s4, s14;
	s11 =	sadd.s32 $0x580, s17;
	s14 =	spop (v2sf);
	(v2sf) =	vpush v0, $0xB  }
0x1b1: {  	[tilespmem:s0], [sflag:$0x1] =	stream.linear.gather [hbm4b:s1+s2], $0x80, $0x38;
	[tilespmem:$0x18400] =	vst v63  }
0x1b2: {  	s0 =	sand.u32 $0x1FFFFFF0, s15;
	s1 =	sand.u32 $0x1FFFFFF0, s14;
	s14 =	spop (v2sf);
	(v2sf) =	vpush v0, $0xC  }
0x1b3: {  	s0 =	sadd.s32 s4, s0;
	s14 =	sand.u32 $0x1FFFFFF0, s14;
	s15 =	spop (v2sf)  }
0x1b4: {  	[tilespmem:s7], [sflag:$0x1] =	stream.linear.gather [hbm4b:s0+s2], $0x80, $0x38;
	(v2sf) =	vpush v0, $0xD;
	[tilespmem:$0x18400] =	vst v63  }
0x1b5: {  	s0 =	sadd.s32 s4, s14;
	s7 =	sand.u32 $0x1FFFFFF0, s15;
	s14 =	spop (v2sf)  }
0x1b6: {  	[tilespmem:s11], [sflag:$0x1] =	stream.linear.gather [hbm4b:s0+s2], $0x80, $0x38;
	(v2sf) =	vpush v0, $0xE;
	[tilespmem:$0x18400] =	vst v63  }
0x1b7: {  	s0 =	sadd.s32 s4, s1;
	s1 =	sand.u32 $0x1FFFFFF0, s14;
	s11 =	spop (v2sf)  }
0x1b8: {  	[tilespmem:s5], [sflag:$0x1] =	stream.linear.gather [hbm4b:s0+s2], $0x80, $0x38;
	(v2sf) =	vpush v0, $0xF;
	[tilespmem:$0x18400] =	vst v63  }
0x1b9: {  	s0 =	sadd.s32 s4, s7;
	s5 =	sand.u32 $0x1FFFFFF0, s11;
	s7 =	spop (v2sf)  }
0x1ba: {  	[tilespmem:s30], [sflag:$0x1] =	stream.linear.gather [hbm4b:s0+s2], $0x80, $0x38;
	[tilespmem:$0x18400] =	vst v63  }
0x1bb: {  	s0 =	sadd.s32 s4, s1;
	s1 =	sand.u32 $0x1FFFFFF0, s7;
	s7 =	spop (v2sf)  }
0x1bc: {  	[tilespmem:s6], [sflag:$0x1] =	stream.linear.gather [hbm4b:s0+s2], $0x80, $0x38;
	[tilespmem:$0x18400] =	vst v63  }
0x1bd: {  	s0 =	sadd.s32 s4, s5;
	s5 =	sand.u32 $0x1FFFFFF0, s7;
	s6 =	spop (v2sf)  }
0x1be: {  	[tilespmem:s28], [sflag:$0x1] =	stream.linear.gather [hbm4b:s0+s2], $0x80, $0x38;
	[tilespmem:$0x18400] =	vst v63  }
0x1bf: {  	s0 =	sadd.s32 s4, s1;
	s1 =	sand.u32 $0x1FFFFFF0, s6;
	s6 =	spop (v2sf)  }
0x1c0: {  	[tilespmem:s26], [sflag:$0x1] =	stream.linear.gather [hbm4b:s0+s2], $0x80, $0x38;
	[tilespmem:$0x18400] =	vst v63  }
0x1c1: {  	s0 =	sadd.s32 s4, s5;
	s5 =	sand.u32 $0x1FFFFFF0, s6;
	s6 =	spop (v2sf)  }
0x1c2: {  	[tilespmem:s29], [sflag:$0x1] =	stream.linear.gather [hbm4b:s0+s2], $0x80, $0x38;
	[tilespmem:$0x18400] =	vst v63  }
0x1c3: {  	s0 =	sadd.s32 s4, s1;
	s1 =	sand.u32 $0x1FFFFFF0, s6;
	s6 =	spop (v2sf)  }
0x1c4: {  	[tilespmem:s25], [sflag:$0x1] =	stream.linear.gather [hbm4b:s0+s2], $0x80, $0x38;
	[tilespmem:$0x18400] =	vst v63  }
0x1c5: {  	s0 =	sadd.s32 s4, s5;
	s5 =	sand.u32 $0x1FFFFFF0, s6;
	s6 =	spop (v2sf)  }
0x1c6: {  	[tilespmem:s24], [sflag:$0x1] =	stream.linear.gather [hbm4b:s0+s2], $0x80, $0x38;
	[tilespmem:$0x18400] =	vst v63  }
0x1c7: {  	s0 =	sadd.s32 s4, s1;
	s1 =	sand.u32 $0x1FFFFFF0, s6;
	s6 =	spop (v2sf)  }
0x1c8: {  	[tilespmem:s22], [sflag:$0x1] =	stream.linear.gather [hbm4b:s0+s2], $0x80, $0x38;
	[tilespmem:$0x18400] =	vst v63  }
0x1c9: {  	s0 =	sadd.s32 s4, s5;
	s5 =	sand.u32 $0x1FFFFFF0, s6  }
0x1ca: {  	[tilespmem:s23], [sflag:$0x1] =	stream.linear.gather [hbm4b:s0+s2], $0x80, $0x38;
	[tilespmem:$0x18400] =	vst v63  }
0x1cb: {  	s1 =	sadd.s32 s4, s1;
	s0 =	sadd.s32 $0xB00, s17  }
0x1cc: {  	[tilespmem:s0], [sflag:$0x1] =	stream.linear.gather [hbm4b:s1+s2], $0x80, $0x38;
	[tilespmem:$0x18400] =	vst v63  }
0x1cd: {  	s0 =	sadd.s32 $0xB80, s17;
	s1 =	sadd.s32 s4, s5  }
0x1ce: {  	[tilespmem:s0], [sflag:$0x1] =	stream.linear.gather [hbm4b:s1+s2], $0x80, $0x38;
	[tilespmem:$0x18400] =	vst v63  }
0x1cf: {  	v0 =	vld [tilespmem:s18+$0x0];
	_ =	sdelay $0x4  }
0x1d0: {  	v0 =	vshll.u32 v0, $0x4  }
0x1d1: {  	(v2sf) =	vpush v0, $0x0  }
0x1d2: {  	(v2sf) =	vpush v0, $0x1  }
0x1d3: {  	(v2sf) =	vpush v0, $0x2;
	_ =	sdelay $0x1  }
0x1d4: {  	(v2sf) =	vpush v0, $0x3;
	_ =	sdelay $0x1  }
0x1d5: {  	(v2sf) =	vpush v0, $0x4;
	_ =	sdelay $0x1  }
0x1d6: {  	(v2sf) =	vpush v0, $0x5;
	_ =	sdelay $0x1  }
0x1d7: {  	(v2sf) =	vpush v0, $0x6  }
0x1d8: {  	s22 =	sadd.s32 $0x1280, s17;
	s23 =	sadd.s32 $0x1200, s17;
	s18 =	sadd.s32 $0x20, s18  }
0x1d9: {  	s26 =	sadd.s32 $0x1080, s17;
	s25 =	sadd.s32 $0x1100, s17;
	s24 =	sadd.s32 $0x1180, s17;
	(v2sf) =	vpush v0, $0x7  }
0x1da: {  	s30 =	sadd.s32 $0xF00, s17;
	s28 =	sadd.s32 $0x1000, s17;
	s29 =	sadd.s32 $0xF80, s17  }
0x1db: {  	s5 =	sadd.s32 $0xE80, s17;
	s0 =	sadd.s32 $0xD80, s17;
	s1 =	sadd.s32 $0xE00, s17;
	(v2sf) =	vpush v0, $0x8  }
0x1dc: {  	s7 =	sadd.s32 $0xD00, s17;
	s6 =	sadd.s32 $0xC80, s17;
	s11 =	spop (v2sf)  }
0x1dd: {  	s14 =	sadd.s32 $0xC00, s17;
	s11 =	sand.u32 $0x1FFFFFF0, s11;
	s15 =	spop (v2sf);
	(v2sf) =	vpush v0, $0x9  }
0x1de: {  	s11 =	sadd.s32 s4, s11;
	s15 =	sand.u32 $0x1FFFFFF0, s15;
	s31 =	spop (v2sf)  }
0x1df: {  	[tilespmem:s14], [sflag:$0x1] =	stream.linear.gather [hbm4b:s11+s2], $0x80, $0x38;
	(v2sf) =	vpush v0, $0xA;
	[tilespmem:$0x18400] =	vst v63  }
0x1e0: {  	s11 =	sadd.s32 s4, s15;
	s14 =	sand.u32 $0x1FFFFFF0, s31;
	s15 =	spop (v2sf)  }
0x1e1: {  	[tilespmem:s6], [sflag:$0x1] =	stream.linear.gather [hbm4b:s11+s2], $0x80, $0x38;
	(v2sf) =	vpush v0, $0xB;
	[tilespmem:$0x18400] =	vst v63  }
0x1e2: {  	s6 =	sadd.s32 s4, s14;
	s11 =	sand.u32 $0x1FFFFFF0, s15;
	s14 =	spop (v2sf)  }
0x1e3: {  	[tilespmem:s7], [sflag:$0x1] =	stream.linear.gather [hbm4b:s6+s2], $0x80, $0x38;
	(v2sf) =	vpush v0, $0xC;
	[tilespmem:$0x18400] =	vst v63  }
0x1e4: {  	s6 =	sadd.s32 s4, s11;
	s7 =	sand.u32 $0x1FFFFFF0, s14;
	s11 =	spop (v2sf)  }
0x1e5: {  	[tilespmem:s0], [sflag:$0x1] =	stream.linear.gather [hbm4b:s6+s2], $0x80, $0x38;
	(v2sf) =	vpush v0, $0xD;
	[tilespmem:$0x18400] =	vst v63  }
0x1e6: {  	s0 =	sadd.s32 s4, s7;
	s6 =	sand.u32 $0x1FFFFFF0, s11;
	s7 =	spop (v2sf)  }
0x1e7: {  	[tilespmem:s1], [sflag:$0x1] =	stream.linear.gather [hbm4b:s0+s2], $0x80, $0x38;
	(v2sf) =	vpush v0, $0xE;
	[tilespmem:$0x18400] =	vst v63  }
0x1e8: {  	s0 =	sadd.s32 s4, s6;
	s1 =	sand.u32 $0x1FFFFFF0, s7;
	s6 =	spop (v2sf)  }
0x1e9: {  	[tilespmem:s5], [sflag:$0x1] =	stream.linear.gather [hbm4b:s0+s2], $0x80, $0x38;
	(v2sf) =	vpush v0, $0xF;
	[tilespmem:$0x18400] =	vst v63  }
0x1ea: {  	s0 =	sadd.s32 s4, s1;
	s1 =	sand.u32 $0x1FFFFFF0, s6;
	s5 =	spop (v2sf)  }
0x1eb: {  	[tilespmem:s30], [sflag:$0x1] =	stream.linear.gather [hbm4b:s0+s2], $0x80, $0x38;
	[tilespmem:$0x18400] =	vst v63  }
0x1ec: {  	s0 =	sadd.s32 s4, s1;
	s1 =	sand.u32 $0x1FFFFFF0, s5;
	s5 =	spop (v2sf)  }
0x1ed: {  	[tilespmem:s29], [sflag:$0x1] =	stream.linear.gather [hbm4b:s0+s2], $0x80, $0x38;
	[tilespmem:$0x18400] =	vst v63  }
0x1ee: {  	s0 =	sadd.s32 s4, s1;
	s1 =	sand.u32 $0x1FFFFFF0, s5;
	s5 =	spop (v2sf)  }
0x1ef: {  	[tilespmem:s28], [sflag:$0x1] =	stream.linear.gather [hbm4b:s0+s2], $0x80, $0x38;
	[tilespmem:$0x18400] =	vst v63  }
0x1f0: {  	s0 =	sadd.s32 s4, s1;
	s1 =	sand.u32 $0x1FFFFFF0, s5;
	s5 =	spop (v2sf)  }
0x1f1: {  	[tilespmem:s26], [sflag:$0x1] =	stream.linear.gather [hbm4b:s0+s2], $0x80, $0x38;
	[tilespmem:$0x18400] =	vst v63  }
0x1f2: {  	s0 =	sadd.s32 s4, s1;
	s1 =	sand.u32 $0x1FFFFFF0, s5;
	s5 =	spop (v2sf)  }
0x1f3: {  	[tilespmem:s25], [sflag:$0x1] =	stream.linear.gather [hbm4b:s0+s2], $0x80, $0x38;
	[tilespmem:$0x18400] =	vst v63  }
0x1f4: {  	s0 =	sadd.s32 s4, s1;
	s1 =	sand.u32 $0x1FFFFFF0, s5;
	s5 =	spop (v2sf)  }
0x1f5: {  	[tilespmem:s24], [sflag:$0x1] =	stream.linear.gather [hbm4b:s0+s2], $0x80, $0x38;
	[tilespmem:$0x18400] =	vst v63  }
0x1f6: {  	s0 =	sadd.s32 s4, s1;
	s1 =	sand.u32 $0x1FFFFFF0, s5;
	s5 =	spop (v2sf)  }
0x1f7: {  	[tilespmem:s23], [sflag:$0x1] =	stream.linear.gather [hbm4b:s0+s2], $0x80, $0x38;
	[tilespmem:$0x18400] =	vst v63  }
0x1f8: {  	s0 =	sadd.s32 s4, s1;
	s1 =	sand.u32 $0x1FFFFFF0, s5;
	s5 =	spop (v2sf)  }
0x1f9: {  	[tilespmem:s22], [sflag:$0x1] =	stream.linear.gather [hbm4b:s0+s2], $0x80, $0x38;
	[tilespmem:$0x18400] =	vst v63  }
0x1fa: {  	s1 =	sadd.s32 s4, s1;
	s0 =	sadd.s32 $0x1300, s17;
	s5 =	sand.u32 $0x1FFFFFF0, s5  }
0x1fb: {  	[tilespmem:s0], [sflag:$0x1] =	stream.linear.gather [hbm4b:s1+s2], $0x80, $0x38;
	[tilespmem:$0x18400] =	vst v63  }
0x1fc: {  	s5 =	sadd.s32 s4, s5;
	s0 =	sand.u32 $0xE0, s20;
	s1 =	sadd.s32 $0x1380, s17  }
0x1fd: {  	[tilespmem:s1], [sflag:$0x1] =	stream.linear.gather [hbm4b:s5+s2], $0x80, $0x38;
	[tilespmem:$0x18400] =	vst v63  }
0x1fe: {  	v0 =	vld [tilespmem:s0+$0x300];
	_ =	sdelay $0x4  }
0x1ff: {  	v0 =	vshll.u32 v0, $0x4  }
0x200: {  	(v2sf) =	vpush v0, $0x0  }
0x201: {  	(v2sf) =	vpush v0, $0x1  }
0x202: {  	(v2sf) =	vpush v0, $0x2;
	_ =	sdelay $0x1  }
0x203: {  	(v2sf) =	vpush v0, $0x4  }
.Ltmp2:
0x204: {  	(pc) =	sbr.rel @p0 .LBB2_6-.Ltmp2, $3  }
0x205: {  	(v2sf) =	vpush v0, $0x3  }
0x206: {  	(v2sf) =	vpush v0, $0x5;
	_ =	sdelay $0x1  }
0x207: {  	s17 =	sshra.s32 s21, $0x2;
	s20 =	sadd.s32 $0x20, s20;
	(v2sf) =	vpush v0, $0x6  }
0x208: {  	_ =	sdelay $0x5  }
0x209: {  	s0 =	spop (v2sf)  }
0x20a: {  	s1 =	spop (v2sf)  }
0x20b: {  	s25 =	spop (v2sf)  }
0x20c: {  	s29 =	spop (v2sf);
	(v2sf) =	vpush v0, $0x7  }
0x20d: {  	s0 =	sand.u32 $0x1FFFFFF0, s0  }
0x20e: {  	s5 =	sadd.s32 $0x400, s17;
	s0 =	sadd.s32 s4, s0  }
0x20f: {  	[tilespmem:s5], [sflag:$0x1] =	stream.linear.gather [hbm4b:s0+s2], $0x80, $0x38;
	[tilespmem:$0x18400] =	vst v63  }
0x210: {  	s1 =	sand.u32 $0x1FFFFFF0, s1;
	s30 =	spop (v2sf);
	(v2sf) =	vpush v0, $0x8  }
0x211: {  	s24 =	sadd.s32 $0x480, s17;
	s1 =	sadd.s32 s4, s1  }
0x212: {  	[tilespmem:s24], [sflag:$0x1] =	stream.linear.gather [hbm4b:s1+s2], $0x80, $0x38;
	[tilespmem:$0x18400] =	vst v63  }
0x213: {  	s26 =	sand.u32 $0x1FFFFFF0, s25;
	s7 =	spop (v2sf);
	(v2sf) =	vpush v0, $0x9  }
0x214: {  	s28 =	sadd.s32 $0x500, s17;
	s0 =	sadd.s32 s4, s26  }
0x215: {  	[tilespmem:s28], [sflag:$0x1] =	stream.linear.gather [hbm4b:s0+s2], $0x80, $0x38;
	[tilespmem:$0x18400] =	vst v63  }
0x216: {  	s0 =	sand.u32 $0x1FFFFFF0, s30;
	s14 =	spop (v2sf);
	(v2sf) =	vpush v0, $0xA  }
0x217: {  	s31 =	sadd.s32 $0x580, s17;
	s5 =	sand.u32 $0x1FFFFFF0, s29;
	s0 =	sadd.s32 s4, s0  }
0x218: {  	[tilespmem:s31], [sflag:$0x1] =	stream.linear.gather [hbm4b:s0+s2], $0x80, $0x38;
	[tilespmem:$0x18400] =	vst v63  }
0x219: {  	s6 =	sadd.s32 $0x600, s17;
	s0 =	sadd.s32 s4, s5  }
0x21a: {  	[tilespmem:s6], [sflag:$0x1] =	stream.linear.gather [hbm4b:s0+s2], $0x80, $0x38;
	[tilespmem:$0x18400] =	vst v63  }
0x21b: {  	s0 =	sand.u32 $0x1FFFFFF0, s7;
	s19 =	spop (v2sf);
	(v2sf) =	vpush v0, $0xB  }
0x21c: {  	s11 =	sadd.s32 $0x680, s17;
	s0 =	sadd.s32 s4, s0  }
0x21d: {  	[tilespmem:s11], [sflag:$0x1] =	stream.linear.gather [hbm4b:s0+s2], $0x80, $0x38;
	[tilespmem:$0x18400] =	vst v63  }
0x21e: {  	s0 =	sand.u32 $0x1FFFFFF0, s14  }
0x21f: {  	s15 =	sadd.s32 $0x700, s17;
	s0 =	sadd.s32 s4, s0;
	s21 =	spop (v2sf);
	(v2sf) =	vpush v0, $0xC  }
0x220: {  	[tilespmem:s15], [sflag:$0x1] =	stream.linear.gather [hbm4b:s0+s2], $0x80, $0x38;
	[tilespmem:$0x18400] =	vst v63  }
0x221: {  	s0 =	sand.u32 $0x1FFFFFF0, s19  }
0x222: {  	s20 =	sadd.s32 $0x780, s17;
	s0 =	sadd.s32 s4, s0;
	s23 =	spop (v2sf);
	(v2sf) =	vpush v0, $0xD  }
0x223: {  	[tilespmem:s20], [sflag:$0x1] =	stream.linear.gather [hbm4b:s0+s2], $0x80, $0x38;
	[tilespmem:$0x18400] =	vst v63  }
0x224: {  	s0 =	sand.u32 $0x1FFFFFF0, s21  }
0x225: {  	s22 =	sadd.s32 $0x800, s17;
	s0 =	sadd.s32 s4, s0;
	s25 =	spop (v2sf);
	(v2sf) =	vpush v0, $0xE  }
0x226: {  	[tilespmem:s22], [sflag:$0x1] =	stream.linear.gather [hbm4b:s0+s2], $0x80, $0x38;
	[tilespmem:$0x18400] =	vst v63  }
0x227: {  	s0 =	sand.u32 $0x1FFFFFF0, s23  }
0x228: {  	s24 =	sadd.s32 $0x880, s17;
	s0 =	sadd.s32 s4, s0  }
0x229: {  	[tilespmem:s24], [sflag:$0x1] =	stream.linear.gather [hbm4b:s0+s2], $0x80, $0x38;
	[tilespmem:$0x18400] =	vst v63  }
0x22a: {  	s0 =	sand.u32 $0x1FFFFFF0, s25;
	s28 =	spop (v2sf);
	(v2sf) =	vpush v0, $0xF  }
0x22b: {  	s26 =	sadd.s32 $0x900, s17;
	s0 =	sadd.s32 s4, s0  }
0x22c: {  	[tilespmem:s26], [sflag:$0x1] =	stream.linear.gather [hbm4b:s0+s2], $0x80, $0x38;
	[tilespmem:$0x18400] =	vst v63  }
0x22d: {  	s0 =	sand.u32 $0x1FFFFFF0, s28  }
0x22e: {  	s29 =	sadd.s32 $0x980, s17;
	s0 =	sadd.s32 s4, s0;
	s30 =	spop (v2sf)  }
0x22f: {  	[tilespmem:s29], [sflag:$0x1] =	stream.linear.gather [hbm4b:s0+s2], $0x80, $0x38;
	[tilespmem:$0x18400] =	vst v63  }
0x230: {  	s0 =	sand.u32 $0x1FFFFFF0, s30  }
0x231: {  	s31 =	sadd.s32 $0xA00, s17;
	s1 =	spop (v2sf);
	s0 =	sadd.s32 s4, s0  }
0x232: {  	[tilespmem:s31], [sflag:$0x1] =	stream.linear.gather [hbm4b:s0+s2], $0x80, $0x38;
	[tilespmem:$0x18400] =	vst v63  }
0x233: {  	s0 =	sand.u32 $0x1FFFFFF0, s1  }
0x234: {  	s5 =	sadd.s32 $0xA80, s17;
	s6 =	spop (v2sf);
	s0 =	sadd.s32 s4, s0  }
0x235: {  	[tilespmem:s5], [sflag:$0x1] =	stream.linear.gather [hbm4b:s0+s2], $0x80, $0x38;
	[tilespmem:$0x18400] =	vst v63  }
0x236: {  	s0 =	sand.u32 $0x1FFFFFF0, s6  }
0x237: {  	s7 =	sadd.s32 $0xB00, s17;
	s0 =	sadd.s32 s4, s0  }
0x238: {  	[tilespmem:s7], [sflag:$0x1] =	stream.linear.gather [hbm4b:s0+s2], $0x80, $0x38;
	[tilespmem:$0x18400] =	vst v63  }
0x239: {  	s11 =	spop (v2sf)  }
0x23a: {  	s0 =	sand.u32 $0x1FFFFFF0, s11  }
0x23b: {  	s14 =	sadd.s32 $0xB80, s17;
	s0 =	sadd.s32 s4, s0  }
0x23c: {  	[tilespmem:s14], [sflag:$0x1] =	stream.linear.gather [hbm4b:s0+s2], $0x80, $0x38;
	[tilespmem:$0x18400] =	vst v63  }
0x23d: {  	v63 =	vld [tilespmem:s18+$0x0];
	_ =	sdelay $0x4  }
0x23e: {  	v0 =	vshll.u32 v63, $0x4  }
0x23f: {  	(v2sf) =	vpush v0, $0x0;
	_ =	sdelay $0x1  }
0x240: {  	(v2sf) =	vpush v0, $0x1;
	_ =	sdelay $0x1  }
0x241: {  	(v2sf) =	vpush v0, $0x2;
	_ =	sdelay $0x2  }
0x242: {  	(v2sf) =	vpush v0, $0x3;
	_ =	sdelay $0x7  }
0x243: {  	s15 =	spop (v2sf);
	(v2sf) =	vpush v0, $0x4;
	_ =	sdelay $0x1  }
0x244: {  	s19 =	spop (v2sf);
	(v2sf) =	vpush v0, $0x5;
	_ =	sdelay $0x1  }
0x245: {  	s21 =	spop (v2sf);
	(v2sf) =	vpush v0, $0x6;
	_ =	sdelay $0x1  }
0x246: {  	s0 =	sand.u32 $0x1FFFFFF0, s15  }
0x247: {  	s18 =	sadd.s32 $0xC00, s17;
	s0 =	sadd.s32 s4, s0;
	s23 =	spop (v2sf);
	(v2sf) =	vpush v0, $0x7  }
0x248: {  	[tilespmem:s18], [sflag:$0x1] =	stream.linear.gather [hbm4b:s0+s2], $0x80, $0x38;
	[tilespmem:$0x18400] =	vst v63  }
0x249: {  	s0 =	sand.u32 $0x1FFFFFF0, s19  }
0x24a: {  	s20 =	sadd.s32 $0xC80, s17;
	s0 =	sadd.s32 s4, s0  }
0x24b: {  	[tilespmem:s20], [sflag:$0x1] =	stream.linear.gather [hbm4b:s0+s2], $0x80, $0x38;
	[tilespmem:$0x18400] =	vst v63  }
0x24c: {  	s0 =	sand.u32 $0x1FFFFFF0, s21  }
0x24d: {  	s22 =	sadd.s32 $0xD00, s17;
	s0 =	sadd.s32 s4, s0  }
0x24e: {  	[tilespmem:s22], [sflag:$0x1] =	stream.linear.gather [hbm4b:s0+s2], $0x80, $0x38;
	[tilespmem:$0x18400] =	vst v63  }
0x24f: {  	s25 =	spop (v2sf);
	(v2sf) =	vpush v0, $0x8  }
0x250: {  	s0 =	sand.u32 $0x1FFFFFF0, s23  }
0x251: {  	s24 =	sadd.s32 $0xD80, s17;
	s0 =	sadd.s32 s4, s0;
	s28 =	spop (v2sf);
	(v2sf) =	vpush v0, $0x9  }
0x252: {  	[tilespmem:s24], [sflag:$0x1] =	stream.linear.gather [hbm4b:s0+s2], $0x80, $0x38;
	[tilespmem:$0x18400] =	vst v63  }
0x253: {  	s0 =	sand.u32 $0x1FFFFFF0, s25;
	s30 =	spop (v2sf);
	(v2sf) =	vpush v0, $0xA  }
0x254: {  	s26 =	sadd.s32 $0xE00, s17;
	s0 =	sadd.s32 s4, s0  }
0x255: {  	[tilespmem:s26], [sflag:$0x1] =	stream.linear.gather [hbm4b:s0+s2], $0x80, $0x38;
	[tilespmem:$0x18400] =	vst v63  }
0x256: {  	s5 =	spop (v2sf);
	(v2sf) =	vpush v0, $0xB  }
0x257: {  	s0 =	sand.u32 $0x1FFFFFF0, s28  }
0x258: {  	s29 =	sadd.s32 $0xE80, s17;
	s0 =	sadd.s32 s4, s0  }
0x259: {  	[tilespmem:s29], [sflag:$0x1] =	stream.linear.gather [hbm4b:s0+s2], $0x80, $0x38;
	[tilespmem:$0x18400] =	vst v63  }
0x25a: {  	s0 =	sand.u32 $0x1FFFFFF0, s30  }
0x25b: {  	s31 =	sadd.s32 $0xF00, s17;
	s0 =	sadd.s32 s4, s0  }
0x25c: {  	[tilespmem:s31], [sflag:$0x1] =	stream.linear.gather [hbm4b:s0+s2], $0x80, $0x38;
	[tilespmem:$0x18400] =	vst v63  }
0x25d: {  	s0 =	sand.u32 $0x1FFFFFF0, s5  }
0x25e: {  	s6 =	sadd.s32 $0xF80, s17;
	s0 =	sadd.s32 s4, s0;
	s7 =	spop (v2sf);
	(v2sf) =	vpush v0, $0xC  }
0x25f: {  	[tilespmem:s6], [sflag:$0x1] =	stream.linear.gather [hbm4b:s0+s2], $0x80, $0x38;
	[tilespmem:$0x18400] =	vst v63  }
0x260: {  	s14 =	spop (v2sf);
	(v2sf) =	vpush v0, $0xD  }
0x261: {  	s0 =	sand.u32 $0x1FFFFFF0, s7  }
0x262: {  	s11 =	sadd.s32 $0x1000, s17;
	s0 =	sadd.s32 s4, s0;
	s18 =	spop (v2sf)  }
0x263: {  	(v2sf) =	vpush v0, $0xE;
	[tilespmem:s11], [sflag:$0x1] =	stream.linear.gather [hbm4b:s0+s2], $0x80, $0x38;
	[tilespmem:$0x18400] =	vst v63  }
0x264: {  	s0 =	sand.u32 $0x1FFFFFF0, s14  }
0x265: {  	s15 =	sadd.s32 $0x1080, s17;
	s20 =	spop (v2sf);
	s0 =	sadd.s32 s4, s0  }
0x266: {  	(v2sf) =	vpush v0, $0xF;
	[tilespmem:s15], [sflag:$0x1] =	stream.linear.gather [hbm4b:s0+s2], $0x80, $0x38;
	[tilespmem:$0x18400] =	vst v63  }
0x267: {  	s0 =	sand.u32 $0x1FFFFFF0, s18  }
0x268: {  	s19 =	sadd.s32 $0x1100, s17;
	s0 =	sadd.s32 s4, s0  }
0x269: {  	[tilespmem:s19], [sflag:$0x1] =	stream.linear.gather [hbm4b:s0+s2], $0x80, $0x38;
	[tilespmem:$0x18400] =	vst v63  }
0x26a: {  	s0 =	sand.u32 $0x1FFFFFF0, s20  }
0x26b: {  	s21 =	sadd.s32 $0x1180, s17;
	s0 =	sadd.s32 s4, s0  }
0x26c: {  	[tilespmem:s21], [sflag:$0x1] =	stream.linear.gather [hbm4b:s0+s2], $0x80, $0x38;
	[tilespmem:$0x18400] =	vst v63  }
0x26d: {  	s22 =	spop (v2sf)  }
0x26e: {  	s0 =	sand.u32 $0x1FFFFFF0, s22  }
0x26f: {  	s23 =	sadd.s32 $0x1200, s17;
	s24 =	spop (v2sf);
	s0 =	sadd.s32 s4, s0  }
0x270: {  	[tilespmem:s23], [sflag:$0x1] =	stream.linear.gather [hbm4b:s0+s2], $0x80, $0x38;
	[tilespmem:$0x18400] =	vst v63  }
0x271: {  	s0 =	sand.u32 $0x1FFFFFF0, s24  }
0x272: {  	s25 =	sadd.s32 $0x1280, s17;
	s26 =	spop (v2sf);
	s0 =	sadd.s32 s4, s0  }
0x273: {  	[tilespmem:s25], [sflag:$0x1] =	stream.linear.gather [hbm4b:s0+s2], $0x80, $0x38;
	[tilespmem:$0x18400] =	vst v63  }
0x274: {  	s0 =	sand.u32 $0x1FFFFFF0, s26  }
0x275: {  	s28 =	sadd.s32 $0x1300, s17;
	s29 =	spop (v2sf);
	s0 =	sadd.s32 s4, s0  }
0x276: {  	[tilespmem:s28], [sflag:$0x1] =	stream.linear.gather [hbm4b:s0+s2], $0x80, $0x38;
	[tilespmem:$0x18400] =	vst v63  }
0x277: {  	s0 =	sand.u32 $0x1FFFFFF0, s29  }
0x278: {  	s30 =	sadd.s32 $0x1380, s17;
	s0 =	sadd.s32 s4, s0  }
0x279: {  	[tilespmem:s30], [sflag:$0x1] =	stream.linear.gather [hbm4b:s0+s2], $0x80, $0x38;
	[tilespmem:$0x18400] =	vst v63  }
0x27a: {  	_ =	swait.ge [sflag:s13], $0x10000  }
0x27b: {  	[sflag:s13] =	ssyncset.done $0x0  }
0x27c: {  	[sflag:s13] =	ssyncadd.s32 $0xFFFF0000  }
0x27d: {  	_ =	swait.ge [sflag:s13], $0x8000  }
0x27e: {  	[sflag:s13] =	ssyncset.done $0x0  }
0x27f: {  	s31 =	simm.s32 $0x10400;
	[sflag:s13] =	ssyncadd.s32 $0xFFFF8000  }
0x280: {  	[hbm4b:s8+s2] =	stream.linear.scatter [tilespmem:s31], [sflag:$0x1], $0x8000, $0x38;
	[tilespmem:$0x18400] =	vst v63  }
0x281: {  	s16 =	sadd.s32 $0x1, s16;
	_ =	swait.ge [sflag:s13], $0x8000  }
0x282: {  	p0 =	sne.s32 s16, s10;
	[sflag:s13] =	ssyncset.done $0x0  }
.Ltmp3:
0x283: {  	[sflag:s13] =	ssyncadd.s32 $0xFFFF8000;
	(pc) =	sbr.rel @p0 .LBB2_1-.Ltmp3, $4  }
0x284: {  	[hbm4b:s9+s2] =	stream.linear.scatter [tilespmem:s12], [sflag:$0x1], $0x8000, $0x38;
	[tilespmem:$0x18400] =	vst v63  }
0x285: {  	_ =	swait.ge [sflag:s13], $0x8000  }
0x286: {  	[sflag:s13] =	ssyncset.done $0x0  }
0x287: {  	[sflag:s13] =	ssyncadd.s32 $0xFFFF8000  }
0x288: {  	_ =	sfence.sel $0x180000  }
0x289: {  	[bflag:$0x0] =	sbarrier.arrive $0xFFFF  }
0x28a: {  	_ =	strace $0x90000047  }
0x28b: {  	s0 =	stileid.u32;
	[bflag:$0x2] =	sbarrier.arrive $0xFFFF  }
0x28c: {  	p0 =	sne.s32 s0, $0x0;
	s0 =	rddreg [dreg:$0x3]  }
0x28d: {  	s0 =	sadd.s32 @!p0 $0x100000, s0  }
0x28e: {  	[sflag:s0] =	ssyncadd.tile.s32 @!p0 $0x1;
	_ =	shalt  }
.Lfunc_end2:
_tile_overlayer_lowered:
.L_overlay_start_2:
0x28f: {  	(tag) =	ssettag $0x2  }
0x290: {  	s0 =	rddreg [dreg:$0x0];
	s2 =	stileid.u32  }
0x291: {  	s1 =	rddreg [dreg:$0x1];
	p0 =	sne.s32 s2, $0x0  }
0x292: {  	s3 =	rddreg [dreg:$0x2];
	[bflag:$0x3] =	sbarrier.arrive $0xFFFF;
	s2 =	simm.s32 @!p0 $0x1C02  }
0x293: {  	[timem:s3], [sflag:s2] =	dma.local @!p0 [hbm:s0], s1  }
0x294: {  	s0 =	simm.s32 @!p0 $0x2  }
0x295: {  	_ =	swait.ge @!p0 [sflag:s0], s1  }
0x296: {  	s1 =	ssub.s32 @!p0 $0x0, s1;
	[sflag:s0] =	ssyncset.done @!p0 $0x0  }
0x297: {  	[sflag:s0] =	ssyncadd.s32 @!p0 s1  }
0x298: {  	[bflag:$0x3] =	sbarrier.arrive $0xFFFF  }
0x299: {  	_ =	shalt  }

</sc_bundles>
